<compile_context>
chip_gen: v7x
topology: tpu7x:2x2x1
jax: 0.10.2.dev20260603
libtpu: 0.0.44.dev20260713+nightly
codegen_flags: <defaults>
</compile_context>

<pallas_src>
import dataclasses
import functools

import jax
import jax.numpy as jnp
from jax import lax
from jax.experimental import pallas as pl
from jax.experimental.pallas import tpu as pltpu
from jax.experimental.pallas import tpu_sc as plsc

N = 1024
E = 32768
SDIM = 256
VDIM = 64
EDGE_DIM = 16
NUM_GRAPHS = 32

NKEYS = N * N
NW = 32
RANGE = NKEYS // NW
EW = E // NW
CHUNK = 128
KEY_CHUNK = 2048
NSENT = 128

_sc_mesh = plsc.VectorSubcoreMesh(core_axis_name="c", subcore_axis_name="s")


def _sc_params(tc_tiling):
    cp = pltpu.CompilerParams()
    fields = pltpu.CompilerParams.__dataclass_fields__
    if "needs_layout_passes" in fields:
        cp = dataclasses.replace(cp, needs_layout_passes=False)
    if "use_tc_tiling_on_sc" in fields:
        cp = dataclasses.replace(cp, use_tc_tiling_on_sc=tc_tiling)
    return cp


def _node_body(s_ref, v0_ref, v1_ref, v2_ref, p16_ref, b_ref, Ws_ref, bs_ref,
               Wc_ref, Wa_ref, ba_ref, s1_ref, atoms_ref, c16_ref):
    f32 = jnp.float32
    s1 = jax.nn.silu(
        jnp.dot(s_ref[...], Ws_ref[...], preferred_element_type=f32)
        + bs_ref[...])
    s1_ref[...] = s1
    atoms_ref[...] = (
        jnp.dot(s1, Wa_ref[...], preferred_element_type=f32) + ba_ref[...])

    Wc = Wc_ref[...]
    c3 = jnp.concatenate(
        [jnp.dot(v0_ref[...], Wc, preferred_element_type=f32),
         jnp.dot(v1_ref[...], Wc, preferred_element_type=f32),
         jnp.dot(v2_ref[...], Wc, preferred_element_type=f32),
         jnp.zeros((N, 13), f32)], axis=1)
    c16 = c3 + p16_ref[...]
    iota = lax.broadcasted_iota(jnp.int32, (N, NUM_GRAPHS), 1)
    oh = (b_ref[...] == iota).astype(f32)
    ones = jnp.ones((N, 1), f32)
    seg = lax.dot_general(oh, c16, (((0,), (0,)), ((), ())),
                          preferred_element_type=f32)
    cnt = lax.dot_general(oh, ones, (((0,), (0,)), ((), ())),
                          preferred_element_type=f32)
    mean = seg / jnp.maximum(cnt, 1.0)
    c16_ref[...] = c16 - jnp.dot(oh, mean, preferred_element_type=f32)


def _node_kernel(s, v0, v1, v2, p16, batch2, W_shared, b_shared, W_coords,
                 W_atoms, b_atoms):
    f32 = jnp.float32
    return pl.pallas_call(
        _node_body,
        out_shape=(
            jax.ShapeDtypeStruct((N, SDIM), f32),
            jax.ShapeDtypeStruct((N, 16), f32),
            jax.ShapeDtypeStruct((N, 16), f32),
        ),
    )(s, v0, v1, v2, p16, batch2, W_shared, b_shared, W_coords, W_atoms,
      b_atoms)


def _table_body(key_hbm, neg1_hbm, table_hbm, tab, kb0, kb1, sem0, sem1):
    wid = lax.axis_index("s") * 2 + lax.axis_index("c")
    pltpu.sync_copy(neg1_hbm, tab)
    iota = lax.broadcasted_iota(jnp.int32, (16,), 0)

    def start_load(c0, kb, sem):
        pltpu.async_copy(key_hbm.at[pl.ds(c0, KEY_CHUNK)], kb, sem)

    def wait_load(kb, sem):
        pltpu.make_async_copy(key_hbm.at[pl.ds(0, KEY_CHUNK)], kb, sem).wait()

    def process(c0, kb):
        @pl.loop(0, KEY_CHUNK, step=128)
        def _vreg(t):
            for u in range(0, 128, 16):
                key = kb[pl.ds(t + u, 16)]
                inr = lax.shift_right_logical(key, 15) == wid
                _, keep = plsc.scan_count(key)
                m = jnp.logical_and(inr, keep)
                idx = jnp.bitwise_and(key, RANGE - 1)
                kvec = c0 + t + u + iota
                plsc.store_scatter(tab, [idx], kvec, mask=m)

    start_load(0, kb0, sem0)

    @pl.loop(0, E, step=2 * KEY_CHUNK)
    def _chunk(c0):
        wait_load(kb0, sem0)

        @pl.when(c0 + KEY_CHUNK < E)
        def _():
            start_load(c0 + KEY_CHUNK, kb1, sem1)

        process(c0, kb0)
        wait_load(kb1, sem1)

        @pl.when(c0 + 2 * KEY_CHUNK < E)
        def _():
            start_load(c0 + 2 * KEY_CHUNK, kb0, sem0)

        process(c0 + KEY_CHUNK, kb1)

    pltpu.sync_copy(tab, table_hbm.at[pl.ds(wid * RANGE, RANGE)])


def _build_table(key, neg1):
    i32 = jnp.int32
    kern = pl.kernel(
        _table_body,
        out_type=jax.ShapeDtypeStruct((NKEYS,), i32),
        mesh=_sc_mesh,
        scratch_types=[
            pltpu.VMEM((RANGE,), i32),
            pltpu.VMEM((KEY_CHUNK,), i32),
            pltpu.VMEM((KEY_CHUNK,), i32),
            pltpu.SemaphoreType.DMA,
            pltpu.SemaphoreType.DMA,
        ],
        compiler_params=_sc_params(False),
    )
    return kern(key, neg1)


def _esym_body(j_hbm, i_hbm, key_hbm, rkey_hbm, tab_hbm, e17_hbm, c16_hbm,
               esym_hbm, cdiff_hbm,
               jb, ib, keyb, rkeyb, fwdb, bwdb, ef, eb, cif, cjf,
               shr_c, csem, tsem, esem, ssem):
    cid = lax.axis_index("c")
    sid = lax.axis_index("s")
    wid = sid * 2 + cid
    e0 = wid * EW

    @pl.when(sid == 0)
    def _():
        pltpu.sync_copy(c16_hbm, shr_c)

    pltpu.sync_copy(j_hbm.at[pl.ds(e0, EW)], jb)
    pltpu.sync_copy(i_hbm.at[pl.ds(e0, EW)], ib)
    pltpu.sync_copy(key_hbm.at[pl.ds(e0, EW)], keyb)
    pltpu.sync_copy(rkey_hbm.at[pl.ds(e0, EW)], rkeyb)
    iota = lax.broadcasted_iota(jnp.int32, (16,), 0)
    plsc.subcore_barrier()

    ccps = []
    for c0 in range(0, EW, CHUNK):
        ccps.append(pltpu.async_copy(
            shr_c.at[ib.at[pl.ds(c0, CHUNK)]],
            cif.at[pl.ds(c0, CHUNK)], csem))
        ccps.append(pltpu.async_copy(
            shr_c.at[jb.at[pl.ds(c0, CHUNK)]],
            cjf.at[pl.ds(c0, CHUNK)], csem))

    tcps = []
    for c0 in range(0, EW, CHUNK):
        tcps.append(pltpu.async_copy(
            tab_hbm.at[keyb.at[pl.ds(c0, CHUNK)]],
            fwdb.at[pl.ds(c0, CHUNK)], tsem))
        tcps.append(pltpu.async_copy(
            tab_hbm.at[rkeyb.at[pl.ds(c0, CHUNK)]],
            bwdb.at[pl.ds(c0, CHUNK)], tsem))
    for cp in tcps:
        cp.wait()

    @pl.loop(0, EW, step=16)
    def _fix(t):
        b = bwdb[pl.ds(t, 16)]
        sent = E + jnp.bitwise_and(t + iota, NSENT - 1)
        bwdb[pl.ds(t, 16)] = jnp.where(b < 0, sent, b)

    ecps = []
    for c0 in range(0, EW, CHUNK):
        ecps.append(pltpu.async_copy(
            e17_hbm.at[fwdb.at[pl.ds(c0, CHUNK)]],
            ef.at[pl.ds(c0, CHUNK)], esem))
        ecps.append(pltpu.async_copy(
            e17_hbm.at[bwdb.at[pl.ds(c0, CHUNK)]],
            eb.at[pl.ds(c0, CHUNK)], esem))
    for cp in ecps:
        cp.wait()
    for cp in ccps:
        cp.wait()

    @pl.loop(0, EW, step=4)
    def _row(r):
        for u in range(4):
            ef[r + u] = (ef[r + u] + eb[r + u]) * 0.5
            cif[r + u] = cif[r + u] - cjf[r + u]

    pltpu.async_copy(ef, esym_hbm.at[pl.ds(e0, EW)], ssem)
    pltpu.async_copy(cif, cdiff_hbm.at[pl.ds(e0, EW)], ssem)
    pltpu.make_async_copy(ef, esym_hbm.at[pl.ds(e0, EW)], ssem).wait()
    pltpu.make_async_copy(cif, cdiff_hbm.at[pl.ds(e0, EW)], ssem).wait()


def _esym_kernel(j, i, key, rkey, table, e17, c16):
    f32 = jnp.float32
    i32 = jnp.int32
    kern = pl.kernel(
        _esym_body,
        out_type=(
            jax.ShapeDtypeStruct((E, EDGE_DIM), f32),
            jax.ShapeDtypeStruct((E, EDGE_DIM), f32),
        ),
        mesh=_sc_mesh,
        scratch_types=[
            pltpu.VMEM((EW,), i32),
            pltpu.VMEM((EW,), i32),
            pltpu.VMEM((EW,), i32),
            pltpu.VMEM((EW,), i32),
            pltpu.VMEM((EW,), i32),
            pltpu.VMEM((EW,), i32),
            pltpu.VMEM((EW, EDGE_DIM), f32),
            pltpu.VMEM((EW, EDGE_DIM), f32),
            pltpu.VMEM((EW, EDGE_DIM), f32),
            pltpu.VMEM((EW, EDGE_DIM), f32),
            pltpu.VMEM_SHARED((N, EDGE_DIM), f32),
            pltpu.SemaphoreType.DMA,
            pltpu.SemaphoreType.DMA,
            pltpu.SemaphoreType.DMA,
            pltpu.SemaphoreType.DMA,
        ],
        compiler_params=_sc_params(False),
    )
    return kern(j, i, key, rkey, table, e17, c16)


def _sgather_body(j_hbm, i_hbm, s1_hbm, s1i_hbm, s1j_hbm,
                  jb, ib, sa, sb, sa2, sb2, shr, gsem, ssem):
    cid = lax.axis_index("c")
    sid = lax.axis_index("s")
    wid = sid * 2 + cid
    e0 = wid * EW

    @pl.when(sid == 0)
    def _():
        pltpu.sync_copy(s1_hbm, shr)

    pltpu.sync_copy(j_hbm.at[pl.ds(e0, EW)], jb)
    pltpu.sync_copy(i_hbm.at[pl.ds(e0, EW)], ib)
    plsc.subcore_barrier()
    SUB = 128

    @pl.loop(0, EW, step=2 * SUB)
    def _chunk(c0):
        cps = [
            pltpu.async_copy(shr.at[ib.at[pl.ds(c0, SUB)]], sa, gsem),
            pltpu.async_copy(shr.at[jb.at[pl.ds(c0, SUB)]], sb, gsem),
            pltpu.async_copy(shr.at[ib.at[pl.ds(c0 + SUB, SUB)]], sa2,
                             gsem),
            pltpu.async_copy(shr.at[jb.at[pl.ds(c0 + SUB, SUB)]], sb2,
                             gsem),
        ]
        for cp in cps:
            cp.wait()
        outs = [
            pltpu.async_copy(sa, s1i_hbm.at[pl.ds(e0 + c0, SUB)], ssem),
            pltpu.async_copy(sb, s1j_hbm.at[pl.ds(e0 + c0, SUB)], ssem),
            pltpu.async_copy(sa2, s1i_hbm.at[pl.ds(e0 + c0 + SUB, SUB)],
                             ssem),
            pltpu.async_copy(sb2, s1j_hbm.at[pl.ds(e0 + c0 + SUB, SUB)],
                             ssem),
        ]
        for cp in outs:
            cp.wait()


def _sgather_kernel(j, i, s1p):
    i32 = jnp.int32
    HD = SDIM // 2
    kern = pl.kernel(
        _sgather_body,
        out_type=(
            jax.ShapeDtypeStruct((E, HD), i32),
            jax.ShapeDtypeStruct((E, HD), i32),
        ),
        mesh=_sc_mesh,
        scratch_types=[
            pltpu.VMEM((EW,), i32),
            pltpu.VMEM((EW,), i32),
            pltpu.VMEM((128, HD), i32),
            pltpu.VMEM((128, HD), i32),
            pltpu.VMEM((128, HD), i32),
            pltpu.VMEM((128, HD), i32),
            pltpu.VMEM_SHARED((N, HD), i32),
            pltpu.SemaphoreType.DMA,
            pltpu.SemaphoreType.DMA,
        ],
        compiler_params=_sc_params(True),
    )
    return kern(j, i, s1p)


def _unpack_bf16_pair(x_i32):
    bf = jnp.bfloat16
    lo = lax.bitcast_convert_type(x_i32.astype(jnp.uint32).astype(jnp.uint16),
                                  bf)
    hi = lax.bitcast_convert_type(
        lax.shift_right_logical(x_i32.astype(jnp.uint32),
                                jnp.uint32(16)).astype(jnp.uint16), bf)
    return lo, hi


def _edge_body(s1ip_ref, s1jp_ref, esym_ref, cdiff_ref, Wb_ref,
               bb_ref, W0a_ref, w0d_ref, b0_ref, W1_ref, b1_ref, out_ref):
    f32 = jnp.float32
    bf = jnp.bfloat16
    HD = SDIM // 2
    ilo, ihi = _unpack_bf16_pair(s1ip_ref[...])
    jlo, jhi = _unpack_bf16_pair(s1jp_ref[...])
    g = (jnp.dot(esym_ref[...].astype(bf), Wb_ref[...],
                 preferred_element_type=f32) + bb_ref[...])
    f_lo = ilo + jlo + g[:, :HD].astype(bf)
    f_hi = ihi + jhi + g[:, HD:].astype(bf)
    cd = cdiff_ref[...]
    d = jnp.dot(cd * cd, jnp.ones((EDGE_DIM, 1), f32),
                preferred_element_type=f32)
    h = jax.nn.silu(
        jnp.dot(f_lo, W0a_ref[:HD, :], preferred_element_type=f32)
        + jnp.dot(f_hi, W0a_ref[HD:, :], preferred_element_type=f32)
        + d * w0d_ref[...] + b0_ref[...])
    out_ref[...] = (
        jnp.dot(h.astype(bf), W1_ref[...], preferred_element_type=f32)
        + b1_ref[...])


def _edge_kernel(s1ip, s1jp, esym, cdiff, W_bond, b_bond, W0a, w0d,
                 b_b0, W_b1, b_b1):
    f32 = jnp.float32
    EB = 4096
    HD = SDIM // 2
    grid = (E // EB,)
    row_spec = lambda w: pl.BlockSpec((EB, w), lambda g: (g, 0))
    full = lambda a, b: pl.BlockSpec((a, b), lambda g: (0, 0))
    return pl.pallas_call(
        _edge_body,
        grid=grid,
        in_specs=[
            row_spec(HD), row_spec(HD), row_spec(EDGE_DIM),
            row_spec(EDGE_DIM),
            full(EDGE_DIM, SDIM), full(1, SDIM),
            full(SDIM, SDIM), full(1, SDIM), full(1, SDIM),
            full(SDIM, 5), full(1, 5),
        ],
        out_specs=pl.BlockSpec((EB, 5), lambda g: (g, 0)),
        out_shape=jax.ShapeDtypeStruct((E, 5), f32),
    )(s1ip, s1jp, esym, cdiff, W_bond.astype(jnp.bfloat16), b_bond,
      W0a.astype(jnp.bfloat16), w0d, b_b0, W_b1.astype(jnp.bfloat16), b_b1)


@jax.jit
def kernel(s, v, p, e, batch, edge_index_global,
           W_shared, b_shared, W_coords, W_atoms, b_atoms,
           W_bond, b_bond, W_b0, b_b0, W_b1, b_b1):
    f32 = jnp.float32
    j = edge_index_global[0]
    i = edge_index_global[1]

    v0 = v[:, 0, :]
    v1 = v[:, 1, :]
    v2 = v[:, 2, :]
    p16 = jnp.pad(p, ((0, 0), (0, 13)))
    s1, atoms_pred, c16 = _node_kernel(
        s, v0, v1, v2, p16, batch[:, None], W_shared, b_shared[None, :],
        W_coords, W_atoms, b_atoms[None, :])
    coords_pred = c16[:, :3]

    key = jnp.bitwise_or(lax.shift_left(j, 10), i)
    rkey = jnp.bitwise_or(lax.shift_left(i, 10), j)
    neg1 = jnp.full((RANGE,), -1, jnp.int32)
    table = _build_table(key, neg1)
    e17 = jnp.concatenate([e, jnp.zeros((NSENT, EDGE_DIM), f32)], axis=0)
    esym, cdiff = _esym_kernel(j, i, key, rkey, table, e17, c16)
    s1b = s1.astype(jnp.bfloat16)
    lo16 = lax.bitcast_convert_type(s1b[:, :SDIM // 2],
                                    jnp.uint16).astype(jnp.uint32)
    hi16 = lax.bitcast_convert_type(s1b[:, SDIM // 2:],
                                    jnp.uint16).astype(jnp.uint32)
    s1p = jnp.bitwise_or(
        lo16, lax.shift_left(hi16, jnp.uint32(16))).astype(jnp.int32)

    W0a = W_b0[:SDIM]
    w0d = W_b0[SDIM:SDIM + 1]
    s1ip, s1jp = _sgather_kernel(j, i, s1p)
    bonds_pred = _edge_kernel(s1ip, s1jp, esym, cdiff, W_bond,
                              b_bond[None, :], W0a, w0d, b_b0[None, :],
                              W_b1, b_b1[None, :])
    return coords_pred, atoms_pred, bonds_pred

# --- scband reference (transcript-rebuilt; emitter-appended) ---
"""Pipeline reference for scband-denoising-edge-network-83700322665115 (READ-ONLY COPY).

The authoritative reference and input builder live on the scoring server;
editing this copy changes nothing except your own understanding.
"""

import jax, jax.numpy as jnp
import numpy as np

N = 1024
E = 32768
SDIM = 256
VDIM = 64
EDGE_DIM = 16
NUM_ATOM_FEATURES = 16
NUM_BOND_TYPES = 5
NUM_GRAPHS = 32


def setup_inputs(seed: int = 0) -> dict:
    key = jax.random.key(seed)
    ks = jax.random.split(key, 20)
    inp = {}
    inp['s'] = jax.random.normal(ks[0], (N, SDIM), dtype=jnp.float32)
    inp['v'] = jax.random.normal(ks[1], (N, 3, VDIM), dtype=jnp.float32)
    inp['p'] = jax.random.normal(ks[2], (N, 3), dtype=jnp.float32)
    inp['e'] = jax.random.normal(ks[3], (E, EDGE_DIM), dtype=jnp.float32)
    inp['batch'] = jnp.sort(jax.random.randint(ks[4], (N,), 0, NUM_GRAPHS, dtype=jnp.int32))
    inp['edge_index_global'] = jax.random.randint(ks[5], (2, E), 0, N, dtype=jnp.int32)
    # learned parameters
    inp['W_shared'] = jax.random.normal(ks[6], (SDIM, SDIM), dtype=jnp.float32) * 0.05
    inp['b_shared'] = jnp.zeros((SDIM,), dtype=jnp.float32)
    inp['W_coords'] = jax.random.normal(ks[7], (VDIM, 1), dtype=jnp.float32) * 0.05
    inp['W_atoms'] = jax.random.normal(ks[8], (SDIM, NUM_ATOM_FEATURES), dtype=jnp.float32) * 0.05
    inp['b_atoms'] = jnp.zeros((NUM_ATOM_FEATURES,), dtype=jnp.float32)
    inp['W_bond'] = jax.random.normal(ks[9], (EDGE_DIM, SDIM), dtype=jnp.float32) * 0.05
    inp['b_bond'] = jnp.zeros((SDIM,), dtype=jnp.float32)
    inp['W_b0'] = jax.random.normal(ks[10], (SDIM + 1, SDIM), dtype=jnp.float32) * 0.05
    inp['b_b0'] = jnp.zeros((SDIM,), dtype=jnp.float32)
    inp['W_b1'] = jax.random.normal(ks[11], (SDIM, NUM_BOND_TYPES), dtype=jnp.float32) * 0.05
    inp['b_b1'] = jnp.zeros((NUM_BOND_TYPES,), dtype=jnp.float32)
    return inp


def reference(s, v, p, e, batch, edge_index_global,
              W_shared, b_shared, W_coords, W_atoms, b_atoms,
              W_bond, b_bond, W_b0, b_b0, W_b1, b_b1):
    silu = jax.nn.silu
    # shared mapping (DenseLayer with SiLU)
    s = silu(s @ W_shared + b_shared)
    # coords head: [N,3,VDIM] @ [VDIM,1] -> [N,3]
    coords_pred = jnp.squeeze(v @ W_coords, axis=-1)
    atoms_pred = s @ W_atoms + b_atoms
    j = edge_index_global[0]
    i = edge_index_global[1]
    n = s.shape[0]
    # coords_param == 'data' branch
    coords_pred = p + coords_pred
    seg_sum = jax.ops.segment_sum(coords_pred, batch, num_segments=NUM_GRAPHS)
    counts = jax.ops.segment_sum(jnp.ones((n, 1), dtype=coords_pred.dtype), batch, num_segments=NUM_GRAPHS)
    seg_mean = seg_sum / jnp.maximum(counts, 1.0)
    coords_pred = coords_pred - seg_mean[batch]
    d = jnp.sum((coords_pred[i] - coords_pred[j]) ** 2, axis=-1, keepdims=True)
    # dense edge symmetrization: scatter-overwrite into [n, n, edge_dim]
    e_dense = jnp.zeros((n, n, e.shape[-1]), dtype=e.dtype)
    e_dense = e_dense.at[edge_index_global[0], edge_index_global[1], :].set(e)
    e_dense = 0.5 * (e_dense + jnp.transpose(e_dense, (1, 0, 2)))
    e_sym = e_dense[edge_index_global[0], edge_index_global[1], :]
    f = s[i] + s[j] + (e_sym @ W_bond + b_bond)
    edge = jnp.concatenate([f, d], axis=-1)
    bonds_pred = silu(edge @ W_b0 + b_b0)
    bonds_pred = bonds_pred @ W_b1 + b_b1
    return coords_pred, atoms_pred, bonds_pred

if __name__ == "__main__":
    import jax
    _d = setup_inputs()
    print(jax.jit(kernel)(*tuple(_d.values())))

</pallas_src>

<mosaic_0001>
#map = affine_map<(d0, d1) -> (0)>
module attributes {stable_mosaic.version = 14 : i64} {
  func.func @_table_body(%arg0: i32, %arg1: i32, %arg2: memref<32768xi32, #tpu.memory_space<hbm>>, %arg3: memref<32768xi32, #tpu.memory_space<hbm>>, %arg4: memref<1048576xi32, #tpu.memory_space<hbm>>, %arg5: memref<32768xi32, #tpu.memory_space<vmem>>, %arg6: memref<2048xi32, #tpu.memory_space<vmem>>, %arg7: memref<2048xi32, #tpu.memory_space<vmem>>, %arg8: memref<!tpu.dma_semaphore, #tpu.memory_space<semaphore_mem>>, %arg9: memref<!tpu.dma_semaphore, #tpu.memory_space<semaphore_mem>>) attributes {dimension_semantics = [#tpu.dimension_semantics<core_parallel>, #tpu.dimension_semantics<subcore_parallel>], iteration_bounds = array<i64: 2, 16>, scalar_prefetch = 0 : i64, scratch_operands = 5 : i64, tpu.core_type = #tpu.core_type<sc_vector_subcore>, window_params = [{transform_indices = #map}, {transform_indices = #map}, {transform_indices = #map}]} {
    %mul3A = arith.constant 2 : i32
    %mul3A_0 = arith.muli %arg1, %mul3A : i32
    %add3A = arith.addi %mul3A_0, %arg0 : i32
    "tpu.region"() ({
      %run_scoped3A = tpu.sem_alloc : memref<!tpu.dma_semaphore, #tpu.memory_space<semaphore_mem>>
      tpu.enqueue_dma source(%arg3 : memref<32768xi32, #tpu.memory_space<hbm>>) target(%arg5 : memref<32768xi32, #tpu.memory_space<vmem>>) target_semaphore(%run_scoped3A : memref<!tpu.dma_semaphore, #tpu.memory_space<semaphore_mem>>)
      tpu.wait_dma2 semaphore(%run_scoped3A : memref<!tpu.dma_semaphore, #tpu.memory_space<semaphore_mem>>) src(%arg3 : memref<32768xi32, #tpu.memory_space<hbm>>) dst(%arg5 : memref<32768xi32, #tpu.memory_space<vmem>>)
      tpu.yield
    }) : () -> ()
    %iota3A = tpu.iota {dimensions = array<i32: 0>} : vector<16xi32>
    %dma_start3A = arith.constant 0 : i32
    %dma_start3A_1 = tpu.memref_slice %arg2[%dma_start3A] : memref<32768xi32, #tpu.memory_space<hbm>> -> memref<2048xi32, #tpu.memory_space<hbm>>
    %dma_start3A_2 = arith.constant 0 : i32
    %dma_start3A_3 = tpu.memref_slice %arg2[%dma_start3A_2] : memref<32768xi32, #tpu.memory_space<hbm>> -> memref<2048xi32, #tpu.memory_space<hbm>>
    tpu.enqueue_dma source(%dma_start3A_3 : memref<2048xi32, #tpu.memory_space<hbm>>) target(%arg6 : memref<2048xi32, #tpu.memory_space<vmem>>) target_semaphore(%arg8 : memref<!tpu.dma_semaphore, #tpu.memory_space<semaphore_mem>>)
    %scan3A = arith.constant 0 : i32
    %scan3A_4 = arith.constant 8 : i32
    %scan3A_5 = arith.addi %scan3A, %scan3A_4 : i32
    %scan3A_6 = arith.constant 1 : i32
    scf.for %scan3A_10 = %scan3A to %scan3A_5 step %scan3A_6  : i32 {
      %mul3A_11 = arith.constant 4096 : i32
      %mul3A_12 = arith.muli %scan3A_10, %mul3A_11 : i32
      %add3A_13 = arith.constant 0 : i32
      %add3A_14 = arith.addi %add3A_13, %mul3A_12 : i32
      %dma_wait3A = arith.constant 0 : i32
      %dma_wait3A_15 = tpu.memref_slice %arg2[%dma_wait3A] : memref<32768xi32, #tpu.memory_space<hbm>> -> memref<2048xi32, #tpu.memory_space<hbm>>
      %dma_wait3A_16 = arith.constant 0 : i32
      %dma_wait3A_17 = tpu.memref_slice %arg2[%dma_wait3A_16] : memref<32768xi32, #tpu.memory_space<hbm>> -> memref<2048xi32, #tpu.memory_space<hbm>>
      tpu.wait_dma2 semaphore(%arg8 : memref<!tpu.dma_semaphore, #tpu.memory_space<semaphore_mem>>) src(%dma_wait3A_17 : memref<2048xi32, #tpu.memory_space<hbm>>) dst(%arg6 : memref<2048xi32, #tpu.memory_space<vmem>>)
      %add3A_18 = arith.constant 2048 : i32
      %add3A_19 = arith.addi %add3A_14, %add3A_18 : i32
      %lt3A = arith.constant 32768 : i32
      %lt3A_20 = arith.cmpi slt, %add3A_19, %lt3A : i32
      %convert_element_type3A = arith.extui %lt3A_20 : i1 to i32
      %cond3A = arith.constant 0 : i32
      %cond3A_21 = arith.cmpi ne, %convert_element_type3A, %cond3A : i32
      scf.if %cond3A_21 {
        %add3A_45 = arith.constant 2048 : i32
        %add3A_46 = arith.addi %add3A_14, %add3A_45 : i32
        %dma_start3A_47 = tpu.memref_slice %arg2[%add3A_46] : memref<32768xi32, #tpu.memory_space<hbm>> -> memref<2048xi32, #tpu.memory_space<hbm>>
        %dma_start3A_48 = tpu.memref_slice %arg2[%add3A_46] : memref<32768xi32, #tpu.memory_space<hbm>> -> memref<2048xi32, #tpu.memory_space<hbm>>
        tpu.enqueue_dma source(%dma_start3A_48 : memref<2048xi32, #tpu.memory_space<hbm>>) target(%arg7 : memref<2048xi32, #tpu.memory_space<vmem>>) target_semaphore(%arg9 : memref<!tpu.dma_semaphore, #tpu.memory_space<semaphore_mem>>)
      } else {
      }
      %scan3A_22 = arith.constant 0 : i32
      %scan3A_23 = arith.constant 16 : i32
      %scan3A_24 = arith.addi %scan3A_22, %scan3A_23 : i32
      %scan3A_25 = arith.constant 1 : i32
      scf.for %scan3A_45 = %scan3A_22 to %scan3A_24 step %scan3A_25  : i32 {
        %mul3A_46 = arith.constant 128 : i32
        %mul3A_47 = arith.muli %scan3A_45, %mul3A_46 : i32
        %add3A_48 = arith.constant 0 : i32
        %add3A_49 = arith.addi %add3A_48, %mul3A_47 : i32
        %add3A_50 = arith.constant 0 : i32
        %add3A_51 = arith.addi %add3A_49, %add3A_50 : i32
        %get3A = arith.index_cast %add3A_51 : i32 to index
        %get3A_52 = tpu.vector_load %arg6[%get3A] {strides = array<i32>} : memref<2048xi32, #tpu.memory_space<vmem>>, vector<16xi32>,
        %shift_right_logical3A = arith.constant 15 : i32
        %shift_right_logical3A_53 = vector.broadcast %shift_right_logical3A : i32 to vector<16xi32>
        %shift_right_logical3A_54 = arith.shrui %get3A_52, %shift_right_logical3A_53 : vector<16xi32>
        %eq3A = vector.broadcast %add3A : i32 to vector<16xi32>
        %eq3A_55 = arith.cmpi eq, %shift_right_logical3A_54, %eq3A : vector<16xi32>
        %broadcast_in_dim3A = arith.constant true
        %broadcast_in_dim3A_56 = vector.broadcast %broadcast_in_dim3A : i1 to vector<16xi1>
        %unique3A, %unique3A_57 = tpu.scan_count mask(%broadcast_in_dim3A_56 : vector<16xi1>) value(%get3A_52 : vector<16xi32>) : vector<16xi1>, vector<16xi32>
        %and3A = arith.andi %eq3A_55, %unique3A : vector<16xi1>
        %and3A_58 = arith.constant 32767 : i32
        %and3A_59 = vector.broadcast %and3A_58 : i32 to vector<16xi32>
        %and3A_60 = arith.andi %get3A_52, %and3A_59 : vector<16xi32>
        %add3A_61 = arith.addi %add3A_14, %add3A_49 : i32
        %add3A_62 = arith.constant 0 : i32
        %add3A_63 = arith.addi %add3A_61, %add3A_62 : i32
        %add3A_64 = vector.broadcast %add3A_63 : i32 to vector<16xi32>
        %add3A_65 = arith.addi %add3A_64, %iota3A : vector<16xi32>
        tpu.vector_store_idx %arg5[%and3A_60], %add3A_65 masked %and3A : memref<32768xi32, #tpu.memory_space<vmem>>[vector<16xi32>], vector<16xi32>, vector<16xi1>
        %add3A_66 = arith.constant 16 : i32
        %add3A_67 = arith.addi %add3A_49, %add3A_66 : i32
        %get3A_68 = arith.index_cast %add3A_67 : i32 to index
        %get3A_69 = tpu.vector_load %arg6[%get3A_68] {strides = array<i32>} : memref<2048xi32, #tpu.memory_space<vmem>>, vector<16xi32>,
        %shift_right_logical3A_70 = arith.constant 15 : i32
        %shift_right_logical3A_71 = vector.broadcast %shift_right_logical3A_70 : i32 to vector<16xi32>
        %shift_right_logical3A_72 = arith.shrui %get3A_69, %shift_right_logical3A_71 : vector<16xi32>
        %eq3A_73 = vector.broadcast %add3A : i32 to vector<16xi32>
        %eq3A_74 = arith.cmpi eq, %shift_right_logical3A_72, %eq3A_73 : vector<16xi32>
        %broadcast_in_dim3A_75 = arith.constant true
        %broadcast_in_dim3A_76 = vector.broadcast %broadcast_in_dim3A_75 : i1 to vector<16xi1>
        %unique3A_77, %unique3A_78 = tpu.scan_count mask(%broadcast_in_dim3A_76 : vector<16xi1>) value(%get3A_69 : vector<16xi32>) : vector<16xi1>, vector<16xi32>
        %and3A_79 = arith.andi %eq3A_74, %unique3A_77 : vector<16xi1>
        %and3A_80 = arith.constant 32767 : i32
        %and3A_81 = vector.broadcast %and3A_80 : i32 to vector<16xi32>
        %and3A_82 = arith.andi %get3A_69, %and3A_81 : vector<16xi32>
        %add3A_83 = arith.addi %add3A_14, %add3A_49 : i32
        %add3A_84 = arith.constant 16 : i32
        %add3A_85 = arith.addi %add3A_83, %add3A_84 : i32
        %add3A_86 = vector.broadcast %add3A_85 : i32 to vector<16xi32>
        %add3A_87 = arith.addi %add3A_86, %iota3A : vector<16xi32>
        tpu.vector_store_idx %arg5[%and3A_82], %add3A_87 masked %and3A_79 : memref<32768xi32, #tpu.memory_space<vmem>>[vector<16xi32>], vector<16xi32>, vector<16xi1>
        %add3A_88 = arith.constant 32 : i32
        %add3A_89 = arith.addi %add3A_49, %add3A_88 : i32
        %get3A_90 = arith.index_cast %add3A_89 : i32 to index
        %get3A_91 = tpu.vector_load %arg6[%get3A_90] {strides = array<i32>} : memref<2048xi32, #tpu.memory_space<vmem>>, vector<16xi32>,
        %shift_right_logical3A_92 = arith.constant 15 : i32
        %shift_right_logical3A_93 = vector.broadcast %shift_right_logical3A_92 : i32 to vector<16xi32>
        %shift_right_logical3A_94 = arith.shrui %get3A_91, %shift_right_logical3A_93 : vector<16xi32>
        %eq3A_95 = vector.broadcast %add3A : i32 to vector<16xi32>
        %eq3A_96 = arith.cmpi eq, %shift_right_logical3A_94, %eq3A_95 : vector<16xi32>
        %broadcast_in_dim3A_97 = arith.constant true
        %broadcast_in_dim3A_98 = vector.broadcast %broadcast_in_dim3A_97 : i1 to vector<16xi1>
        %unique3A_99, %unique3A_100 = tpu.scan_count mask(%broadcast_in_dim3A_98 : vector<16xi1>) value(%get3A_91 : vector<16xi32>) : vector<16xi1>, vector<16xi32>
        %and3A_101 = arith.andi %eq3A_96, %unique3A_99 : vector<16xi1>
        %and3A_102 = arith.constant 32767 : i32
        %and3A_103 = vector.broadcast %and3A_102 : i32 to vector<16xi32>
        %and3A_104 = arith.andi %get3A_91, %and3A_103 : vector<16xi32>
        %add3A_105 = arith.addi %add3A_14, %add3A_49 : i32
        %add3A_106 = arith.constant 32 : i32
        %add3A_107 = arith.addi %add3A_105, %add3A_106 : i32
        %add3A_108 = vector.broadcast %add3A_107 : i32 to vector<16xi32>
        %add3A_109 = arith.addi %add3A_108, %iota3A : vector<16xi32>
        tpu.vector_store_idx %arg5[%and3A_104], %add3A_109 masked %and3A_101 : memref<32768xi32, #tpu.memory_space<vmem>>[vector<16xi32>], vector<16xi32>, vector<16xi1>
        %add3A_110 = arith.constant 48 : i32
        %add3A_111 = arith.addi %add3A_49, %add3A_110 : i32
        %get3A_112 = arith.index_cast %add3A_111 : i32 to index
        %get3A_113 = tpu.vector_load %arg6[%get3A_112] {strides = array<i32>} : memref<2048xi32, #tpu.memory_space<vmem>>, vector<16xi32>,
        %shift_right_logical3A_114 = arith.constant 15 : i32
        %shift_right_logical3A_115 = vector.broadcast %shift_right_logical3A_114 : i32 to vector<16xi32>
        %shift_right_logical3A_116 = arith.shrui %get3A_113, %shift_right_logical3A_115 : vector<16xi32>
        %eq3A_117 = vector.broadcast %add3A : i32 to vector<16xi32>
        %eq3A_118 = arith.cmpi eq, %shift_right_logical3A_116, %eq3A_117 : vector<16xi32>
        %broadcast_in_dim3A_119 = arith.constant true
        %broadcast_in_dim3A_120 = vector.broadcast %broadcast_in_dim3A_119 : i1 to vector<16xi1>
        %unique3A_121, %unique3A_122 = tpu.scan_count mask(%broadcast_in_dim3A_120 : vector<16xi1>) value(%get3A_113 : vector<16xi32>) : vector<16xi1>, vector<16xi32>
        %and3A_123 = arith.andi %eq3A_118, %unique3A_121 : vector<16xi1>
        %and3A_124 = arith.constant 32767 : i32
        %and3A_125 = vector.broadcast %and3A_124 : i32 to vector<16xi32>
        %and3A_126 = arith.andi %get3A_113, %and3A_125 : vector<16xi32>
        %add3A_127 = arith.addi %add3A_14, %add3A_49 : i32
        %add3A_128 = arith.constant 48 : i32
        %add3A_129 = arith.addi %add3A_127, %add3A_128 : i32
        %add3A_130 = vector.broadcast %add3A_129 : i32 to vector<16xi32>
        %add3A_131 = arith.addi %add3A_130, %iota3A : vector<16xi32>
        tpu.vector_store_idx %arg5[%and3A_126], %add3A_131 masked %and3A_123 : memref<32768xi32, #tpu.memory_space<vmem>>[vector<16xi32>], vector<16xi32>, vector<16xi1>
        %add3A_132 = arith.constant 64 : i32
        %add3A_133 = arith.addi %add3A_49, %add3A_132 : i32
        %get3A_134 = arith.index_cast %add3A_133 : i32 to index
        %get3A_135 = tpu.vector_load %arg6[%get3A_134] {strides = array<i32>} : memref<2048xi32, #tpu.memory_space<vmem>>, vector<16xi32>,
        %shift_right_logical3A_136 = arith.constant 15 : i32
        %shift_right_logical3A_137 = vector.broadcast %shift_right_logical3A_136 : i32 to vector<16xi32>
        %shift_right_logical3A_138 = arith.shrui %get3A_135, %shift_right_logical3A_137 : vector<16xi32>
        %eq3A_139 = vector.broadcast %add3A : i32 to vector<16xi32>
        %eq3A_140 = arith.cmpi eq, %shift_right_logical3A_138, %eq3A_139 : vector<16xi32>
        %broadcast_in_dim3A_141 = arith.constant true
        %broadcast_in_dim3A_142 = vector.broadcast %broadcast_in_dim3A_141 : i1 to vector<16xi1>
        %unique3A_143, %unique3A_144 = tpu.scan_count mask(%broadcast_in_dim3A_142 : vector<16xi1>) value(%get3A_135 : vector<16xi32>) : vector<16xi1>, vector<16xi32>
        %and3A_145 = arith.andi %eq3A_140, %unique3A_143 : vector<16xi1>
        %and3A_146 = arith.constant 32767 : i32
        %and3A_147 = vector.broadcast %and3A_146 : i32 to vector<16xi32>
        %and3A_148 = arith.andi %get3A_135, %and3A_147 : vector<16xi32>
        %add3A_149 = arith.addi %add3A_14, %add3A_49 : i32
        %add3A_150 = arith.constant 64 : i32
        %add3A_151 = arith.addi %add3A_149, %add3A_150 : i32
        %add3A_152 = vector.broadcast %add3A_151 : i32 to vector<16xi32>
        %add3A_153 = arith.addi %add3A_152, %iota3A : vector<16xi32>
        tpu.vector_store_idx %arg5[%and3A_148], %add3A_153 masked %and3A_145 : memref<32768xi32, #tpu.memory_space<vmem>>[vector<16xi32>], vector<16xi32>, vector<16xi1>
        %add3A_154 = arith.constant 80 : i32
        %add3A_155 = arith.addi %add3A_49, %add3A_154 : i32
        %get3A_156 = arith.index_cast %add3A_155 : i32 to index
        %get3A_157 = tpu.vector_load %arg6[%get3A_156] {strides = array<i32>} : memref<2048xi32, #tpu.memory_space<vmem>>, vector<16xi32>,
        %shift_right_logical3A_158 = arith.constant 15 : i32
        %shift_right_logical3A_159 = vector.broadcast %shift_right_logical3A_158 : i32 to vector<16xi32>
        %shift_right_logical3A_160 = arith.shrui %get3A_157, %shift_right_logical3A_159 : vector<16xi32>
        %eq3A_161 = vector.broadcast %add3A : i32 to vector<16xi32>
        %eq3A_162 = arith.cmpi eq, %shift_right_logical3A_160, %eq3A_161 : vector<16xi32>
        %broadcast_in_dim3A_163 = arith.constant true
        %broadcast_in_dim3A_164 = vector.broadcast %broadcast_in_dim3A_163 : i1 to vector<16xi1>
        %unique3A_165, %unique3A_166 = tpu.scan_count mask(%broadcast_in_dim3A_164 : vector<16xi1>) value(%get3A_157 : vector<16xi32>) : vector<16xi1>, vector<16xi32>
        %and3A_167 = arith.andi %eq3A_162, %unique3A_165 : vector<16xi1>
        %and3A_168 = arith.constant 32767 : i32
        %and3A_169 = vector.broadcast %and3A_168 : i32 to vector<16xi32>
        %and3A_170 = arith.andi %get3A_157, %and3A_169 : vector<16xi32>
        %add3A_171 = arith.addi %add3A_14, %add3A_49 : i32
        %add3A_172 = arith.constant 80 : i32
        %add3A_173 = arith.addi %add3A_171, %add3A_172 : i32
        %add3A_174 = vector.broadcast %add3A_173 : i32 to vector<16xi32>
        %add3A_175 = arith.addi %add3A_174, %iota3A : vector<16xi32>
        tpu.vector_store_idx %arg5[%and3A_170], %add3A_175 masked %and3A_167 : memref<32768xi32, #tpu.memory_space<vmem>>[vector<16xi32>], vector<16xi32>, vector<16xi1>
        %add3A_176 = arith.constant 96 : i32
        %add3A_177 = arith.addi %add3A_49, %add3A_176 : i32
        %get3A_178 = arith.index_cast %add3A_177 : i32 to index
        %get3A_179 = tpu.vector_load %arg6[%get3A_178] {strides = array<i32>} : memref<2048xi32, #tpu.memory_space<vmem>>, vector<16xi32>,
        %shift_right_logical3A_180 = arith.constant 15 : i32
        %shift_right_logical3A_181 = vector.broadcast %shift_right_logical3A_180 : i32 to vector<16xi32>
        %shift_right_logical3A_182 = arith.shrui %get3A_179, %shift_right_logical3A_181 : vector<16xi32>
        %eq3A_183 = vector.broadcast %add3A : i32 to vector<16xi32>
        %eq3A_184 = arith.cmpi eq, %shift_right_logical3A_182, %eq3A_183 : vector<16xi32>
        %broadcast_in_dim3A_185 = arith.constant true
        %broadcast_in_dim3A_186 = vector.broadcast %broadcast_in_dim3A_185 : i1 to vector<16xi1>
        %unique3A_187, %unique3A_188 = tpu.scan_count mask(%broadcast_in_dim3A_186 : vector<16xi1>) value(%get3A_179 : vector<16xi32>) : vector<16xi1>, vector<16xi32>
        %and3A_189 = arith.andi %eq3A_184, %unique3A_187 : vector<16xi1>
        %and3A_190 = arith.constant 32767 : i32
        %and3A_191 = vector.broadcast %and3A_190 : i32 to vector<16xi32>
        %and3A_192 = arith.andi %get3A_179, %and3A_191 : vector<16xi32>
        %add3A_193 = arith.addi %add3A_14, %add3A_49 : i32
        %add3A_194 = arith.constant 96 : i32
        %add3A_195 = arith.addi %add3A_193, %add3A_194 : i32
        %add3A_196 = vector.broadcast %add3A_195 : i32 to vector<16xi32>
        %add3A_197 = arith.addi %add3A_196, %iota3A : vector<16xi32>
        tpu.vector_store_idx %arg5[%and3A_192], %add3A_197 masked %and3A_189 : memref<32768xi32, #tpu.memory_space<vmem>>[vector<16xi32>], vector<16xi32>, vector<16xi1>
        %add3A_198 = arith.constant 112 : i32
        %add3A_199 = arith.addi %add3A_49, %add3A_198 : i32
        %get3A_200 = arith.index_cast %add3A_199 : i32 to index
        %get3A_201 = tpu.vector_load %arg6[%get3A_200] {strides = array<i32>} : memref<2048xi32, #tpu.memory_space<vmem>>, vector<16xi32>,
        %shift_right_logical3A_202 = arith.constant 15 : i32
        %shift_right_logical3A_203 = vector.broadcast %shift_right_logical3A_202 : i32 to vector<16xi32>
        %shift_right_logical3A_204 = arith.shrui %get3A_201, %shift_right_logical3A_203 : vector<16xi32>
        %eq3A_205 = vector.broadcast %add3A : i32 to vector<16xi32>
        %eq3A_206 = arith.cmpi eq, %shift_right_logical3A_204, %eq3A_205 : vector<16xi32>
        %broadcast_in_dim3A_207 = arith.constant true
        %broadcast_in_dim3A_208 = vector.broadcast %broadcast_in_dim3A_207 : i1 to vector<16xi1>
        %unique3A_209, %unique3A_210 = tpu.scan_count mask(%broadcast_in_dim3A_208 : vector<16xi1>) value(%get3A_201 : vector<16xi32>) : vector<16xi1>, vector<16xi32>
        %and3A_211 = arith.andi %eq3A_206, %unique3A_209 : vector<16xi1>
        %and3A_212 = arith.constant 32767 : i32
        %and3A_213 = vector.broadcast %and3A_212 : i32 to vector<16xi32>
        %and3A_214 = arith.andi %get3A_201, %and3A_213 : vector<16xi32>
        %add3A_215 = arith.addi %add3A_14, %add3A_49 : i32
        %add3A_216 = arith.constant 112 : i32
        %add3A_217 = arith.addi %add3A_215, %add3A_216 : i32
        %add3A_218 = vector.broadcast %add3A_217 : i32 to vector<16xi32>
        %add3A_219 = arith.addi %add3A_218, %iota3A : vector<16xi32>
        tpu.vector_store_idx %arg5[%and3A_214], %add3A_219 masked %and3A_211 : memref<32768xi32, #tpu.memory_space<vmem>>[vector<16xi32>], vector<16xi32>, vector<16xi1>
      }
      %scan3A_26 = arith.constant 16 : i32
      %dma_wait3A_27 = arith.constant 0 : i32
      %dma_wait3A_28 = tpu.memref_slice %arg2[%dma_wait3A_27] : memref<32768xi32, #tpu.memory_space<hbm>> -> memref<2048xi32, #tpu.memory_space<hbm>>
      %dma_wait3A_29 = arith.constant 0 : i32
      %dma_wait3A_30 = tpu.memref_slice %arg2[%dma_wait3A_29] : memref<32768xi32, #tpu.memory_space<hbm>> -> memref<2048xi32, #tpu.memory_space<hbm>>
      tpu.wait_dma2 semaphore(%arg9 : memref<!tpu.dma_semaphore, #tpu.memory_space<semaphore_mem>>) src(%dma_wait3A_30 : memref<2048xi32, #tpu.memory_space<hbm>>) dst(%arg7 : memref<2048xi32, #tpu.memory_space<vmem>>)
      %add3A_31 = arith.constant 4096 : i32
      %add3A_32 = arith.addi %add3A_14, %add3A_31 : i32
      %lt3A_33 = arith.constant 32768 : i32
      %lt3A_34 = arith.cmpi slt, %add3A_32, %lt3A_33 : i32
      %convert_element_type3A_35 = arith.extui %lt3A_34 : i1 to i32
      %cond3A_36 = arith.constant 0 : i32
      %cond3A_37 = arith.cmpi ne, %convert_element_type3A_35, %cond3A_36 : i32
      scf.if %cond3A_37 {
        %add3A_45 = arith.constant 4096 : i32
        %add3A_46 = arith.addi %add3A_14, %add3A_45 : i32
        %dma_start3A_47 = tpu.memref_slice %arg2[%add3A_46] : memref<32768xi32, #tpu.memory_space<hbm>> -> memref<2048xi32, #tpu.memory_space<hbm>>
        %dma_start3A_48 = tpu.memref_slice %arg2[%add3A_46] : memref<32768xi32, #tpu.memory_space<hbm>> -> memref<2048xi32, #tpu.memory_space<hbm>>
        tpu.enqueue_dma source(%dma_start3A_48 : memref<2048xi32, #tpu.memory_space<hbm>>) target(%arg6 : memref<2048xi32, #tpu.memory_space<vmem>>) target_semaphore(%arg8 : memref<!tpu.dma_semaphore, #tpu.memory_space<semaphore_mem>>)
      } else {
      }
      %add3A_38 = arith.constant 2048 : i32
      %add3A_39 = arith.addi %add3A_14, %add3A_38 : i32
      %scan3A_40 = arith.constant 0 : i32
      %scan3A_41 = arith.constant 16 : i32
      %scan3A_42 = arith.addi %scan3A_40, %scan3A_41 : i32
      %scan3A_43 = arith.constant 1 : i32
      scf.for %scan3A_45 = %scan3A_40 to %scan3A_42 step %scan3A_43  : i32 {
        %mul3A_46 = arith.constant 128 : i32
        %mul3A_47 = arith.muli %scan3A_45, %mul3A_46 : i32
        %add3A_48 = arith.constant 0 : i32
        %add3A_49 = arith.addi %add3A_48, %mul3A_47 : i32
        %add3A_50 = arith.constant 0 : i32
        %add3A_51 = arith.addi %add3A_49, %add3A_50 : i32
        %get3A = arith.index_cast %add3A_51 : i32 to index
        %get3A_52 = tpu.vector_load %arg7[%get3A] {strides = array<i32>} : memref<2048xi32, #tpu.memory_space<vmem>>, vector<16xi32>,
        %shift_right_logical3A = arith.constant 15 : i32
        %shift_right_logical3A_53 = vector.broadcast %shift_right_logical3A : i32 to vector<16xi32>
        %shift_right_logical3A_54 = arith.shrui %get3A_52, %shift_right_logical3A_53 : vector<16xi32>
        %eq3A = vector.broadcast %add3A : i32 to vector<16xi32>
        %eq3A_55 = arith.cmpi eq, %shift_right_logical3A_54, %eq3A : vector<16xi32>
        %broadcast_in_dim3A = arith.constant true
        %broadcast_in_dim3A_56 = vector.broadcast %broadcast_in_dim3A : i1 to vector<16xi1>
        %unique3A, %unique3A_57 = tpu.scan_count mask(%broadcast_in_dim3A_56 : vector<16xi1>) value(%get3A_52 : vector<16xi32>) : vector<16xi1>, vector<16xi32>
        %and3A = arith.andi %eq3A_55, %unique3A : vector<16xi1>
        %and3A_58 = arith.constant 32767 : i32
        %and3A_59 = vector.broadcast %and3A_58 : i32 to vector<16xi32>
        %and3A_60 = arith.andi %get3A_52, %and3A_59 : vector<16xi32>
        %add3A_61 = arith.addi %add3A_39, %add3A_49 : i32
        %add3A_62 = arith.constant 0 : i32
        %add3A_63 = arith.addi %add3A_61, %add3A_62 : i32
        %add3A_64 = vector.broadcast %add3A_63 : i32 to vector<16xi32>
        %add3A_65 = arith.addi %add3A_64, %iota3A : vector<16xi32>
        tpu.vector_store_idx %arg5[%and3A_60], %add3A_65 masked %and3A : memref<32768xi32, #tpu.memory_space<vmem>>[vector<16xi32>], vector<16xi32>, vector<16xi1>
        %add3A_66 = arith.constant 16 : i32
        %add3A_67 = arith.addi %add3A_49, %add3A_66 : i32
        %get3A_68 = arith.index_cast %add3A_67 : i32 to index
        %get3A_69 = tpu.vector_load %arg7[%get3A_68] {strides = array<i32>} : memref<2048xi32, #tpu.memory_space<vmem>>, vector<16xi32>,
        %shift_right_logical3A_70 = arith.constant 15 : i32
        %shift_right_logical3A_71 = vector.broadcast %shift_right_logical3A_70 : i32 to vector<16xi32>
        %shift_right_logical3A_72 = arith.shrui %get3A_69, %shift_right_logical3A_71 : vector<16xi32>
        %eq3A_73 = vector.broadcast %add3A : i32 to vector<16xi32>
        %eq3A_74 = arith.cmpi eq, %shift_right_logical3A_72, %eq3A_73 : vector<16xi32>
        %broadcast_in_dim3A_75 = arith.constant true
        %broadcast_in_dim3A_76 = vector.broadcast %broadcast_in_dim3A_75 : i1 to vector<16xi1>
        %unique3A_77, %unique3A_78 = tpu.scan_count mask(%broadcast_in_dim3A_76 : vector<16xi1>) value(%get3A_69 : vector<16xi32>) : vector<16xi1>, vector<16xi32>
        %and3A_79 = arith.andi %eq3A_74, %unique3A_77 : vector<16xi1>
        %and3A_80 = arith.constant 32767 : i32
        %and3A_81 = vector.broadcast %and3A_80 : i32 to vector<16xi32>
        %and3A_82 = arith.andi %get3A_69, %and3A_81 : vector<16xi32>
        %add3A_83 = arith.addi %add3A_39, %add3A_49 : i32
        %add3A_84 = arith.constant 16 : i32
        %add3A_85 = arith.addi %add3A_83, %add3A_84 : i32
        %add3A_86 = vector.broadcast %add3A_85 : i32 to vector<16xi32>
        %add3A_87 = arith.addi %add3A_86, %iota3A : vector<16xi32>
        tpu.vector_store_idx %arg5[%and3A_82], %add3A_87 masked %and3A_79 : memref<32768xi32, #tpu.memory_space<vmem>>[vector<16xi32>], vector<16xi32>, vector<16xi1>
        %add3A_88 = arith.constant 32 : i32
        %add3A_89 = arith.addi %add3A_49, %add3A_88 : i32
        %get3A_90 = arith.index_cast %add3A_89 : i32 to index
        %get3A_91 = tpu.vector_load %arg7[%get3A_90] {strides = array<i32>} : memref<2048xi32, #tpu.memory_space<vmem>>, vector<16xi32>,
        %shift_right_logical3A_92 = arith.constant 15 : i32
        %shift_right_logical3A_93 = vector.broadcast %shift_right_logical3A_92 : i32 to vector<16xi32>
        %shift_right_logical3A_94 = arith.shrui %get3A_91, %shift_right_logical3A_93 : vector<16xi32>
        %eq3A_95 = vector.broadcast %add3A : i32 to vector<16xi32>
        %eq3A_96 = arith.cmpi eq, %shift_right_logical3A_94, %eq3A_95 : vector<16xi32>
        %broadcast_in_dim3A_97 = arith.constant true
        %broadcast_in_dim3A_98 = vector.broadcast %broadcast_in_dim3A_97 : i1 to vector<16xi1>
        %unique3A_99, %unique3A_100 = tpu.scan_count mask(%broadcast_in_dim3A_98 : vector<16xi1>) value(%get3A_91 : vector<16xi32>) : vector<16xi1>, vector<16xi32>
        %and3A_101 = arith.andi %eq3A_96, %unique3A_99 : vector<16xi1>
        %and3A_102 = arith.constant 32767 : i32
        %and3A_103 = vector.broadcast %and3A_102 : i32 to vector<16xi32>
        %and3A_104 = arith.andi %get3A_91, %and3A_103 : vector<16xi32>
        %add3A_105 = arith.addi %add3A_39, %add3A_49 : i32
        %add3A_106 = arith.constant 32 : i32
        %add3A_107 = arith.addi %add3A_105, %add3A_106 : i32
        %add3A_108 = vector.broadcast %add3A_107 : i32 to vector<16xi32>
        %add3A_109 = arith.addi %add3A_108, %iota3A : vector<16xi32>
        tpu.vector_store_idx %arg5[%and3A_104], %add3A_109 masked %and3A_101 : memref<32768xi32, #tpu.memory_space<vmem>>[vector<16xi32>], vector<16xi32>, vector<16xi1>
        %add3A_110 = arith.constant 48 : i32
        %add3A_111 = arith.addi %add3A_49, %add3A_110 : i32
        %get3A_112 = arith.index_cast %add3A_111 : i32 to index
        %get3A_113 = tpu.vector_load %arg7[%get3A_112] {strides = array<i32>} : memref<2048xi32, #tpu.memory_space<vmem>>, vector<16xi32>,
        %shift_right_logical3A_114 = arith.constant 15 : i32
        %shift_right_logical3A_115 = vector.broadcast %shift_right_logical3A_114 : i32 to vector<16xi32>
        %shift_right_logical3A_116 = arith.shrui %get3A_113, %shift_right_logical3A_115 : vector<16xi32>
        %eq3A_117 = vector.broadcast %add3A : i32 to vector<16xi32>
        %eq3A_118 = arith.cmpi eq, %shift_right_logical3A_116, %eq3A_117 : vector<16xi32>
        %broadcast_in_dim3A_119 = arith.constant true
        %broadcast_in_dim3A_120 = vector.broadcast %broadcast_in_dim3A_119 : i1 to vector<16xi1>
        %unique3A_121, %unique3A_122 = tpu.scan_count mask(%broadcast_in_dim3A_120 : vector<16xi1>) value(%get3A_113 : vector<16xi32>) : vector<16xi1>, vector<16xi32>
        %and3A_123 = arith.andi %eq3A_118, %unique3A_121 : vector<16xi1>
        %and3A_124 = arith.constant 32767 : i32
        %and3A_125 = vector.broadcast %and3A_124 : i32 to vector<16xi32>
        %and3A_126 = arith.andi %get3A_113, %and3A_125 : vector<16xi32>
        %add3A_127 = arith.addi %add3A_39, %add3A_49 : i32
        %add3A_128 = arith.constant 48 : i32
        %add3A_129 = arith.addi %add3A_127, %add3A_128 : i32
        %add3A_130 = vector.broadcast %add3A_129 : i32 to vector<16xi32>
        %add3A_131 = arith.addi %add3A_130, %iota3A : vector<16xi32>
        tpu.vector_store_idx %arg5[%and3A_126], %add3A_131 masked %and3A_123 : memref<32768xi32, #tpu.memory_space<vmem>>[vector<16xi32>], vector<16xi32>, vector<16xi1>
        %add3A_132 = arith.constant 64 : i32
        %add3A_133 = arith.addi %add3A_49, %add3A_132 : i32
        %get3A_134 = arith.index_cast %add3A_133 : i32 to index
        %get3A_135 = tpu.vector_load %arg7[%get3A_134] {strides = array<i32>} : memref<2048xi32, #tpu.memory_space<vmem>>, vector<16xi32>,
        %shift_right_logical3A_136 = arith.constant 15 : i32
        %shift_right_logical3A_137 = vector.broadcast %shift_right_logical3A_136 : i32 to vector<16xi32>
        %shift_right_logical3A_138 = arith.shrui %get3A_135, %shift_right_logical3A_137 : vector<16xi32>
        %eq3A_139 = vector.broadcast %add3A : i32 to vector<16xi32>
        %eq3A_140 = arith.cmpi eq, %shift_right_logical3A_138, %eq3A_139 : vector<16xi32>
        %broadcast_in_dim3A_141 = arith.constant true
        %broadcast_in_dim3A_142 = vector.broadcast %broadcast_in_dim3A_141 : i1 to vector<16xi1>
        %unique3A_143, %unique3A_144 = tpu.scan_count mask(%broadcast_in_dim3A_142 : vector<16xi1>) value(%get3A_135 : vector<16xi32>) : vector<16xi1>, vector<16xi32>
        %and3A_145 = arith.andi %eq3A_140, %unique3A_143 : vector<16xi1>
        %and3A_146 = arith.constant 32767 : i32
        %and3A_147 = vector.broadcast %and3A_146 : i32 to vector<16xi32>
        %and3A_148 = arith.andi %get3A_135, %and3A_147 : vector<16xi32>
        %add3A_149 = arith.addi %add3A_39, %add3A_49 : i32
        %add3A_150 = arith.constant 64 : i32
        %add3A_151 = arith.addi %add3A_149, %add3A_150 : i32
        %add3A_152 = vector.broadcast %add3A_151 : i32 to vector<16xi32>
        %add3A_153 = arith.addi %add3A_152, %iota3A : vector<16xi32>
        tpu.vector_store_idx %arg5[%and3A_148], %add3A_153 masked %and3A_145 : memref<32768xi32, #tpu.memory_space<vmem>>[vector<16xi32>], vector<16xi32>, vector<16xi1>
        %add3A_154 = arith.constant 80 : i32
        %add3A_155 = arith.addi %add3A_49, %add3A_154 : i32
        %get3A_156 = arith.index_cast %add3A_155 : i32 to index
        %get3A_157 = tpu.vector_load %arg7[%get3A_156] {strides = array<i32>} : memref<2048xi32, #tpu.memory_space<vmem>>, vector<16xi32>,
        %shift_right_logical3A_158 = arith.constant 15 : i32
        %shift_right_logical3A_159 = vector.broadcast %shift_right_logical3A_158 : i32 to vector<16xi32>
        %shift_right_logical3A_160 = arith.shrui %get3A_157, %shift_right_logical3A_159 : vector<16xi32>
        %eq3A_161 = vector.broadcast %add3A : i32 to vector<16xi32>
        %eq3A_162 = arith.cmpi eq, %shift_right_logical3A_160, %eq3A_161 : vector<16xi32>
        %broadcast_in_dim3A_163 = arith.constant true
        %broadcast_in_dim3A_164 = vector.broadcast %broadcast_in_dim3A_163 : i1 to vector<16xi1>
        %unique3A_165, %unique3A_166 = tpu.scan_count mask(%broadcast_in_dim3A_164 : vector<16xi1>) value(%get3A_157 : vector<16xi32>) : vector<16xi1>, vector<16xi32>
        %and3A_167 = arith.andi %eq3A_162, %unique3A_165 : vector<16xi1>
        %and3A_168 = arith.constant 32767 : i32
        %and3A_169 = vector.broadcast %and3A_168 : i32 to vector<16xi32>
        %and3A_170 = arith.andi %get3A_157, %and3A_169 : vector<16xi32>
        %add3A_171 = arith.addi %add3A_39, %add3A_49 : i32
        %add3A_172 = arith.constant 80 : i32
        %add3A_173 = arith.addi %add3A_171, %add3A_172 : i32
        %add3A_174 = vector.broadcast %add3A_173 : i32 to vector<16xi32>
        %add3A_175 = arith.addi %add3A_174, %iota3A : vector<16xi32>
        tpu.vector_store_idx %arg5[%and3A_170], %add3A_175 masked %and3A_167 : memref<32768xi32, #tpu.memory_space<vmem>>[vector<16xi32>], vector<16xi32>, vector<16xi1>
        %add3A_176 = arith.constant 96 : i32
        %add3A_177 = arith.addi %add3A_49, %add3A_176 : i32
        %get3A_178 = arith.index_cast %add3A_177 : i32 to index
        %get3A_179 = tpu.vector_load %arg7[%get3A_178] {strides = array<i32>} : memref<2048xi32, #tpu.memory_space<vmem>>, vector<16xi32>,
        %shift_right_logical3A_180 = arith.constant 15 : i32
        %shift_right_logical3A_181 = vector.broadcast %shift_right_logical3A_180 : i32 to vector<16xi32>
        %shift_right_logical3A_182 = arith.shrui %get3A_179, %shift_right_logical3A_181 : vector<16xi32>
        %eq3A_183 = vector.broadcast %add3A : i32 to vector<16xi32>
        %eq3A_184 = arith.cmpi eq, %shift_right_logical3A_182, %eq3A_183 : vector<16xi32>
        %broadcast_in_dim3A_185 = arith.constant true
        %broadcast_in_dim3A_186 = vector.broadcast %broadcast_in_dim3A_185 : i1 to vector<16xi1>
        %unique3A_187, %unique3A_188 = tpu.scan_count mask(%broadcast_in_dim3A_186 : vector<16xi1>) value(%get3A_179 : vector<16xi32>) : vector<16xi1>, vector<16xi32>
        %and3A_189 = arith.andi %eq3A_184, %unique3A_187 : vector<16xi1>
        %and3A_190 = arith.constant 32767 : i32
        %and3A_191 = vector.broadcast %and3A_190 : i32 to vector<16xi32>
        %and3A_192 = arith.andi %get3A_179, %and3A_191 : vector<16xi32>
        %add3A_193 = arith.addi %add3A_39, %add3A_49 : i32
        %add3A_194 = arith.constant 96 : i32
        %add3A_195 = arith.addi %add3A_193, %add3A_194 : i32
        %add3A_196 = vector.broadcast %add3A_195 : i32 to vector<16xi32>
        %add3A_197 = arith.addi %add3A_196, %iota3A : vector<16xi32>
        tpu.vector_store_idx %arg5[%and3A_192], %add3A_197 masked %and3A_189 : memref<32768xi32, #tpu.memory_space<vmem>>[vector<16xi32>], vector<16xi32>, vector<16xi1>
        %add3A_198 = arith.constant 112 : i32
        %add3A_199 = arith.addi %add3A_49, %add3A_198 : i32
        %get3A_200 = arith.index_cast %add3A_199 : i32 to index
        %get3A_201 = tpu.vector_load %arg7[%get3A_200] {strides = array<i32>} : memref<2048xi32, #tpu.memory_space<vmem>>, vector<16xi32>,
        %shift_right_logical3A_202 = arith.constant 15 : i32
        %shift_right_logical3A_203 = vector.broadcast %shift_right_logical3A_202 : i32 to vector<16xi32>
        %shift_right_logical3A_204 = arith.shrui %get3A_201, %shift_right_logical3A_203 : vector<16xi32>
        %eq3A_205 = vector.broadcast %add3A : i32 to vector<16xi32>
        %eq3A_206 = arith.cmpi eq, %shift_right_logical3A_204, %eq3A_205 : vector<16xi32>
        %broadcast_in_dim3A_207 = arith.constant true
        %broadcast_in_dim3A_208 = vector.broadcast %broadcast_in_dim3A_207 : i1 to vector<16xi1>
        %unique3A_209, %unique3A_210 = tpu.scan_count mask(%broadcast_in_dim3A_208 : vector<16xi1>) value(%get3A_201 : vector<16xi32>) : vector<16xi1>, vector<16xi32>
        %and3A_211 = arith.andi %eq3A_206, %unique3A_209 : vector<16xi1>
        %and3A_212 = arith.constant 32767 : i32
        %and3A_213 = vector.broadcast %and3A_212 : i32 to vector<16xi32>
        %and3A_214 = arith.andi %get3A_201, %and3A_213 : vector<16xi32>
        %add3A_215 = arith.addi %add3A_39, %add3A_49 : i32
        %add3A_216 = arith.constant 112 : i32
        %add3A_217 = arith.addi %add3A_215, %add3A_216 : i32
        %add3A_218 = vector.broadcast %add3A_217 : i32 to vector<16xi32>
        %add3A_219 = arith.addi %add3A_218, %iota3A : vector<16xi32>
        tpu.vector_store_idx %arg5[%and3A_214], %add3A_219 masked %and3A_211 : memref<32768xi32, #tpu.memory_space<vmem>>[vector<16xi32>], vector<16xi32>, vector<16xi1>
      }
      %scan3A_44 = arith.constant 16 : i32
    }
    %scan3A_7 = arith.constant 8 : i32
    %mul3A_8 = arith.constant 32768 : i32
    %mul3A_9 = arith.muli %add3A, %mul3A_8 : i32
    "tpu.region"() ({
      %run_scoped3A = tpu.sem_alloc : memref<!tpu.dma_semaphore, #tpu.memory_space<semaphore_mem>>
      %dma_start3A_10 = tpu.memref_slice %arg4[%mul3A_9] : memref<1048576xi32, #tpu.memory_space<hbm>> -> memref<32768xi32, #tpu.memory_space<hbm>>
      %dma_start3A_11 = tpu.memref_slice %arg4[%mul3A_9] : memref<1048576xi32, #tpu.memory_space<hbm>> -> memref<32768xi32, #tpu.memory_space<hbm>>
      tpu.enqueue_dma source(%arg5 : memref<32768xi32, #tpu.memory_space<vmem>>) target(%dma_start3A_11 : memref<32768xi32, #tpu.memory_space<hbm>>) target_semaphore(%run_scoped3A : memref<!tpu.dma_semaphore, #tpu.memory_space<semaphore_mem>>)
      %dma_wait3A = tpu.memref_slice %arg4[%mul3A_9] : memref<1048576xi32, #tpu.memory_space<hbm>> -> memref<32768xi32, #tpu.memory_space<hbm>>
      %dma_wait3A_12 = tpu.memref_slice %arg4[%mul3A_9] : memref<1048576xi32, #tpu.memory_space<hbm>> -> memref<32768xi32, #tpu.memory_space<hbm>>
      tpu.wait_dma2 semaphore(%run_scoped3A : memref<!tpu.dma_semaphore, #tpu.memory_space<semaphore_mem>>) src(%arg5 : memref<32768xi32, #tpu.memory_space<vmem>>) dst(%dma_wait3A_12 : memref<32768xi32, #tpu.memory_space<hbm>>)
      tpu.yield
    }) : () -> ()
    return
  }
}

#map = affine_map<(d0, d1) -> (0)>
#map1 = affine_map<(d0, d1) -> (0, 0)>
module attributes {stable_mosaic.version = 14 : i64} {
  func.func @_sgather_body(%arg0: i32, %arg1: i32, %arg2: memref<32768xi32, #tpu.memory_space<hbm>>, %arg3: memref<32768xi32, #tpu.memory_space<hbm>>, %arg4: memref<1024x128xi32, #tpu.memory_space<hbm>>, %arg5: memref<32768x128xi32, #tpu.memory_space<hbm>>, %arg6: memref<32768x128xi32, #tpu.memory_space<hbm>>, %arg7: memref<1024xi32, #tpu.memory_space<vmem>>, %arg8: memref<1024xi32, #tpu.memory_space<vmem>>, %arg9: memref<128x128xi32, #tpu.memory_space<vmem>>, %arg10: memref<128x128xi32, #tpu.memory_space<vmem>>, %arg11: memref<128x128xi32, #tpu.memory_space<vmem>>, %arg12: memref<128x128xi32, #tpu.memory_space<vmem>>, %arg13: memref<1024x128xi32, #tpu.memory_space<vmem_shared>>, %arg14: memref<!tpu.dma_semaphore, #tpu.memory_space<semaphore_mem>>, %arg15: memref<!tpu.dma_semaphore, #tpu.memory_space<semaphore_mem>>) attributes {dimension_semantics = [#tpu.dimension_semantics<core_parallel>, #tpu.dimension_semantics<subcore_parallel>], iteration_bounds = array<i64: 2, 16>, scalar_prefetch = 0 : i64, scratch_operands = 9 : i64, tpu.core_type = #tpu.core_type<sc_vector_subcore>, window_params = [{transform_indices = #map}, {transform_indices = #map}, {transform_indices = #map1}, {transform_indices = #map1}, {transform_indices = #map1}]} {
    %mul3A = arith.constant 2 : i32
    %mul3A_0 = arith.muli %arg1, %mul3A : i32
    %add3A = arith.addi %mul3A_0, %arg0 : i32
    %mul3A_1 = arith.constant 1024 : i32
    %mul3A_2 = arith.muli %add3A, %mul3A_1 : i32
    %eq3A = arith.constant 0 : i32
    %eq3A_3 = arith.cmpi eq, %arg1, %eq3A : i32
    %convert_element_type3A = arith.extui %eq3A_3 : i1 to i32
    %cond3A = arith.constant 0 : i32
    %cond3A_4 = arith.cmpi ne, %convert_element_type3A, %cond3A : i32
    scf.if %cond3A_4 {
      "tpu.region"() ({
        %run_scoped3A = tpu.sem_alloc : memref<!tpu.dma_semaphore, #tpu.memory_space<semaphore_mem>>
        tpu.enqueue_dma source(%arg4 : memref<1024x128xi32, #tpu.memory_space<hbm>>) target(%arg13 : memref<1024x128xi32, #tpu.memory_space<vmem_shared>>) target_semaphore(%run_scoped3A : memref<!tpu.dma_semaphore, #tpu.memory_space<semaphore_mem>>)
        tpu.wait_dma2 semaphore(%run_scoped3A : memref<!tpu.dma_semaphore, #tpu.memory_space<semaphore_mem>>) src(%arg4 : memref<1024x128xi32, #tpu.memory_space<hbm>>) dst(%arg13 : memref<1024x128xi32, #tpu.memory_space<vmem_shared>>)
        tpu.yield
      }) : () -> ()
    } else {
    }
    "tpu.region"() ({
      %run_scoped3A = tpu.sem_alloc : memref<!tpu.dma_semaphore, #tpu.memory_space<semaphore_mem>>
      %dma_start3A = tpu.memref_slice %arg2[%mul3A_2] : memref<32768xi32, #tpu.memory_space<hbm>> -> memref<1024xi32, #tpu.memory_space<hbm>>
      %dma_start3A_9 = tpu.memref_slice %arg2[%mul3A_2] : memref<32768xi32, #tpu.memory_space<hbm>> -> memref<1024xi32, #tpu.memory_space<hbm>>
      tpu.enqueue_dma source(%dma_start3A_9 : memref<1024xi32, #tpu.memory_space<hbm>>) target(%arg7 : memref<1024xi32, #tpu.memory_space<vmem>>) target_semaphore(%run_scoped3A : memref<!tpu.dma_semaphore, #tpu.memory_space<semaphore_mem>>)
      %dma_wait3A = tpu.memref_slice %arg2[%mul3A_2] : memref<32768xi32, #tpu.memory_space<hbm>> -> memref<1024xi32, #tpu.memory_space<hbm>>
      %dma_wait3A_10 = tpu.memref_slice %arg2[%mul3A_2] : memref<32768xi32, #tpu.memory_space<hbm>> -> memref<1024xi32, #tpu.memory_space<hbm>>
      tpu.wait_dma2 semaphore(%run_scoped3A : memref<!tpu.dma_semaphore, #tpu.memory_space<semaphore_mem>>) src(%dma_wait3A_10 : memref<1024xi32, #tpu.memory_space<hbm>>) dst(%arg7 : memref<1024xi32, #tpu.memory_space<vmem>>)
      tpu.yield
    }) : () -> ()
    "tpu.region"() ({
      %run_scoped3A = tpu.sem_alloc : memref<!tpu.dma_semaphore, #tpu.memory_space<semaphore_mem>>
      %dma_start3A = tpu.memref_slice %arg3[%mul3A_2] : memref<32768xi32, #tpu.memory_space<hbm>> -> memref<1024xi32, #tpu.memory_space<hbm>>
      %dma_start3A_9 = tpu.memref_slice %arg3[%mul3A_2] : memref<32768xi32, #tpu.memory_space<hbm>> -> memref<1024xi32, #tpu.memory_space<hbm>>
      tpu.enqueue_dma source(%dma_start3A_9 : memref<1024xi32, #tpu.memory_space<hbm>>) target(%arg8 : memref<1024xi32, #tpu.memory_space<vmem>>) target_semaphore(%run_scoped3A : memref<!tpu.dma_semaphore, #tpu.memory_space<semaphore_mem>>)
      %dma_wait3A = tpu.memref_slice %arg3[%mul3A_2] : memref<32768xi32, #tpu.memory_space<hbm>> -> memref<1024xi32, #tpu.memory_space<hbm>>
      %dma_wait3A_10 = tpu.memref_slice %arg3[%mul3A_2] : memref<32768xi32, #tpu.memory_space<hbm>> -> memref<1024xi32, #tpu.memory_space<hbm>>
      tpu.wait_dma2 semaphore(%run_scoped3A : memref<!tpu.dma_semaphore, #tpu.memory_space<semaphore_mem>>) src(%dma_wait3A_10 : memref<1024xi32, #tpu.memory_space<hbm>>) dst(%arg8 : memref<1024xi32, #tpu.memory_space<vmem>>)
      tpu.yield
    }) : () -> ()
    %barrier3A = arith.constant 0 : index
    tpu.barrier barrier_id(%barrier3A)
    %scan3A = arith.constant 0 : i32
    %scan3A_5 = arith.constant 4 : i32
    %scan3A_6 = arith.addi %scan3A, %scan3A_5 : i32
    %scan3A_7 = arith.constant 1 : i32
    scf.for %scan3A_9 = %scan3A to %scan3A_6 step %scan3A_7  : i32 {
      %mul3A_10 = arith.constant 256 : i32
      %mul3A_11 = arith.muli %scan3A_9, %mul3A_10 : i32
      %add3A_12 = arith.constant 0 : i32
      %add3A_13 = arith.addi %add3A_12, %mul3A_11 : i32
      %dma_start3A = tpu.memref_slice %arg8[%add3A_13] : memref<1024xi32, #tpu.memory_space<vmem>> -> memref<128xi32, #tpu.memory_space<vmem>>
      %dma_start3A_14 = arith.constant 0 : i32
      %dma_start3A_15 = arith.constant 0 : i32
      %dma_start3A_16 = tpu.memref_slice %arg13[%dma_start3A_14, %dma_start3A_15] : memref<1024x128xi32, #tpu.memory_space<vmem_shared>> -> memref<1024x128xi32, #tpu.memory_space<vmem_shared>>
      tpu.enqueue_indirect_dma source(%dma_start3A_16 : memref<1024x128xi32, #tpu.memory_space<vmem_shared>>) target(%arg9 : memref<128x128xi32, #tpu.memory_space<vmem>>) offsets(%dma_start3A : memref<128xi32, #tpu.memory_space<vmem>>) semaphore(%arg14 : memref<!tpu.dma_semaphore, #tpu.memory_space<semaphore_mem>>)
      %dma_start3A_17 = tpu.memref_slice %arg7[%add3A_13] : memref<1024xi32, #tpu.memory_space<vmem>> -> memref<128xi32, #tpu.memory_space<vmem>>
      %dma_start3A_18 = arith.constant 0 : i32
      %dma_start3A_19 = arith.constant 0 : i32
      %dma_start3A_20 = tpu.memref_slice %arg13[%dma_start3A_18, %dma_start3A_19] : memref<1024x128xi32, #tpu.memory_space<vmem_shared>> -> memref<1024x128xi32, #tpu.memory_space<vmem_shared>>
      tpu.enqueue_indirect_dma source(%dma_start3A_20 : memref<1024x128xi32, #tpu.memory_space<vmem_shared>>) target(%arg10 : memref<128x128xi32, #tpu.memory_space<vmem>>) offsets(%dma_start3A_17 : memref<128xi32, #tpu.memory_space<vmem>>) semaphore(%arg14 : memref<!tpu.dma_semaphore, #tpu.memory_space<semaphore_mem>>)
      %add3A_21 = arith.constant 128 : i32
      %add3A_22 = arith.addi %add3A_13, %add3A_21 : i32
      %dma_start3A_23 = tpu.memref_slice %arg8[%add3A_22] : memref<1024xi32, #tpu.memory_space<vmem>> -> memref<128xi32, #tpu.memory_space<vmem>>
      %dma_start3A_24 = arith.constant 0 : i32
      %dma_start3A_25 = arith.constant 0 : i32
      %dma_start3A_26 = tpu.memref_slice %arg13[%dma_start3A_24, %dma_start3A_25] : memref<1024x128xi32, #tpu.memory_space<vmem_shared>> -> memref<1024x128xi32, #tpu.memory_space<vmem_shared>>
      tpu.enqueue_indirect_dma source(%dma_start3A_26 : memref<1024x128xi32, #tpu.memory_space<vmem_shared>>) target(%arg11 : memref<128x128xi32, #tpu.memory_space<vmem>>) offsets(%dma_start3A_23 : memref<128xi32, #tpu.memory_space<vmem>>) semaphore(%arg14 : memref<!tpu.dma_semaphore, #tpu.memory_space<semaphore_mem>>)
      %add3A_27 = arith.constant 128 : i32
      %add3A_28 = arith.addi %add3A_13, %add3A_27 : i32
      %dma_start3A_29 = tpu.memref_slice %arg7[%add3A_28] : memref<1024xi32, #tpu.memory_space<vmem>> -> memref<128xi32, #tpu.memory_space<vmem>>
      %dma_start3A_30 = arith.constant 0 : i32
      %dma_start3A_31 = arith.constant 0 : i32
      %dma_start3A_32 = tpu.memref_slice %arg13[%dma_start3A_30, %dma_start3A_31] : memref<1024x128xi32, #tpu.memory_space<vmem_shared>> -> memref<1024x128xi32, #tpu.memory_space<vmem_shared>>
      tpu.enqueue_indirect_dma source(%dma_start3A_32 : memref<1024x128xi32, #tpu.memory_space<vmem_shared>>) target(%arg12 : memref<128x128xi32, #tpu.memory_space<vmem>>) offsets(%dma_start3A_29 : memref<128xi32, #tpu.memory_space<vmem>>) semaphore(%arg14 : memref<!tpu.dma_semaphore, #tpu.memory_space<semaphore_mem>>)
      %dma_wait3A = tpu.memref_slice %arg8[%add3A_13] : memref<1024xi32, #tpu.memory_space<vmem>> -> memref<128xi32, #tpu.memory_space<vmem>>
      %dma_wait3A_33 = arith.constant 0 : i32
      %dma_wait3A_34 = arith.constant 0 : i32
      %dma_wait3A_35 = tpu.memref_slice %arg13[%dma_wait3A_33, %dma_wait3A_34] : memref<1024x128xi32, #tpu.memory_space<vmem_shared>> -> memref<1024x128xi32, #tpu.memory_space<vmem_shared>>
      tpu.wait_indirect_dma semaphore(%arg14 : memref<!tpu.dma_semaphore, #tpu.memory_space<semaphore_mem>>) src(%dma_wait3A_35 : memref<1024x128xi32, #tpu.memory_space<vmem_shared>>) dst(%arg9 : memref<128x128xi32, #tpu.memory_space<vmem>>)
      %dma_wait3A_36 = tpu.memref_slice %arg7[%add3A_13] : memref<1024xi32, #tpu.memory_space<vmem>> -> memref<128xi32, #tpu.memory_space<vmem>>
      %dma_wait3A_37 = arith.constant 0 : i32
      %dma_wait3A_38 = arith.constant 0 : i32
      %dma_wait3A_39 = tpu.memref_slice %arg13[%dma_wait3A_37, %dma_wait3A_38] : memref<1024x128xi32, #tpu.memory_space<vmem_shared>> -> memref<1024x128xi32, #tpu.memory_space<vmem_shared>>
      tpu.wait_indirect_dma semaphore(%arg14 : memref<!tpu.dma_semaphore, #tpu.memory_space<semaphore_mem>>) src(%dma_wait3A_39 : memref<1024x128xi32, #tpu.memory_space<vmem_shared>>) dst(%arg10 : memref<128x128xi32, #tpu.memory_space<vmem>>)
      %dma_wait3A_40 = tpu.memref_slice %arg8[%add3A_22] : memref<1024xi32, #tpu.memory_space<vmem>> -> memref<128xi32, #tpu.memory_space<vmem>>
      %dma_wait3A_41 = arith.constant 0 : i32
      %dma_wait3A_42 = arith.constant 0 : i32
      %dma_wait3A_43 = tpu.memref_slice %arg13[%dma_wait3A_41, %dma_wait3A_42] : memref<1024x128xi32, #tpu.memory_space<vmem_shared>> -> memref<1024x128xi32, #tpu.memory_space<vmem_shared>>
      tpu.wait_indirect_dma semaphore(%arg14 : memref<!tpu.dma_semaphore, #tpu.memory_space<semaphore_mem>>) src(%dma_wait3A_43 : memref<1024x128xi32, #tpu.memory_space<vmem_shared>>) dst(%arg11 : memref<128x128xi32, #tpu.memory_space<vmem>>)
      %dma_wait3A_44 = tpu.memref_slice %arg7[%add3A_28] : memref<1024xi32, #tpu.memory_space<vmem>> -> memref<128xi32, #tpu.memory_space<vmem>>
      %dma_wait3A_45 = arith.constant 0 : i32
      %dma_wait3A_46 = arith.constant 0 : i32
      %dma_wait3A_47 = tpu.memref_slice %arg13[%dma_wait3A_45, %dma_wait3A_46] : memref<1024x128xi32, #tpu.memory_space<vmem_shared>> -> memref<1024x128xi32, #tpu.memory_space<vmem_shared>>
      tpu.wait_indirect_dma semaphore(%arg14 : memref<!tpu.dma_semaphore, #tpu.memory_space<semaphore_mem>>) src(%dma_wait3A_47 : memref<1024x128xi32, #tpu.memory_space<vmem_shared>>) dst(%arg12 : memref<128x128xi32, #tpu.memory_space<vmem>>)
      %add3A_48 = arith.addi %mul3A_2, %add3A_13 : i32
      %dma_start3A_49 = arith.constant 0 : i32
      %dma_start3A_50 = tpu.memref_slice %arg5[%add3A_48, %dma_start3A_49] : memref<32768x128xi32, #tpu.memory_space<hbm>> -> memref<128x128xi32, #tpu.memory_space<hbm>>
      %dma_start3A_51 = arith.constant 0 : i32
      %dma_start3A_52 = tpu.memref_slice %arg5[%add3A_48, %dma_start3A_51] : memref<32768x128xi32, #tpu.memory_space<hbm>> -> memref<128x128xi32, #tpu.memory_space<hbm>>
      tpu.enqueue_dma source(%arg9 : memref<128x128xi32, #tpu.memory_space<vmem>>) target(%dma_start3A_52 : memref<128x128xi32, #tpu.memory_space<hbm>>) target_semaphore(%arg15 : memref<!tpu.dma_semaphore, #tpu.memory_space<semaphore_mem>>)
      %add3A_53 = arith.addi %mul3A_2, %add3A_13 : i32
      %dma_start3A_54 = arith.constant 0 : i32
      %dma_start3A_55 = tpu.memref_slice %arg6[%add3A_53, %dma_start3A_54] : memref<32768x128xi32, #tpu.memory_space<hbm>> -> memref<128x128xi32, #tpu.memory_space<hbm>>
      %dma_start3A_56 = arith.constant 0 : i32
      %dma_start3A_57 = tpu.memref_slice %arg6[%add3A_53, %dma_start3A_56] : memref<32768x128xi32, #tpu.memory_space<hbm>> -> memref<128x128xi32, #tpu.memory_space<hbm>>
      tpu.enqueue_dma source(%arg10 : memref<128x128xi32, #tpu.memory_space<vmem>>) target(%dma_start3A_57 : memref<128x128xi32, #tpu.memory_space<hbm>>) target_semaphore(%arg15 : memref<!tpu.dma_semaphore, #tpu.memory_space<semaphore_mem>>)
      %add3A_58 = arith.addi %mul3A_2, %add3A_13 : i32
      %add3A_59 = arith.constant 128 : i32
      %add3A_60 = arith.addi %add3A_58, %add3A_59 : i32
      %dma_start3A_61 = arith.constant 0 : i32
      %dma_start3A_62 = tpu.memref_slice %arg5[%add3A_60, %dma_start3A_61] : memref<32768x128xi32, #tpu.memory_space<hbm>> -> memref<128x128xi32, #tpu.memory_space<hbm>>
      %dma_start3A_63 = arith.constant 0 : i32
      %dma_start3A_64 = tpu.memref_slice %arg5[%add3A_60, %dma_start3A_63] : memref<32768x128xi32, #tpu.memory_space<hbm>> -> memref<128x128xi32, #tpu.memory_space<hbm>>
      tpu.enqueue_dma source(%arg11 : memref<128x128xi32, #tpu.memory_space<vmem>>) target(%dma_start3A_64 : memref<128x128xi32, #tpu.memory_space<hbm>>) target_semaphore(%arg15 : memref<!tpu.dma_semaphore, #tpu.memory_space<semaphore_mem>>)
      %add3A_65 = arith.addi %mul3A_2, %add3A_13 : i32
      %add3A_66 = arith.constant 128 : i32
      %add3A_67 = arith.addi %add3A_65, %add3A_66 : i32
      %dma_start3A_68 = arith.constant 0 : i32
      %dma_start3A_69 = tpu.memref_slice %arg6[%add3A_67, %dma_start3A_68] : memref<32768x128xi32, #tpu.memory_space<hbm>> -> memref<128x128xi32, #tpu.memory_space<hbm>>
      %dma_start3A_70 = arith.constant 0 : i32
      %dma_start3A_71 = tpu.memref_slice %arg6[%add3A_67, %dma_start3A_70] : memref<32768x128xi32, #tpu.memory_space<hbm>> -> memref<128x128xi32, #tpu.memory_space<hbm>>
      tpu.enqueue_dma source(%arg12 : memref<128x128xi32, #tpu.memory_space<vmem>>) target(%dma_start3A_71 : memref<128x128xi32, #tpu.memory_space<hbm>>) target_semaphore(%arg15 : memref<!tpu.dma_semaphore, #tpu.memory_space<semaphore_mem>>)
      %dma_wait3A_72 = arith.constant 0 : i32
      %dma_wait3A_73 = tpu.memref_slice %arg5[%add3A_48, %dma_wait3A_72] : memref<32768x128xi32, #tpu.memory_space<hbm>> -> memref<128x128xi32, #tpu.memory_space<hbm>>
      %dma_wait3A_74 = arith.constant 0 : i32
      %dma_wait3A_75 = tpu.memref_slice %arg5[%add3A_48, %dma_wait3A_74] : memref<32768x128xi32, #tpu.memory_space<hbm>> -> memref<128x128xi32, #tpu.memory_space<hbm>>
      tpu.wait_dma2 semaphore(%arg15 : memref<!tpu.dma_semaphore, #tpu.memory_space<semaphore_mem>>) src(%arg9 : memref<128x128xi32, #tpu.memory_space<vmem>>) dst(%dma_wait3A_75 : memref<128x128xi32, #tpu.memory_space<hbm>>)
      %dma_wait3A_76 = arith.constant 0 : i32
      %dma_wait3A_77 = tpu.memref_slice %arg6[%add3A_53, %dma_wait3A_76] : memref<32768x128xi32, #tpu.memory_space<hbm>> -> memref<128x128xi32, #tpu.memory_space<hbm>>
      %dma_wait3A_78 = arith.constant 0 : i32
      %dma_wait3A_79 = tpu.memref_slice %arg6[%add3A_53, %dma_wait3A_78] : memref<32768x128xi32, #tpu.memory_space<hbm>> -> memref<128x128xi32, #tpu.memory_space<hbm>>
      tpu.wait_dma2 semaphore(%arg15 : memref<!tpu.dma_semaphore, #tpu.memory_space<semaphore_mem>>) src(%arg10 : memref<128x128xi32, #tpu.memory_space<vmem>>) dst(%dma_wait3A_79 : memref<128x128xi32, #tpu.memory_space<hbm>>)
      %dma_wait3A_80 = arith.constant 0 : i32
      %dma_wait3A_81 = tpu.memref_slice %arg5[%add3A_60, %dma_wait3A_80] : memref<32768x128xi32, #tpu.memory_space<hbm>> -> memref<128x128xi32, #tpu.memory_space<hbm>>
      %dma_wait3A_82 = arith.constant 0 : i32
      %dma_wait3A_83 = tpu.memref_slice %arg5[%add3A_60, %dma_wait3A_82] : memref<32768x128xi32, #tpu.memory_space<hbm>> -> memref<128x128xi32, #tpu.memory_space<hbm>>
      tpu.wait_dma2 semaphore(%arg15 : memref<!tpu.dma_semaphore, #tpu.memory_space<semaphore_mem>>) src(%arg11 : memref<128x128xi32, #tpu.memory_space<vmem>>) dst(%dma_wait3A_83 : memref<128x128xi32, #tpu.memory_space<hbm>>)
      %dma_wait3A_84 = arith.constant 0 : i32
      %dma_wait3A_85 = tpu.memref_slice %arg6[%add3A_67, %dma_wait3A_84] : memref<32768x128xi32, #tpu.memory_space<hbm>> -> memref<128x128xi32, #tpu.memory_space<hbm>>
      %dma_wait3A_86 = arith.constant 0 : i32
      %dma_wait3A_87 = tpu.memref_slice %arg6[%add3A_67, %dma_wait3A_86] : memref<32768x128xi32, #tpu.memory_space<hbm>> -> memref<128x128xi32, #tpu.memory_space<hbm>>
      tpu.wait_dma2 semaphore(%arg15 : memref<!tpu.dma_semaphore, #tpu.memory_space<semaphore_mem>>) src(%arg12 : memref<128x128xi32, #tpu.memory_space<vmem>>) dst(%dma_wait3A_87 : memref<128x128xi32, #tpu.memory_space<hbm>>)
    }
    %scan3A_8 = arith.constant 4 : i32
    return
  }
}

#map = affine_map<(d0, d1) -> (0)>
#map1 = affine_map<(d0, d1) -> (0, 0)>
module attributes {stable_mosaic.version = 14 : i64} {
  func.func @_esym_body(%arg0: i32, %arg1: i32, %arg2: memref<32768xi32, #tpu.memory_space<hbm>>, %arg3: memref<32768xi32, #tpu.memory_space<hbm>>, %arg4: memref<32768xi32, #tpu.memory_space<hbm>>, %arg5: memref<32768xi32, #tpu.memory_space<hbm>>, %arg6: memref<1048576xi32, #tpu.memory_space<hbm>>, %arg7: memref<32896x16xf32, #tpu.memory_space<hbm>>, %arg8: memref<1024x16xf32, #tpu.memory_space<hbm>>, %arg9: memref<32768x16xf32, #tpu.memory_space<hbm>>, %arg10: memref<32768x16xf32, #tpu.memory_space<hbm>>, %arg11: memref<1024xi32, #tpu.memory_space<vmem>>, %arg12: memref<1024xi32, #tpu.memory_space<vmem>>, %arg13: memref<1024xi32, #tpu.memory_space<vmem>>, %arg14: memref<1024xi32, #tpu.memory_space<vmem>>, %arg15: memref<1024xi32, #tpu.memory_space<vmem>>, %arg16: memref<1024xi32, #tpu.memory_space<vmem>>, %arg17: memref<1024x16xf32, #tpu.memory_space<vmem>>, %arg18: memref<1024x16xf32, #tpu.memory_space<vmem>>, %arg19: memref<1024x16xf32, #tpu.memory_space<vmem>>, %arg20: memref<1024x16xf32, #tpu.memory_space<vmem>>, %arg21: memref<1024x16xf32, #tpu.memory_space<vmem_shared>>, %arg22: memref<!tpu.dma_semaphore, #tpu.memory_space<semaphore_mem>>, %arg23: memref<!tpu.dma_semaphore, #tpu.memory_space<semaphore_mem>>, %arg24: memref<!tpu.dma_semaphore, #tpu.memory_space<semaphore_mem>>, %arg25: memref<!tpu.dma_semaphore, #tpu.memory_space<semaphore_mem>>) attributes {dimension_semantics = [#tpu.dimension_semantics<core_parallel>, #tpu.dimension_semantics<subcore_parallel>], iteration_bounds = array<i64: 2, 16>, scalar_prefetch = 0 : i64, scratch_operands = 15 : i64, tpu.core_type = #tpu.core_type<sc_vector_subcore>, window_params = [{transform_indices = #map}, {transform_indices = #map}, {transform_indices = #map}, {transform_indices = #map}, {transform_indices = #map}, {transform_indices = #map1}, {transform_indices = #map1}, {transform_indices = #map1}, {transform_indices = #map1}]} {
    %mul3A = arith.constant 2 : i32
    %mul3A_0 = arith.muli %arg1, %mul3A : i32
    %add3A = arith.addi %mul3A_0, %arg0 : i32
    %mul3A_1 = arith.constant 1024 : i32
    %mul3A_2 = arith.muli %add3A, %mul3A_1 : i32
    %eq3A = arith.constant 0 : i32
    %eq3A_3 = arith.cmpi eq, %arg1, %eq3A : i32
    %convert_element_type3A = arith.extui %eq3A_3 : i1 to i32
    %cond3A = arith.constant 0 : i32
    %cond3A_4 = arith.cmpi ne, %convert_element_type3A, %cond3A : i32
    scf.if %cond3A_4 {
      "tpu.region"() ({
        %run_scoped3A = tpu.sem_alloc : memref<!tpu.dma_semaphore, #tpu.memory_space<semaphore_mem>>
        tpu.enqueue_dma source(%arg8 : memref<1024x16xf32, #tpu.memory_space<hbm>>) target(%arg21 : memref<1024x16xf32, #tpu.memory_space<vmem_shared>>) target_semaphore(%run_scoped3A : memref<!tpu.dma_semaphore, #tpu.memory_space<semaphore_mem>>)
        tpu.wait_dma2 semaphore(%run_scoped3A : memref<!tpu.dma_semaphore, #tpu.memory_space<semaphore_mem>>) src(%arg8 : memref<1024x16xf32, #tpu.memory_space<hbm>>) dst(%arg21 : memref<1024x16xf32, #tpu.memory_space<vmem_shared>>)
        tpu.yield
      }) : () -> ()
    } else {
    }
    "tpu.region"() ({
      %run_scoped3A = tpu.sem_alloc : memref<!tpu.dma_semaphore, #tpu.memory_space<semaphore_mem>>
      %dma_start3A_732 = tpu.memref_slice %arg2[%mul3A_2] : memref<32768xi32, #tpu.memory_space<hbm>> -> memref<1024xi32, #tpu.memory_space<hbm>>
      %dma_start3A_733 = tpu.memref_slice %arg2[%mul3A_2] : memref<32768xi32, #tpu.memory_space<hbm>> -> memref<1024xi32, #tpu.memory_space<hbm>>
      tpu.enqueue_dma source(%dma_start3A_733 : memref<1024xi32, #tpu.memory_space<hbm>>) target(%arg11 : memref<1024xi32, #tpu.memory_space<vmem>>) target_semaphore(%run_scoped3A : memref<!tpu.dma_semaphore, #tpu.memory_space<semaphore_mem>>)
      %dma_wait3A_734 = tpu.memref_slice %arg2[%mul3A_2] : memref<32768xi32, #tpu.memory_space<hbm>> -> memref<1024xi32, #tpu.memory_space<hbm>>
      %dma_wait3A_735 = tpu.memref_slice %arg2[%mul3A_2] : memref<32768xi32, #tpu.memory_space<hbm>> -> memref<1024xi32, #tpu.memory_space<hbm>>
      tpu.wait_dma2 semaphore(%run_scoped3A : memref<!tpu.dma_semaphore, #tpu.memory_space<semaphore_mem>>) src(%dma_wait3A_735 : memref<1024xi32, #tpu.memory_space<hbm>>) dst(%arg11 : memref<1024xi32, #tpu.memory_space<vmem>>)
      tpu.yield
    }) : () -> ()
    "tpu.region"() ({
      %run_scoped3A = tpu.sem_alloc : memref<!tpu.dma_semaphore, #tpu.memory_space<semaphore_mem>>
      %dma_start3A_732 = tpu.memref_slice %arg3[%mul3A_2] : memref<32768xi32, #tpu.memory_space<hbm>> -> memref<1024xi32, #tpu.memory_space<hbm>>
      %dma_start3A_733 = tpu.memref_slice %arg3[%mul3A_2] : memref<32768xi32, #tpu.memory_space<hbm>> -> memref<1024xi32, #tpu.memory_space<hbm>>
      tpu.enqueue_dma source(%dma_start3A_733 : memref<1024xi32, #tpu.memory_space<hbm>>) target(%arg12 : memref<1024xi32, #tpu.memory_space<vmem>>) target_semaphore(%run_scoped3A : memref<!tpu.dma_semaphore, #tpu.memory_space<semaphore_mem>>)
      %dma_wait3A_734 = tpu.memref_slice %arg3[%mul3A_2] : memref<32768xi32, #tpu.memory_space<hbm>> -> memref<1024xi32, #tpu.memory_space<hbm>>
      %dma_wait3A_735 = tpu.memref_slice %arg3[%mul3A_2] : memref<32768xi32, #tpu.memory_space<hbm>> -> memref<1024xi32, #tpu.memory_space<hbm>>
      tpu.wait_dma2 semaphore(%run_scoped3A : memref<!tpu.dma_semaphore, #tpu.memory_space<semaphore_mem>>) src(%dma_wait3A_735 : memref<1024xi32, #tpu.memory_space<hbm>>) dst(%arg12 : memref<1024xi32, #tpu.memory_space<vmem>>)
      tpu.yield
    }) : () -> ()
    "tpu.region"() ({
      %run_scoped3A = tpu.sem_alloc : memref<!tpu.dma_semaphore, #tpu.memory_space<semaphore_mem>>
      %dma_start3A_732 = tpu.memref_slice %arg4[%mul3A_2] : memref<32768xi32, #tpu.memory_space<hbm>> -> memref<1024xi32, #tpu.memory_space<hbm>>
      %dma_start3A_733 = tpu.memref_slice %arg4[%mul3A_2] : memref<32768xi32, #tpu.memory_space<hbm>> -> memref<1024xi32, #tpu.memory_space<hbm>>
      tpu.enqueue_dma source(%dma_start3A_733 : memref<1024xi32, #tpu.memory_space<hbm>>) target(%arg13 : memref<1024xi32, #tpu.memory_space<vmem>>) target_semaphore(%run_scoped3A : memref<!tpu.dma_semaphore, #tpu.memory_space<semaphore_mem>>)
      %dma_wait3A_734 = tpu.memref_slice %arg4[%mul3A_2] : memref<32768xi32, #tpu.memory_space<hbm>> -> memref<1024xi32, #tpu.memory_space<hbm>>
      %dma_wait3A_735 = tpu.memref_slice %arg4[%mul3A_2] : memref<32768xi32, #tpu.memory_space<hbm>> -> memref<1024xi32, #tpu.memory_space<hbm>>
      tpu.wait_dma2 semaphore(%run_scoped3A : memref<!tpu.dma_semaphore, #tpu.memory_space<semaphore_mem>>) src(%dma_wait3A_735 : memref<1024xi32, #tpu.memory_space<hbm>>) dst(%arg13 : memref<1024xi32, #tpu.memory_space<vmem>>)
      tpu.yield
    }) : () -> ()
    "tpu.region"() ({
      %run_scoped3A = tpu.sem_alloc : memref<!tpu.dma_semaphore, #tpu.memory_space<semaphore_mem>>
      %dma_start3A_732 = tpu.memref_slice %arg5[%mul3A_2] : memref<32768xi32, #tpu.memory_space<hbm>> -> memref<1024xi32, #tpu.memory_space<hbm>>
      %dma_start3A_733 = tpu.memref_slice %arg5[%mul3A_2] : memref<32768xi32, #tpu.memory_space<hbm>> -> memref<1024xi32, #tpu.memory_space<hbm>>
      tpu.enqueue_dma source(%dma_start3A_733 : memref<1024xi32, #tpu.memory_space<hbm>>) target(%arg14 : memref<1024xi32, #tpu.memory_space<vmem>>) target_semaphore(%run_scoped3A : memref<!tpu.dma_semaphore, #tpu.memory_space<semaphore_mem>>)
      %dma_wait3A_734 = tpu.memref_slice %arg5[%mul3A_2] : memref<32768xi32, #tpu.memory_space<hbm>> -> memref<1024xi32, #tpu.memory_space<hbm>>
      %dma_wait3A_735 = tpu.memref_slice %arg5[%mul3A_2] : memref<32768xi32, #tpu.memory_space<hbm>> -> memref<1024xi32, #tpu.memory_space<hbm>>
      tpu.wait_dma2 semaphore(%run_scoped3A : memref<!tpu.dma_semaphore, #tpu.memory_space<semaphore_mem>>) src(%dma_wait3A_735 : memref<1024xi32, #tpu.memory_space<hbm>>) dst(%arg14 : memref<1024xi32, #tpu.memory_space<vmem>>)
      tpu.yield
    }) : () -> ()
    %iota3A = tpu.iota {dimensions = array<i32: 0>} : vector<16xi32>
    %barrier3A = arith.constant 0 : index
    tpu.barrier barrier_id(%barrier3A)
    %dma_start3A = arith.constant 0 : i32
    %dma_start3A_5 = arith.constant 0 : i32
    %dma_start3A_6 = tpu.memref_slice %arg19[%dma_start3A, %dma_start3A_5] : memref<1024x16xf32, #tpu.memory_space<vmem>> -> memref<128x16xf32, #tpu.memory_space<vmem>>
    %dma_start3A_7 = arith.constant 0 : i32
    %dma_start3A_8 = tpu.memref_slice %arg12[%dma_start3A_7] : memref<1024xi32, #tpu.memory_space<vmem>> -> memref<128xi32, #tpu.memory_space<vmem>>
    %dma_start3A_9 = arith.constant 0 : i32
    %dma_start3A_10 = arith.constant 0 : i32
    %dma_start3A_11 = tpu.memref_slice %arg21[%dma_start3A_9, %dma_start3A_10] : memref<1024x16xf32, #tpu.memory_space<vmem_shared>> -> memref<1024x16xf32, #tpu.memory_space<vmem_shared>>
    tpu.enqueue_indirect_dma source(%dma_start3A_11 : memref<1024x16xf32, #tpu.memory_space<vmem_shared>>) target(%dma_start3A_6 : memref<128x16xf32, #tpu.memory_space<vmem>>) offsets(%dma_start3A_8 : memref<128xi32, #tpu.memory_space<vmem>>) semaphore(%arg22 : memref<!tpu.dma_semaphore, #tpu.memory_space<semaphore_mem>>)
    %dma_start3A_12 = arith.constant 0 : i32
    %dma_start3A_13 = arith.constant 0 : i32
    %dma_start3A_14 = tpu.memref_slice %arg20[%dma_start3A_12, %dma_start3A_13] : memref<1024x16xf32, #tpu.memory_space<vmem>> -> memref<128x16xf32, #tpu.memory_space<vmem>>
    %dma_start3A_15 = arith.constant 0 : i32
    %dma_start3A_16 = tpu.memref_slice %arg11[%dma_start3A_15] : memref<1024xi32, #tpu.memory_space<vmem>> -> memref<128xi32, #tpu.memory_space<vmem>>
    %dma_start3A_17 = arith.constant 0 : i32
    %dma_start3A_18 = arith.constant 0 : i32
    %dma_start3A_19 = tpu.memref_slice %arg21[%dma_start3A_17, %dma_start3A_18] : memref<1024x16xf32, #tpu.memory_space<vmem_shared>> -> memref<1024x16xf32, #tpu.memory_space<vmem_shared>>
    tpu.enqueue_indirect_dma source(%dma_start3A_19 : memref<1024x16xf32, #tpu.memory_space<vmem_shared>>) target(%dma_start3A_14 : memref<128x16xf32, #tpu.memory_space<vmem>>) offsets(%dma_start3A_16 : memref<128xi32, #tpu.memory_space<vmem>>) semaphore(%arg22 : memref<!tpu.dma_semaphore, #tpu.memory_space<semaphore_mem>>)
    %dma_start3A_20 = arith.constant 128 : i32
    %dma_start3A_21 = arith.constant 0 : i32
    %dma_start3A_22 = tpu.memref_slice %arg19[%dma_start3A_20, %dma_start3A_21] : memref<1024x16xf32, #tpu.memory_space<vmem>> -> memref<128x16xf32, #tpu.memory_space<vmem>>
    %dma_start3A_23 = arith.constant 128 : i32
    %dma_start3A_24 = tpu.memref_slice %arg12[%dma_start3A_23] : memref<1024xi32, #tpu.memory_space<vmem>> -> memref<128xi32, #tpu.memory_space<vmem>>
    %dma_start3A_25 = arith.constant 0 : i32
    %dma_start3A_26 = arith.constant 0 : i32
    %dma_start3A_27 = tpu.memref_slice %arg21[%dma_start3A_25, %dma_start3A_26] : memref<1024x16xf32, #tpu.memory_space<vmem_shared>> -> memref<1024x16xf32, #tpu.memory_space<vmem_shared>>
    tpu.enqueue_indirect_dma source(%dma_start3A_27 : memref<1024x16xf32, #tpu.memory_space<vmem_shared>>) target(%dma_start3A_22 : memref<128x16xf32, #tpu.memory_space<vmem>>) offsets(%dma_start3A_24 : memref<128xi32, #tpu.memory_space<vmem>>) semaphore(%arg22 : memref<!tpu.dma_semaphore, #tpu.memory_space<semaphore_mem>>)
    %dma_start3A_28 = arith.constant 128 : i32
    %dma_start3A_29 = arith.constant 0 : i32
    %dma_start3A_30 = tpu.memref_slice %arg20[%dma_start3A_28, %dma_start3A_29] : memref<1024x16xf32, #tpu.memory_space<vmem>> -> memref<128x16xf32, #tpu.memory_space<vmem>>
    %dma_start3A_31 = arith.constant 128 : i32
    %dma_start3A_32 = tpu.memref_slice %arg11[%dma_start3A_31] : memref<1024xi32, #tpu.memory_space<vmem>> -> memref<128xi32, #tpu.memory_space<vmem>>
    %dma_start3A_33 = arith.constant 0 : i32
    %dma_start3A_34 = arith.constant 0 : i32
    %dma_start3A_35 = tpu.memref_slice %arg21[%dma_start3A_33, %dma_start3A_34] : memref<1024x16xf32, #tpu.memory_space<vmem_shared>> -> memref<1024x16xf32, #tpu.memory_space<vmem_shared>>
    tpu.enqueue_indirect_dma source(%dma_start3A_35 : memref<1024x16xf32, #tpu.memory_space<vmem_shared>>) target(%dma_start3A_30 : memref<128x16xf32, #tpu.memory_space<vmem>>) offsets(%dma_start3A_32 : memref<128xi32, #tpu.memory_space<vmem>>) semaphore(%arg22 : memref<!tpu.dma_semaphore, #tpu.memory_space<semaphore_mem>>)
    %dma_start3A_36 = arith.constant 256 : i32
    %dma_start3A_37 = arith.constant 0 : i32
    %dma_start3A_38 = tpu.memref_slice %arg19[%dma_start3A_36, %dma_start3A_37] : memref<1024x16xf32, #tpu.memory_space<vmem>> -> memref<128x16xf32, #tpu.memory_space<vmem>>
    %dma_start3A_39 = arith.constant 256 : i32
    %dma_start3A_40 = tpu.memref_slice %arg12[%dma_start3A_39] : memref<1024xi32, #tpu.memory_space<vmem>> -> memref<128xi32, #tpu.memory_space<vmem>>
    %dma_start3A_41 = arith.constant 0 : i32
    %dma_start3A_42 = arith.constant 0 : i32
    %dma_start3A_43 = tpu.memref_slice %arg21[%dma_start3A_41, %dma_start3A_42] : memref<1024x16xf32, #tpu.memory_space<vmem_shared>> -> memref<1024x16xf32, #tpu.memory_space<vmem_shared>>
    tpu.enqueue_indirect_dma source(%dma_start3A_43 : memref<1024x16xf32, #tpu.memory_space<vmem_shared>>) target(%dma_start3A_38 : memref<128x16xf32, #tpu.memory_space<vmem>>) offsets(%dma_start3A_40 : memref<128xi32, #tpu.memory_space<vmem>>) semaphore(%arg22 : memref<!tpu.dma_semaphore, #tpu.memory_space<semaphore_mem>>)
    %dma_start3A_44 = arith.constant 256 : i32
    %dma_start3A_45 = arith.constant 0 : i32
    %dma_start3A_46 = tpu.memref_slice %arg20[%dma_start3A_44, %dma_start3A_45] : memref<1024x16xf32, #tpu.memory_space<vmem>> -> memref<128x16xf32, #tpu.memory_space<vmem>>
    %dma_start3A_47 = arith.constant 256 : i32
    %dma_start3A_48 = tpu.memref_slice %arg11[%dma_start3A_47] : memref<1024xi32, #tpu.memory_space<vmem>> -> memref<128xi32, #tpu.memory_space<vmem>>
    %dma_start3A_49 = arith.constant 0 : i32
    %dma_start3A_50 = arith.constant 0 : i32
    %dma_start3A_51 = tpu.memref_slice %arg21[%dma_start3A_49, %dma_start3A_50] : memref<1024x16xf32, #tpu.memory_space<vmem_shared>> -> memref<1024x16xf32, #tpu.memory_space<vmem_shared>>
    tpu.enqueue_indirect_dma source(%dma_start3A_51 : memref<1024x16xf32, #tpu.memory_space<vmem_shared>>) target(%dma_start3A_46 : memref<128x16xf32, #tpu.memory_space<vmem>>) offsets(%dma_start3A_48 : memref<128xi32, #tpu.memory_space<vmem>>) semaphore(%arg22 : memref<!tpu.dma_semaphore, #tpu.memory_space<semaphore_mem>>)
    %dma_start3A_52 = arith.constant 384 : i32
    %dma_start3A_53 = arith.constant 0 : i32
    %dma_start3A_54 = tpu.memref_slice %arg19[%dma_start3A_52, %dma_start3A_53] : memref<1024x16xf32, #tpu.memory_space<vmem>> -> memref<128x16xf32, #tpu.memory_space<vmem>>
    %dma_start3A_55 = arith.constant 384 : i32
    %dma_start3A_56 = tpu.memref_slice %arg12[%dma_start3A_55] : memref<1024xi32, #tpu.memory_space<vmem>> -> memref<128xi32, #tpu.memory_space<vmem>>
    %dma_start3A_57 = arith.constant 0 : i32
    %dma_start3A_58 = arith.constant 0 : i32
    %dma_start3A_59 = tpu.memref_slice %arg21[%dma_start3A_57, %dma_start3A_58] : memref<1024x16xf32, #tpu.memory_space<vmem_shared>> -> memref<1024x16xf32, #tpu.memory_space<vmem_shared>>
    tpu.enqueue_indirect_dma source(%dma_start3A_59 : memref<1024x16xf32, #tpu.memory_space<vmem_shared>>) target(%dma_start3A_54 : memref<128x16xf32, #tpu.memory_space<vmem>>) offsets(%dma_start3A_56 : memref<128xi32, #tpu.memory_space<vmem>>) semaphore(%arg22 : memref<!tpu.dma_semaphore, #tpu.memory_space<semaphore_mem>>)
    %dma_start3A_60 = arith.constant 384 : i32
    %dma_start3A_61 = arith.constant 0 : i32
    %dma_start3A_62 = tpu.memref_slice %arg20[%dma_start3A_60, %dma_start3A_61] : memref<1024x16xf32, #tpu.memory_space<vmem>> -> memref<128x16xf32, #tpu.memory_space<vmem>>
    %dma_start3A_63 = arith.constant 384 : i32
    %dma_start3A_64 = tpu.memref_slice %arg11[%dma_start3A_63] : memref<1024xi32, #tpu.memory_space<vmem>> -> memref<128xi32, #tpu.memory_space<vmem>>
    %dma_start3A_65 = arith.constant 0 : i32
    %dma_start3A_66 = arith.constant 0 : i32
    %dma_start3A_67 = tpu.memref_slice %arg21[%dma_start3A_65, %dma_start3A_66] : memref<1024x16xf32, #tpu.memory_space<vmem_shared>> -> memref<1024x16xf32, #tpu.memory_space<vmem_shared>>
    tpu.enqueue_indirect_dma source(%dma_start3A_67 : memref<1024x16xf32, #tpu.memory_space<vmem_shared>>) target(%dma_start3A_62 : memref<128x16xf32, #tpu.memory_space<vmem>>) offsets(%dma_start3A_64 : memref<128xi32, #tpu.memory_space<vmem>>) semaphore(%arg22 : memref<!tpu.dma_semaphore, #tpu.memory_space<semaphore_mem>>)
    %dma_start3A_68 = arith.constant 512 : i32
    %dma_start3A_69 = arith.constant 0 : i32
    %dma_start3A_70 = tpu.memref_slice %arg19[%dma_start3A_68, %dma_start3A_69] : memref<1024x16xf32, #tpu.memory_space<vmem>> -> memref<128x16xf32, #tpu.memory_space<vmem>>
    %dma_start3A_71 = arith.constant 512 : i32
    %dma_start3A_72 = tpu.memref_slice %arg12[%dma_start3A_71] : memref<1024xi32, #tpu.memory_space<vmem>> -> memref<128xi32, #tpu.memory_space<vmem>>
    %dma_start3A_73 = arith.constant 0 : i32
    %dma_start3A_74 = arith.constant 0 : i32
    %dma_start3A_75 = tpu.memref_slice %arg21[%dma_start3A_73, %dma_start3A_74] : memref<1024x16xf32, #tpu.memory_space<vmem_shared>> -> memref<1024x16xf32, #tpu.memory_space<vmem_shared>>
    tpu.enqueue_indirect_dma source(%dma_start3A_75 : memref<1024x16xf32, #tpu.memory_space<vmem_shared>>) target(%dma_start3A_70 : memref<128x16xf32, #tpu.memory_space<vmem>>) offsets(%dma_start3A_72 : memref<128xi32, #tpu.memory_space<vmem>>) semaphore(%arg22 : memref<!tpu.dma_semaphore, #tpu.memory_space<semaphore_mem>>)
    %dma_start3A_76 = arith.constant 512 : i32
    %dma_start3A_77 = arith.constant 0 : i32
    %dma_start3A_78 = tpu.memref_slice %arg20[%dma_start3A_76, %dma_start3A_77] : memref<1024x16xf32, #tpu.memory_space<vmem>> -> memref<128x16xf32, #tpu.memory_space<vmem>>
    %dma_start3A_79 = arith.constant 512 : i32
    %dma_start3A_80 = tpu.memref_slice %arg11[%dma_start3A_79] : memref<1024xi32, #tpu.memory_space<vmem>> -> memref<128xi32, #tpu.memory_space<vmem>>
    %dma_start3A_81 = arith.constant 0 : i32
    %dma_start3A_82 = arith.constant 0 : i32
    %dma_start3A_83 = tpu.memref_slice %arg21[%dma_start3A_81, %dma_start3A_82] : memref<1024x16xf32, #tpu.memory_space<vmem_shared>> -> memref<1024x16xf32, #tpu.memory_space<vmem_shared>>
    tpu.enqueue_indirect_dma source(%dma_start3A_83 : memref<1024x16xf32, #tpu.memory_space<vmem_shared>>) target(%dma_start3A_78 : memref<128x16xf32, #tpu.memory_space<vmem>>) offsets(%dma_start3A_80 : memref<128xi32, #tpu.memory_space<vmem>>) semaphore(%arg22 : memref<!tpu.dma_semaphore, #tpu.memory_space<semaphore_mem>>)
    %dma_start3A_84 = arith.constant 640 : i32
    %dma_start3A_85 = arith.constant 0 : i32
    %dma_start3A_86 = tpu.memref_slice %arg19[%dma_start3A_84, %dma_start3A_85] : memref<1024x16xf32, #tpu.memory_space<vmem>> -> memref<128x16xf32, #tpu.memory_space<vmem>>
    %dma_start3A_87 = arith.constant 640 : i32
    %dma_start3A_88 = tpu.memref_slice %arg12[%dma_start3A_87] : memref<1024xi32, #tpu.memory_space<vmem>> -> memref<128xi32, #tpu.memory_space<vmem>>
    %dma_start3A_89 = arith.constant 0 : i32
    %dma_start3A_90 = arith.constant 0 : i32
    %dma_start3A_91 = tpu.memref_slice %arg21[%dma_start3A_89, %dma_start3A_90] : memref<1024x16xf32, #tpu.memory_space<vmem_shared>> -> memref<1024x16xf32, #tpu.memory_space<vmem_shared>>
    tpu.enqueue_indirect_dma source(%dma_start3A_91 : memref<1024x16xf32, #tpu.memory_space<vmem_shared>>) target(%dma_start3A_86 : memref<128x16xf32, #tpu.memory_space<vmem>>) offsets(%dma_start3A_88 : memref<128xi32, #tpu.memory_space<vmem>>) semaphore(%arg22 : memref<!tpu.dma_semaphore, #tpu.memory_space<semaphore_mem>>)
    %dma_start3A_92 = arith.constant 640 : i32
    %dma_start3A_93 = arith.constant 0 : i32
    %dma_start3A_94 = tpu.memref_slice %arg20[%dma_start3A_92, %dma_start3A_93] : memref<1024x16xf32, #tpu.memory_space<vmem>> -> memref<128x16xf32, #tpu.memory_space<vmem>>
    %dma_start3A_95 = arith.constant 640 : i32
    %dma_start3A_96 = tpu.memref_slice %arg11[%dma_start3A_95] : memref<1024xi32, #tpu.memory_space<vmem>> -> memref<128xi32, #tpu.memory_space<vmem>>
    %dma_start3A_97 = arith.constant 0 : i32
    %dma_start3A_98 = arith.constant 0 : i32
    %dma_start3A_99 = tpu.memref_slice %arg21[%dma_start3A_97, %dma_start3A_98] : memref<1024x16xf32, #tpu.memory_space<vmem_shared>> -> memref<1024x16xf32, #tpu.memory_space<vmem_shared>>
    tpu.enqueue_indirect_dma source(%dma_start3A_99 : memref<1024x16xf32, #tpu.memory_space<vmem_shared>>) target(%dma_start3A_94 : memref<128x16xf32, #tpu.memory_space<vmem>>) offsets(%dma_start3A_96 : memref<128xi32, #tpu.memory_space<vmem>>) semaphore(%arg22 : memref<!tpu.dma_semaphore, #tpu.memory_space<semaphore_mem>>)
    %dma_start3A_100 = arith.constant 768 : i32
    %dma_start3A_101 = arith.constant 0 : i32
    %dma_start3A_102 = tpu.memref_slice %arg19[%dma_start3A_100, %dma_start3A_101] : memref<1024x16xf32, #tpu.memory_space<vmem>> -> memref<128x16xf32, #tpu.memory_space<vmem>>
    %dma_start3A_103 = arith.constant 768 : i32
    %dma_start3A_104 = tpu.memref_slice %arg12[%dma_start3A_103] : memref<1024xi32, #tpu.memory_space<vmem>> -> memref<128xi32, #tpu.memory_space<vmem>>
    %dma_start3A_105 = arith.constant 0 : i32
    %dma_start3A_106 = arith.constant 0 : i32
    %dma_start3A_107 = tpu.memref_slice %arg21[%dma_start3A_105, %dma_start3A_106] : memref<1024x16xf32, #tpu.memory_space<vmem_shared>> -> memref<1024x16xf32, #tpu.memory_space<vmem_shared>>
    tpu.enqueue_indirect_dma source(%dma_start3A_107 : memref<1024x16xf32, #tpu.memory_space<vmem_shared>>) target(%dma_start3A_102 : memref<128x16xf32, #tpu.memory_space<vmem>>) offsets(%dma_start3A_104 : memref<128xi32, #tpu.memory_space<vmem>>) semaphore(%arg22 : memref<!tpu.dma_semaphore, #tpu.memory_space<semaphore_mem>>)
    %dma_start3A_108 = arith.constant 768 : i32
    %dma_start3A_109 = arith.constant 0 : i32
    %dma_start3A_110 = tpu.memref_slice %arg20[%dma_start3A_108, %dma_start3A_109] : memref<1024x16xf32, #tpu.memory_space<vmem>> -> memref<128x16xf32, #tpu.memory_space<vmem>>
    %dma_start3A_111 = arith.constant 768 : i32
    %dma_start3A_112 = tpu.memref_slice %arg11[%dma_start3A_111] : memref<1024xi32, #tpu.memory_space<vmem>> -> memref<128xi32, #tpu.memory_space<vmem>>
    %dma_start3A_113 = arith.constant 0 : i32
    %dma_start3A_114 = arith.constant 0 : i32
    %dma_start3A_115 = tpu.memref_slice %arg21[%dma_start3A_113, %dma_start3A_114] : memref<1024x16xf32, #tpu.memory_space<vmem_shared>> -> memref<1024x16xf32, #tpu.memory_space<vmem_shared>>
    tpu.enqueue_indirect_dma source(%dma_start3A_115 : memref<1024x16xf32, #tpu.memory_space<vmem_shared>>) target(%dma_start3A_110 : memref<128x16xf32, #tpu.memory_space<vmem>>) offsets(%dma_start3A_112 : memref<128xi32, #tpu.memory_space<vmem>>) semaphore(%arg22 : memref<!tpu.dma_semaphore, #tpu.memory_space<semaphore_mem>>)
    %dma_start3A_116 = arith.constant 896 : i32
    %dma_start3A_117 = arith.constant 0 : i32
    %dma_start3A_118 = tpu.memref_slice %arg19[%dma_start3A_116, %dma_start3A_117] : memref<1024x16xf32, #tpu.memory_space<vmem>> -> memref<128x16xf32, #tpu.memory_space<vmem>>
    %dma_start3A_119 = arith.constant 896 : i32
    %dma_start3A_120 = tpu.memref_slice %arg12[%dma_start3A_119] : memref<1024xi32, #tpu.memory_space<vmem>> -> memref<128xi32, #tpu.memory_space<vmem>>
    %dma_start3A_121 = arith.constant 0 : i32
    %dma_start3A_122 = arith.constant 0 : i32
    %dma_start3A_123 = tpu.memref_slice %arg21[%dma_start3A_121, %dma_start3A_122] : memref<1024x16xf32, #tpu.memory_space<vmem_shared>> -> memref<1024x16xf32, #tpu.memory_space<vmem_shared>>
    tpu.enqueue_indirect_dma source(%dma_start3A_123 : memref<1024x16xf32, #tpu.memory_space<vmem_shared>>) target(%dma_start3A_118 : memref<128x16xf32, #tpu.memory_space<vmem>>) offsets(%dma_start3A_120 : memref<128xi32, #tpu.memory_space<vmem>>) semaphore(%arg22 : memref<!tpu.dma_semaphore, #tpu.memory_space<semaphore_mem>>)
    %dma_start3A_124 = arith.constant 896 : i32
    %dma_start3A_125 = arith.constant 0 : i32
    %dma_start3A_126 = tpu.memref_slice %arg20[%dma_start3A_124, %dma_start3A_125] : memref<1024x16xf32, #tpu.memory_space<vmem>> -> memref<128x16xf32, #tpu.memory_space<vmem>>
    %dma_start3A_127 = arith.constant 896 : i32
    %dma_start3A_128 = tpu.memref_slice %arg11[%dma_start3A_127] : memref<1024xi32, #tpu.memory_space<vmem>> -> memref<128xi32, #tpu.memory_space<vmem>>
    %dma_start3A_129 = arith.constant 0 : i32
    %dma_start3A_130 = arith.constant 0 : i32
    %dma_start3A_131 = tpu.memref_slice %arg21[%dma_start3A_129, %dma_start3A_130] : memref<1024x16xf32, #tpu.memory_space<vmem_shared>> -> memref<1024x16xf32, #tpu.memory_space<vmem_shared>>
    tpu.enqueue_indirect_dma source(%dma_start3A_131 : memref<1024x16xf32, #tpu.memory_space<vmem_shared>>) target(%dma_start3A_126 : memref<128x16xf32, #tpu.memory_space<vmem>>) offsets(%dma_start3A_128 : memref<128xi32, #tpu.memory_space<vmem>>) semaphore(%arg22 : memref<!tpu.dma_semaphore, #tpu.memory_space<semaphore_mem>>)
    %dma_start3A_132 = arith.constant 0 : i32
    %dma_start3A_133 = tpu.memref_slice %arg15[%dma_start3A_132] : memref<1024xi32, #tpu.memory_space<vmem>> -> memref<128xi32, #tpu.memory_space<vmem>>
    %dma_start3A_134 = arith.constant 0 : i32
    %dma_start3A_135 = tpu.memref_slice %arg13[%dma_start3A_134] : memref<1024xi32, #tpu.memory_space<vmem>> -> memref<128xi32, #tpu.memory_space<vmem>>
    %dma_start3A_136 = arith.constant 0 : i32
    %dma_start3A_137 = tpu.memref_slice %arg6[%dma_start3A_136] : memref<1048576xi32, #tpu.memory_space<hbm>> -> memref<1048576xi32, #tpu.memory_space<hbm>>
    tpu.enqueue_indirect_dma source(%dma_start3A_137 : memref<1048576xi32, #tpu.memory_space<hbm>>) target(%dma_start3A_133 : memref<128xi32, #tpu.memory_space<vmem>>) offsets(%dma_start3A_135 : memref<128xi32, #tpu.memory_space<vmem>>) semaphore(%arg23 : memref<!tpu.dma_semaphore, #tpu.memory_space<semaphore_mem>>)
    %dma_start3A_138 = arith.constant 0 : i32
    %dma_start3A_139 = tpu.memref_slice %arg16[%dma_start3A_138] : memref<1024xi32, #tpu.memory_space<vmem>> -> memref<128xi32, #tpu.memory_space<vmem>>
    %dma_start3A_140 = arith.constant 0 : i32
    %dma_start3A_141 = tpu.memref_slice %arg14[%dma_start3A_140] : memref<1024xi32, #tpu.memory_space<vmem>> -> memref<128xi32, #tpu.memory_space<vmem>>
    %dma_start3A_142 = arith.constant 0 : i32
    %dma_start3A_143 = tpu.memref_slice %arg6[%dma_start3A_142] : memref<1048576xi32, #tpu.memory_space<hbm>> -> memref<1048576xi32, #tpu.memory_space<hbm>>
    tpu.enqueue_indirect_dma source(%dma_start3A_143 : memref<1048576xi32, #tpu.memory_space<hbm>>) target(%dma_start3A_139 : memref<128xi32, #tpu.memory_space<vmem>>) offsets(%dma_start3A_141 : memref<128xi32, #tpu.memory_space<vmem>>) semaphore(%arg23 : memref<!tpu.dma_semaphore, #tpu.memory_space<semaphore_mem>>)
    %dma_start3A_144 = arith.constant 128 : i32
    %dma_start3A_145 = tpu.memref_slice %arg15[%dma_start3A_144] : memref<1024xi32, #tpu.memory_space<vmem>> -> memref<128xi32, #tpu.memory_space<vmem>>
    %dma_start3A_146 = arith.constant 128 : i32
    %dma_start3A_147 = tpu.memref_slice %arg13[%dma_start3A_146] : memref<1024xi32, #tpu.memory_space<vmem>> -> memref<128xi32, #tpu.memory_space<vmem>>
    %dma_start3A_148 = arith.constant 0 : i32
    %dma_start3A_149 = tpu.memref_slice %arg6[%dma_start3A_148] : memref<1048576xi32, #tpu.memory_space<hbm>> -> memref<1048576xi32, #tpu.memory_space<hbm>>
    tpu.enqueue_indirect_dma source(%dma_start3A_149 : memref<1048576xi32, #tpu.memory_space<hbm>>) target(%dma_start3A_145 : memref<128xi32, #tpu.memory_space<vmem>>) offsets(%dma_start3A_147 : memref<128xi32, #tpu.memory_space<vmem>>) semaphore(%arg23 : memref<!tpu.dma_semaphore, #tpu.memory_space<semaphore_mem>>)
    %dma_start3A_150 = arith.constant 128 : i32
    %dma_start3A_151 = tpu.memref_slice %arg16[%dma_start3A_150] : memref<1024xi32, #tpu.memory_space<vmem>> -> memref<128xi32, #tpu.memory_space<vmem>>
    %dma_start3A_152 = arith.constant 128 : i32
    %dma_start3A_153 = tpu.memref_slice %arg14[%dma_start3A_152] : memref<1024xi32, #tpu.memory_space<vmem>> -> memref<128xi32, #tpu.memory_space<vmem>>
    %dma_start3A_154 = arith.constant 0 : i32
    %dma_start3A_155 = tpu.memref_slice %arg6[%dma_start3A_154] : memref<1048576xi32, #tpu.memory_space<hbm>> -> memref<1048576xi32, #tpu.memory_space<hbm>>
    tpu.enqueue_indirect_dma source(%dma_start3A_155 : memref<1048576xi32, #tpu.memory_space<hbm>>) target(%dma_start3A_151 : memref<128xi32, #tpu.memory_space<vmem>>) offsets(%dma_start3A_153 : memref<128xi32, #tpu.memory_space<vmem>>) semaphore(%arg23 : memref<!tpu.dma_semaphore, #tpu.memory_space<semaphore_mem>>)
    %dma_start3A_156 = arith.constant 256 : i32
    %dma_start3A_157 = tpu.memref_slice %arg15[%dma_start3A_156] : memref<1024xi32, #tpu.memory_space<vmem>> -> memref<128xi32, #tpu.memory_space<vmem>>
    %dma_start3A_158 = arith.constant 256 : i32
    %dma_start3A_159 = tpu.memref_slice %arg13[%dma_start3A_158] : memref<1024xi32, #tpu.memory_space<vmem>> -> memref<128xi32, #tpu.memory_space<vmem>>
    %dma_start3A_160 = arith.constant 0 : i32
    %dma_start3A_161 = tpu.memref_slice %arg6[%dma_start3A_160] : memref<1048576xi32, #tpu.memory_space<hbm>> -> memref<1048576xi32, #tpu.memory_space<hbm>>
    tpu.enqueue_indirect_dma source(%dma_start3A_161 : memref<1048576xi32, #tpu.memory_space<hbm>>) target(%dma_start3A_157 : memref<128xi32, #tpu.memory_space<vmem>>) offsets(%dma_start3A_159 : memref<128xi32, #tpu.memory_space<vmem>>) semaphore(%arg23 : memref<!tpu.dma_semaphore, #tpu.memory_space<semaphore_mem>>)
    %dma_start3A_162 = arith.constant 256 : i32
    %dma_start3A_163 = tpu.memref_slice %arg16[%dma_start3A_162] : memref<1024xi32, #tpu.memory_space<vmem>> -> memref<128xi32, #tpu.memory_space<vmem>>
    %dma_start3A_164 = arith.constant 256 : i32
    %dma_start3A_165 = tpu.memref_slice %arg14[%dma_start3A_164] : memref<1024xi32, #tpu.memory_space<vmem>> -> memref<128xi32, #tpu.memory_space<vmem>>
    %dma_start3A_166 = arith.constant 0 : i32
    %dma_start3A_167 = tpu.memref_slice %arg6[%dma_start3A_166] : memref<1048576xi32, #tpu.memory_space<hbm>> -> memref<1048576xi32, #tpu.memory_space<hbm>>
    tpu.enqueue_indirect_dma source(%dma_start3A_167 : memref<1048576xi32, #tpu.memory_space<hbm>>) target(%dma_start3A_163 : memref<128xi32, #tpu.memory_space<vmem>>) offsets(%dma_start3A_165 : memref<128xi32, #tpu.memory_space<vmem>>) semaphore(%arg23 : memref<!tpu.dma_semaphore, #tpu.memory_space<semaphore_mem>>)
    %dma_start3A_168 = arith.constant 384 : i32
    %dma_start3A_169 = tpu.memref_slice %arg15[%dma_start3A_168] : memref<1024xi32, #tpu.memory_space<vmem>> -> memref<128xi32, #tpu.memory_space<vmem>>
    %dma_start3A_170 = arith.constant 384 : i32
    %dma_start3A_171 = tpu.memref_slice %arg13[%dma_start3A_170] : memref<1024xi32, #tpu.memory_space<vmem>> -> memref<128xi32, #tpu.memory_space<vmem>>
    %dma_start3A_172 = arith.constant 0 : i32
    %dma_start3A_173 = tpu.memref_slice %arg6[%dma_start3A_172] : memref<1048576xi32, #tpu.memory_space<hbm>> -> memref<1048576xi32, #tpu.memory_space<hbm>>
    tpu.enqueue_indirect_dma source(%dma_start3A_173 : memref<1048576xi32, #tpu.memory_space<hbm>>) target(%dma_start3A_169 : memref<128xi32, #tpu.memory_space<vmem>>) offsets(%dma_start3A_171 : memref<128xi32, #tpu.memory_space<vmem>>) semaphore(%arg23 : memref<!tpu.dma_semaphore, #tpu.memory_space<semaphore_mem>>)
    %dma_start3A_174 = arith.constant 384 : i32
    %dma_start3A_175 = tpu.memref_slice %arg16[%dma_start3A_174] : memref<1024xi32, #tpu.memory_space<vmem>> -> memref<128xi32, #tpu.memory_space<vmem>>
    %dma_start3A_176 = arith.constant 384 : i32
    %dma_start3A_177 = tpu.memref_slice %arg14[%dma_start3A_176] : memref<1024xi32, #tpu.memory_space<vmem>> -> memref<128xi32, #tpu.memory_space<vmem>>
    %dma_start3A_178 = arith.constant 0 : i32
    %dma_start3A_179 = tpu.memref_slice %arg6[%dma_start3A_178] : memref<1048576xi32, #tpu.memory_space<hbm>> -> memref<1048576xi32, #tpu.memory_space<hbm>>
    tpu.enqueue_indirect_dma source(%dma_start3A_179 : memref<1048576xi32, #tpu.memory_space<hbm>>) target(%dma_start3A_175 : memref<128xi32, #tpu.memory_space<vmem>>) offsets(%dma_start3A_177 : memref<128xi32, #tpu.memory_space<vmem>>) semaphore(%arg23 : memref<!tpu.dma_semaphore, #tpu.memory_space<semaphore_mem>>)
    %dma_start3A_180 = arith.constant 512 : i32
    %dma_start3A_181 = tpu.memref_slice %arg15[%dma_start3A_180] : memref<1024xi32, #tpu.memory_space<vmem>> -> memref<128xi32, #tpu.memory_space<vmem>>
    %dma_start3A_182 = arith.constant 512 : i32
    %dma_start3A_183 = tpu.memref_slice %arg13[%dma_start3A_182] : memref<1024xi32, #tpu.memory_space<vmem>> -> memref<128xi32, #tpu.memory_space<vmem>>
    %dma_start3A_184 = arith.constant 0 : i32
    %dma_start3A_185 = tpu.memref_slice %arg6[%dma_start3A_184] : memref<1048576xi32, #tpu.memory_space<hbm>> -> memref<1048576xi32, #tpu.memory_space<hbm>>
    tpu.enqueue_indirect_dma source(%dma_start3A_185 : memref<1048576xi32, #tpu.memory_space<hbm>>) target(%dma_start3A_181 : memref<128xi32, #tpu.memory_space<vmem>>) offsets(%dma_start3A_183 : memref<128xi32, #tpu.memory_space<vmem>>) semaphore(%arg23 : memref<!tpu.dma_semaphore, #tpu.memory_space<semaphore_mem>>)
    %dma_start3A_186 = arith.constant 512 : i32
    %dma_start3A_187 = tpu.memref_slice %arg16[%dma_start3A_186] : memref<1024xi32, #tpu.memory_space<vmem>> -> memref<128xi32, #tpu.memory_space<vmem>>
    %dma_start3A_188 = arith.constant 512 : i32
    %dma_start3A_189 = tpu.memref_slice %arg14[%dma_start3A_188] : memref<1024xi32, #tpu.memory_space<vmem>> -> memref<128xi32, #tpu.memory_space<vmem>>
    %dma_start3A_190 = arith.constant 0 : i32
    %dma_start3A_191 = tpu.memref_slice %arg6[%dma_start3A_190] : memref<1048576xi32, #tpu.memory_space<hbm>> -> memref<1048576xi32, #tpu.memory_space<hbm>>
    tpu.enqueue_indirect_dma source(%dma_start3A_191 : memref<1048576xi32, #tpu.memory_space<hbm>>) target(%dma_start3A_187 : memref<128xi32, #tpu.memory_space<vmem>>) offsets(%dma_start3A_189 : memref<128xi32, #tpu.memory_space<vmem>>) semaphore(%arg23 : memref<!tpu.dma_semaphore, #tpu.memory_space<semaphore_mem>>)
    %dma_start3A_192 = arith.constant 640 : i32
    %dma_start3A_193 = tpu.memref_slice %arg15[%dma_start3A_192] : memref<1024xi32, #tpu.memory_space<vmem>> -> memref<128xi32, #tpu.memory_space<vmem>>
    %dma_start3A_194 = arith.constant 640 : i32
    %dma_start3A_195 = tpu.memref_slice %arg13[%dma_start3A_194] : memref<1024xi32, #tpu.memory_space<vmem>> -> memref<128xi32, #tpu.memory_space<vmem>>
    %dma_start3A_196 = arith.constant 0 : i32
    %dma_start3A_197 = tpu.memref_slice %arg6[%dma_start3A_196] : memref<1048576xi32, #tpu.memory_space<hbm>> -> memref<1048576xi32, #tpu.memory_space<hbm>>
    tpu.enqueue_indirect_dma source(%dma_start3A_197 : memref<1048576xi32, #tpu.memory_space<hbm>>) target(%dma_start3A_193 : memref<128xi32, #tpu.memory_space<vmem>>) offsets(%dma_start3A_195 : memref<128xi32, #tpu.memory_space<vmem>>) semaphore(%arg23 : memref<!tpu.dma_semaphore, #tpu.memory_space<semaphore_mem>>)
    %dma_start3A_198 = arith.constant 640 : i32
    %dma_start3A_199 = tpu.memref_slice %arg16[%dma_start3A_198] : memref<1024xi32, #tpu.memory_space<vmem>> -> memref<128xi32, #tpu.memory_space<vmem>>
    %dma_start3A_200 = arith.constant 640 : i32
    %dma_start3A_201 = tpu.memref_slice %arg14[%dma_start3A_200] : memref<1024xi32, #tpu.memory_space<vmem>> -> memref<128xi32, #tpu.memory_space<vmem>>
    %dma_start3A_202 = arith.constant 0 : i32
    %dma_start3A_203 = tpu.memref_slice %arg6[%dma_start3A_202] : memref<1048576xi32, #tpu.memory_space<hbm>> -> memref<1048576xi32, #tpu.memory_space<hbm>>
    tpu.enqueue_indirect_dma source(%dma_start3A_203 : memref<1048576xi32, #tpu.memory_space<hbm>>) target(%dma_start3A_199 : memref<128xi32, #tpu.memory_space<vmem>>) offsets(%dma_start3A_201 : memref<128xi32, #tpu.memory_space<vmem>>) semaphore(%arg23 : memref<!tpu.dma_semaphore, #tpu.memory_space<semaphore_mem>>)
    %dma_start3A_204 = arith.constant 768 : i32
    %dma_start3A_205 = tpu.memref_slice %arg15[%dma_start3A_204] : memref<1024xi32, #tpu.memory_space<vmem>> -> memref<128xi32, #tpu.memory_space<vmem>>
    %dma_start3A_206 = arith.constant 768 : i32
    %dma_start3A_207 = tpu.memref_slice %arg13[%dma_start3A_206] : memref<1024xi32, #tpu.memory_space<vmem>> -> memref<128xi32, #tpu.memory_space<vmem>>
    %dma_start3A_208 = arith.constant 0 : i32
    %dma_start3A_209 = tpu.memref_slice %arg6[%dma_start3A_208] : memref<1048576xi32, #tpu.memory_space<hbm>> -> memref<1048576xi32, #tpu.memory_space<hbm>>
    tpu.enqueue_indirect_dma source(%dma_start3A_209 : memref<1048576xi32, #tpu.memory_space<hbm>>) target(%dma_start3A_205 : memref<128xi32, #tpu.memory_space<vmem>>) offsets(%dma_start3A_207 : memref<128xi32, #tpu.memory_space<vmem>>) semaphore(%arg23 : memref<!tpu.dma_semaphore, #tpu.memory_space<semaphore_mem>>)
    %dma_start3A_210 = arith.constant 768 : i32
    %dma_start3A_211 = tpu.memref_slice %arg16[%dma_start3A_210] : memref<1024xi32, #tpu.memory_space<vmem>> -> memref<128xi32, #tpu.memory_space<vmem>>
    %dma_start3A_212 = arith.constant 768 : i32
    %dma_start3A_213 = tpu.memref_slice %arg14[%dma_start3A_212] : memref<1024xi32, #tpu.memory_space<vmem>> -> memref<128xi32, #tpu.memory_space<vmem>>
    %dma_start3A_214 = arith.constant 0 : i32
    %dma_start3A_215 = tpu.memref_slice %arg6[%dma_start3A_214] : memref<1048576xi32, #tpu.memory_space<hbm>> -> memref<1048576xi32, #tpu.memory_space<hbm>>
    tpu.enqueue_indirect_dma source(%dma_start3A_215 : memref<1048576xi32, #tpu.memory_space<hbm>>) target(%dma_start3A_211 : memref<128xi32, #tpu.memory_space<vmem>>) offsets(%dma_start3A_213 : memref<128xi32, #tpu.memory_space<vmem>>) semaphore(%arg23 : memref<!tpu.dma_semaphore, #tpu.memory_space<semaphore_mem>>)
    %dma_start3A_216 = arith.constant 896 : i32
    %dma_start3A_217 = tpu.memref_slice %arg15[%dma_start3A_216] : memref<1024xi32, #tpu.memory_space<vmem>> -> memref<128xi32, #tpu.memory_space<vmem>>
    %dma_start3A_218 = arith.constant 896 : i32
    %dma_start3A_219 = tpu.memref_slice %arg13[%dma_start3A_218] : memref<1024xi32, #tpu.memory_space<vmem>> -> memref<128xi32, #tpu.memory_space<vmem>>
    %dma_start3A_220 = arith.constant 0 : i32
    %dma_start3A_221 = tpu.memref_slice %arg6[%dma_start3A_220] : memref<1048576xi32, #tpu.memory_space<hbm>> -> memref<1048576xi32, #tpu.memory_space<hbm>>
    tpu.enqueue_indirect_dma source(%dma_start3A_221 : memref<1048576xi32, #tpu.memory_space<hbm>>) target(%dma_start3A_217 : memref<128xi32, #tpu.memory_space<vmem>>) offsets(%dma_start3A_219 : memref<128xi32, #tpu.memory_space<vmem>>) semaphore(%arg23 : memref<!tpu.dma_semaphore, #tpu.memory_space<semaphore_mem>>)
    %dma_start3A_222 = arith.constant 896 : i32
    %dma_start3A_223 = tpu.memref_slice %arg16[%dma_start3A_222] : memref<1024xi32, #tpu.memory_space<vmem>> -> memref<128xi32, #tpu.memory_space<vmem>>
    %dma_start3A_224 = arith.constant 896 : i32
    %dma_start3A_225 = tpu.memref_slice %arg14[%dma_start3A_224] : memref<1024xi32, #tpu.memory_space<vmem>> -> memref<128xi32, #tpu.memory_space<vmem>>
    %dma_start3A_226 = arith.constant 0 : i32
    %dma_start3A_227 = tpu.memref_slice %arg6[%dma_start3A_226] : memref<1048576xi32, #tpu.memory_space<hbm>> -> memref<1048576xi32, #tpu.memory_space<hbm>>
    tpu.enqueue_indirect_dma source(%dma_start3A_227 : memref<1048576xi32, #tpu.memory_space<hbm>>) target(%dma_start3A_223 : memref<128xi32, #tpu.memory_space<vmem>>) offsets(%dma_start3A_225 : memref<128xi32, #tpu.memory_space<vmem>>) semaphore(%arg23 : memref<!tpu.dma_semaphore, #tpu.memory_space<semaphore_mem>>)
    %dma_wait3A = arith.constant 0 : i32
    %dma_wait3A_228 = tpu.memref_slice %arg15[%dma_wait3A] : memref<1024xi32, #tpu.memory_space<vmem>> -> memref<128xi32, #tpu.memory_space<vmem>>
    %dma_wait3A_229 = arith.constant 0 : i32
    %dma_wait3A_230 = tpu.memref_slice %arg13[%dma_wait3A_229] : memref<1024xi32, #tpu.memory_space<vmem>> -> memref<128xi32, #tpu.memory_space<vmem>>
    %dma_wait3A_231 = arith.constant 0 : i32
    %dma_wait3A_232 = tpu.memref_slice %arg6[%dma_wait3A_231] : memref<1048576xi32, #tpu.memory_space<hbm>> -> memref<1048576xi32, #tpu.memory_space<hbm>>
    tpu.wait_indirect_dma semaphore(%arg23 : memref<!tpu.dma_semaphore, #tpu.memory_space<semaphore_mem>>) src(%dma_wait3A_232 : memref<1048576xi32, #tpu.memory_space<hbm>>) dst(%dma_wait3A_228 : memref<128xi32, #tpu.memory_space<vmem>>)
    %dma_wait3A_233 = arith.constant 0 : i32
    %dma_wait3A_234 = tpu.memref_slice %arg16[%dma_wait3A_233] : memref<1024xi32, #tpu.memory_space<vmem>> -> memref<128xi32, #tpu.memory_space<vmem>>
    %dma_wait3A_235 = arith.constant 0 : i32
    %dma_wait3A_236 = tpu.memref_slice %arg14[%dma_wait3A_235] : memref<1024xi32, #tpu.memory_space<vmem>> -> memref<128xi32, #tpu.memory_space<vmem>>
    %dma_wait3A_237 = arith.constant 0 : i32
    %dma_wait3A_238 = tpu.memref_slice %arg6[%dma_wait3A_237] : memref<1048576xi32, #tpu.memory_space<hbm>> -> memref<1048576xi32, #tpu.memory_space<hbm>>
    tpu.wait_indirect_dma semaphore(%arg23 : memref<!tpu.dma_semaphore, #tpu.memory_space<semaphore_mem>>) src(%dma_wait3A_238 : memref<1048576xi32, #tpu.memory_space<hbm>>) dst(%dma_wait3A_234 : memref<128xi32, #tpu.memory_space<vmem>>)
    %dma_wait3A_239 = arith.constant 128 : i32
    %dma_wait3A_240 = tpu.memref_slice %arg15[%dma_wait3A_239] : memref<1024xi32, #tpu.memory_space<vmem>> -> memref<128xi32, #tpu.memory_space<vmem>>
    %dma_wait3A_241 = arith.constant 128 : i32
    %dma_wait3A_242 = tpu.memref_slice %arg13[%dma_wait3A_241] : memref<1024xi32, #tpu.memory_space<vmem>> -> memref<128xi32, #tpu.memory_space<vmem>>
    %dma_wait3A_243 = arith.constant 0 : i32
    %dma_wait3A_244 = tpu.memref_slice %arg6[%dma_wait3A_243] : memref<1048576xi32, #tpu.memory_space<hbm>> -> memref<1048576xi32, #tpu.memory_space<hbm>>
    tpu.wait_indirect_dma semaphore(%arg23 : memref<!tpu.dma_semaphore, #tpu.memory_space<semaphore_mem>>) src(%dma_wait3A_244 : memref<1048576xi32, #tpu.memory_space<hbm>>) dst(%dma_wait3A_240 : memref<128xi32, #tpu.memory_space<vmem>>)
    %dma_wait3A_245 = arith.constant 128 : i32
    %dma_wait3A_246 = tpu.memref_slice %arg16[%dma_wait3A_245] : memref<1024xi32, #tpu.memory_space<vmem>> -> memref<128xi32, #tpu.memory_space<vmem>>
    %dma_wait3A_247 = arith.constant 128 : i32
    %dma_wait3A_248 = tpu.memref_slice %arg14[%dma_wait3A_247] : memref<1024xi32, #tpu.memory_space<vmem>> -> memref<128xi32, #tpu.memory_space<vmem>>
    %dma_wait3A_249 = arith.constant 0 : i32
    %dma_wait3A_250 = tpu.memref_slice %arg6[%dma_wait3A_249] : memref<1048576xi32, #tpu.memory_space<hbm>> -> memref<1048576xi32, #tpu.memory_space<hbm>>
    tpu.wait_indirect_dma semaphore(%arg23 : memref<!tpu.dma_semaphore, #tpu.memory_space<semaphore_mem>>) src(%dma_wait3A_250 : memref<1048576xi32, #tpu.memory_space<hbm>>) dst(%dma_wait3A_246 : memref<128xi32, #tpu.memory_space<vmem>>)
    %dma_wait3A_251 = arith.constant 256 : i32
    %dma_wait3A_252 = tpu.memref_slice %arg15[%dma_wait3A_251] : memref<1024xi32, #tpu.memory_space<vmem>> -> memref<128xi32, #tpu.memory_space<vmem>>
    %dma_wait3A_253 = arith.constant 256 : i32
    %dma_wait3A_254 = tpu.memref_slice %arg13[%dma_wait3A_253] : memref<1024xi32, #tpu.memory_space<vmem>> -> memref<128xi32, #tpu.memory_space<vmem>>
    %dma_wait3A_255 = arith.constant 0 : i32
    %dma_wait3A_256 = tpu.memref_slice %arg6[%dma_wait3A_255] : memref<1048576xi32, #tpu.memory_space<hbm>> -> memref<1048576xi32, #tpu.memory_space<hbm>>
    tpu.wait_indirect_dma semaphore(%arg23 : memref<!tpu.dma_semaphore, #tpu.memory_space<semaphore_mem>>) src(%dma_wait3A_256 : memref<1048576xi32, #tpu.memory_space<hbm>>) dst(%dma_wait3A_252 : memref<128xi32, #tpu.memory_space<vmem>>)
    %dma_wait3A_257 = arith.constant 256 : i32
    %dma_wait3A_258 = tpu.memref_slice %arg16[%dma_wait3A_257] : memref<1024xi32, #tpu.memory_space<vmem>> -> memref<128xi32, #tpu.memory_space<vmem>>
    %dma_wait3A_259 = arith.constant 256 : i32
    %dma_wait3A_260 = tpu.memref_slice %arg14[%dma_wait3A_259] : memref<1024xi32, #tpu.memory_space<vmem>> -> memref<128xi32, #tpu.memory_space<vmem>>
    %dma_wait3A_261 = arith.constant 0 : i32
    %dma_wait3A_262 = tpu.memref_slice %arg6[%dma_wait3A_261] : memref<1048576xi32, #tpu.memory_space<hbm>> -> memref<1048576xi32, #tpu.memory_space<hbm>>
    tpu.wait_indirect_dma semaphore(%arg23 : memref<!tpu.dma_semaphore, #tpu.memory_space<semaphore_mem>>) src(%dma_wait3A_262 : memref<1048576xi32, #tpu.memory_space<hbm>>) dst(%dma_wait3A_258 : memref<128xi32, #tpu.memory_space<vmem>>)
    %dma_wait3A_263 = arith.constant 384 : i32
    %dma_wait3A_264 = tpu.memref_slice %arg15[%dma_wait3A_263] : memref<1024xi32, #tpu.memory_space<vmem>> -> memref<128xi32, #tpu.memory_space<vmem>>
    %dma_wait3A_265 = arith.constant 384 : i32
    %dma_wait3A_266 = tpu.memref_slice %arg13[%dma_wait3A_265] : memref<1024xi32, #tpu.memory_space<vmem>> -> memref<128xi32, #tpu.memory_space<vmem>>
    %dma_wait3A_267 = arith.constant 0 : i32
    %dma_wait3A_268 = tpu.memref_slice %arg6[%dma_wait3A_267] : memref<1048576xi32, #tpu.memory_space<hbm>> -> memref<1048576xi32, #tpu.memory_space<hbm>>
    tpu.wait_indirect_dma semaphore(%arg23 : memref<!tpu.dma_semaphore, #tpu.memory_space<semaphore_mem>>) src(%dma_wait3A_268 : memref<1048576xi32, #tpu.memory_space<hbm>>) dst(%dma_wait3A_264 : memref<128xi32, #tpu.memory_space<vmem>>)
    %dma_wait3A_269 = arith.constant 384 : i32
    %dma_wait3A_270 = tpu.memref_slice %arg16[%dma_wait3A_269] : memref<1024xi32, #tpu.memory_space<vmem>> -> memref<128xi32, #tpu.memory_space<vmem>>
    %dma_wait3A_271 = arith.constant 384 : i32
    %dma_wait3A_272 = tpu.memref_slice %arg14[%dma_wait3A_271] : memref<1024xi32, #tpu.memory_space<vmem>> -> memref<128xi32, #tpu.memory_space<vmem>>
    %dma_wait3A_273 = arith.constant 0 : i32
    %dma_wait3A_274 = tpu.memref_slice %arg6[%dma_wait3A_273] : memref<1048576xi32, #tpu.memory_space<hbm>> -> memref<1048576xi32, #tpu.memory_space<hbm>>
    tpu.wait_indirect_dma semaphore(%arg23 : memref<!tpu.dma_semaphore, #tpu.memory_space<semaphore_mem>>) src(%dma_wait3A_274 : memref<1048576xi32, #tpu.memory_space<hbm>>) dst(%dma_wait3A_270 : memref<128xi32, #tpu.memory_space<vmem>>)
    %dma_wait3A_275 = arith.constant 512 : i32
    %dma_wait3A_276 = tpu.memref_slice %arg15[%dma_wait3A_275] : memref<1024xi32, #tpu.memory_space<vmem>> -> memref<128xi32, #tpu.memory_space<vmem>>
    %dma_wait3A_277 = arith.constant 512 : i32
    %dma_wait3A_278 = tpu.memref_slice %arg13[%dma_wait3A_277] : memref<1024xi32, #tpu.memory_space<vmem>> -> memref<128xi32, #tpu.memory_space<vmem>>
    %dma_wait3A_279 = arith.constant 0 : i32
    %dma_wait3A_280 = tpu.memref_slice %arg6[%dma_wait3A_279] : memref<1048576xi32, #tpu.memory_space<hbm>> -> memref<1048576xi32, #tpu.memory_space<hbm>>
    tpu.wait_indirect_dma semaphore(%arg23 : memref<!tpu.dma_semaphore, #tpu.memory_space<semaphore_mem>>) src(%dma_wait3A_280 : memref<1048576xi32, #tpu.memory_space<hbm>>) dst(%dma_wait3A_276 : memref<128xi32, #tpu.memory_space<vmem>>)
    %dma_wait3A_281 = arith.constant 512 : i32
    %dma_wait3A_282 = tpu.memref_slice %arg16[%dma_wait3A_281] : memref<1024xi32, #tpu.memory_space<vmem>> -> memref<128xi32, #tpu.memory_space<vmem>>
    %dma_wait3A_283 = arith.constant 512 : i32
    %dma_wait3A_284 = tpu.memref_slice %arg14[%dma_wait3A_283] : memref<1024xi32, #tpu.memory_space<vmem>> -> memref<128xi32, #tpu.memory_space<vmem>>
    %dma_wait3A_285 = arith.constant 0 : i32
    %dma_wait3A_286 = tpu.memref_slice %arg6[%dma_wait3A_285] : memref<1048576xi32, #tpu.memory_space<hbm>> -> memref<1048576xi32, #tpu.memory_space<hbm>>
    tpu.wait_indirect_dma semaphore(%arg23 : memref<!tpu.dma_semaphore, #tpu.memory_space<semaphore_mem>>) src(%dma_wait3A_286 : memref<1048576xi32, #tpu.memory_space<hbm>>) dst(%dma_wait3A_282 : memref<128xi32, #tpu.memory_space<vmem>>)
    %dma_wait3A_287 = arith.constant 640 : i32
    %dma_wait3A_288 = tpu.memref_slice %arg15[%dma_wait3A_287] : memref<1024xi32, #tpu.memory_space<vmem>> -> memref<128xi32, #tpu.memory_space<vmem>>
    %dma_wait3A_289 = arith.constant 640 : i32
    %dma_wait3A_290 = tpu.memref_slice %arg13[%dma_wait3A_289] : memref<1024xi32, #tpu.memory_space<vmem>> -> memref<128xi32, #tpu.memory_space<vmem>>
    %dma_wait3A_291 = arith.constant 0 : i32
    %dma_wait3A_292 = tpu.memref_slice %arg6[%dma_wait3A_291] : memref<1048576xi32, #tpu.memory_space<hbm>> -> memref<1048576xi32, #tpu.memory_space<hbm>>
    tpu.wait_indirect_dma semaphore(%arg23 : memref<!tpu.dma_semaphore, #tpu.memory_space<semaphore_mem>>) src(%dma_wait3A_292 : memref<1048576xi32, #tpu.memory_space<hbm>>) dst(%dma_wait3A_288 : memref<128xi32, #tpu.memory_space<vmem>>)
    %dma_wait3A_293 = arith.constant 640 : i32
    %dma_wait3A_294 = tpu.memref_slice %arg16[%dma_wait3A_293] : memref<1024xi32, #tpu.memory_space<vmem>> -> memref<128xi32, #tpu.memory_space<vmem>>
    %dma_wait3A_295 = arith.constant 640 : i32
    %dma_wait3A_296 = tpu.memref_slice %arg14[%dma_wait3A_295] : memref<1024xi32, #tpu.memory_space<vmem>> -> memref<128xi32, #tpu.memory_space<vmem>>
    %dma_wait3A_297 = arith.constant 0 : i32
    %dma_wait3A_298 = tpu.memref_slice %arg6[%dma_wait3A_297] : memref<1048576xi32, #tpu.memory_space<hbm>> -> memref<1048576xi32, #tpu.memory_space<hbm>>
    tpu.wait_indirect_dma semaphore(%arg23 : memref<!tpu.dma_semaphore, #tpu.memory_space<semaphore_mem>>) src(%dma_wait3A_298 : memref<1048576xi32, #tpu.memory_space<hbm>>) dst(%dma_wait3A_294 : memref<128xi32, #tpu.memory_space<vmem>>)
    %dma_wait3A_299 = arith.constant 768 : i32
    %dma_wait3A_300 = tpu.memref_slice %arg15[%dma_wait3A_299] : memref<1024xi32, #tpu.memory_space<vmem>> -> memref<128xi32, #tpu.memory_space<vmem>>
    %dma_wait3A_301 = arith.constant 768 : i32
    %dma_wait3A_302 = tpu.memref_slice %arg13[%dma_wait3A_301] : memref<1024xi32, #tpu.memory_space<vmem>> -> memref<128xi32, #tpu.memory_space<vmem>>
    %dma_wait3A_303 = arith.constant 0 : i32
    %dma_wait3A_304 = tpu.memref_slice %arg6[%dma_wait3A_303] : memref<1048576xi32, #tpu.memory_space<hbm>> -> memref<1048576xi32, #tpu.memory_space<hbm>>
    tpu.wait_indirect_dma semaphore(%arg23 : memref<!tpu.dma_semaphore, #tpu.memory_space<semaphore_mem>>) src(%dma_wait3A_304 : memref<1048576xi32, #tpu.memory_space<hbm>>) dst(%dma_wait3A_300 : memref<128xi32, #tpu.memory_space<vmem>>)
    %dma_wait3A_305 = arith.constant 768 : i32
    %dma_wait3A_306 = tpu.memref_slice %arg16[%dma_wait3A_305] : memref<1024xi32, #tpu.memory_space<vmem>> -> memref<128xi32, #tpu.memory_space<vmem>>
    %dma_wait3A_307 = arith.constant 768 : i32
    %dma_wait3A_308 = tpu.memref_slice %arg14[%dma_wait3A_307] : memref<1024xi32, #tpu.memory_space<vmem>> -> memref<128xi32, #tpu.memory_space<vmem>>
    %dma_wait3A_309 = arith.constant 0 : i32
    %dma_wait3A_310 = tpu.memref_slice %arg6[%dma_wait3A_309] : memref<1048576xi32, #tpu.memory_space<hbm>> -> memref<1048576xi32, #tpu.memory_space<hbm>>
    tpu.wait_indirect_dma semaphore(%arg23 : memref<!tpu.dma_semaphore, #tpu.memory_space<semaphore_mem>>) src(%dma_wait3A_310 : memref<1048576xi32, #tpu.memory_space<hbm>>) dst(%dma_wait3A_306 : memref<128xi32, #tpu.memory_space<vmem>>)
    %dma_wait3A_311 = arith.constant 896 : i32
    %dma_wait3A_312 = tpu.memref_slice %arg15[%dma_wait3A_311] : memref<1024xi32, #tpu.memory_space<vmem>> -> memref<128xi32, #tpu.memory_space<vmem>>
    %dma_wait3A_313 = arith.constant 896 : i32
    %dma_wait3A_314 = tpu.memref_slice %arg13[%dma_wait3A_313] : memref<1024xi32, #tpu.memory_space<vmem>> -> memref<128xi32, #tpu.memory_space<vmem>>
    %dma_wait3A_315 = arith.constant 0 : i32
    %dma_wait3A_316 = tpu.memref_slice %arg6[%dma_wait3A_315] : memref<1048576xi32, #tpu.memory_space<hbm>> -> memref<1048576xi32, #tpu.memory_space<hbm>>
    tpu.wait_indirect_dma semaphore(%arg23 : memref<!tpu.dma_semaphore, #tpu.memory_space<semaphore_mem>>) src(%dma_wait3A_316 : memref<1048576xi32, #tpu.memory_space<hbm>>) dst(%dma_wait3A_312 : memref<128xi32, #tpu.memory_space<vmem>>)
    %dma_wait3A_317 = arith.constant 896 : i32
    %dma_wait3A_318 = tpu.memref_slice %arg16[%dma_wait3A_317] : memref<1024xi32, #tpu.memory_space<vmem>> -> memref<128xi32, #tpu.memory_space<vmem>>
    %dma_wait3A_319 = arith.constant 896 : i32
    %dma_wait3A_320 = tpu.memref_slice %arg14[%dma_wait3A_319] : memref<1024xi32, #tpu.memory_space<vmem>> -> memref<128xi32, #tpu.memory_space<vmem>>
    %dma_wait3A_321 = arith.constant 0 : i32
    %dma_wait3A_322 = tpu.memref_slice %arg6[%dma_wait3A_321] : memref<1048576xi32, #tpu.memory_space<hbm>> -> memref<1048576xi32, #tpu.memory_space<hbm>>
    tpu.wait_indirect_dma semaphore(%arg23 : memref<!tpu.dma_semaphore, #tpu.memory_space<semaphore_mem>>) src(%dma_wait3A_322 : memref<1048576xi32, #tpu.memory_space<hbm>>) dst(%dma_wait3A_318 : memref<128xi32, #tpu.memory_space<vmem>>)
    %scan3A = arith.constant 0 : i32
    %scan3A_323 = arith.constant 64 : i32
    %scan3A_324 = arith.addi %scan3A, %scan3A_323 : i32
    %scan3A_325 = arith.constant 1 : i32
    scf.for %scan3A_732 = %scan3A to %scan3A_324 step %scan3A_325  : i32 {
      %mul3A_733 = arith.constant 16 : i32
      %mul3A_734 = arith.muli %scan3A_732, %mul3A_733 : i32
      %add3A_735 = arith.constant 0 : i32
      %add3A_736 = arith.addi %add3A_735, %mul3A_734 : i32
      %get3A = arith.index_cast %add3A_736 : i32 to index
      %get3A_737 = tpu.vector_load %arg16[%get3A] {strides = array<i32>} : memref<1024xi32, #tpu.memory_space<vmem>>, vector<16xi32>,
      %add3A_738 = vector.broadcast %add3A_736 : i32 to vector<16xi32>
      %add3A_739 = arith.addi %add3A_738, %iota3A : vector<16xi32>
      %and3A = arith.constant 127 : i32
      %and3A_740 = vector.broadcast %and3A : i32 to vector<16xi32>
      %and3A_741 = arith.andi %add3A_739, %and3A_740 : vector<16xi32>
      %add3A_742 = arith.constant 32768 : i32
      %add3A_743 = vector.broadcast %add3A_742 : i32 to vector<16xi32>
      %add3A_744 = arith.addi %add3A_743, %and3A_741 : vector<16xi32>
      %lt3A = arith.constant 0 : i32
      %lt3A_745 = vector.broadcast %lt3A : i32 to vector<16xi32>
      %lt3A_746 = arith.cmpi slt, %get3A_737, %lt3A_745 : vector<16xi32>
      %select_n3A = arith.select %lt3A_746, %add3A_744, %get3A_737 : vector<16xi1>, vector<16xi32>
      %swap3A = arith.index_cast %add3A_736 : i32 to index
      %swap3A_747 = tpu.vector_load %arg16[%swap3A] {strides = array<i32>} : memref<1024xi32, #tpu.memory_space<vmem>>, vector<16xi32>,
      tpu.vector_store %arg16[%swap3A], %select_n3A {strides = array<i32>} : memref<1024xi32, #tpu.memory_space<vmem>>, vector<16xi32>,
    }
    %scan3A_326 = arith.constant 64 : i32
    %dma_start3A_327 = arith.constant 0 : i32
    %dma_start3A_328 = arith.constant 0 : i32
    %dma_start3A_329 = tpu.memref_slice %arg17[%dma_start3A_327, %dma_start3A_328] : memref<1024x16xf32, #tpu.memory_space<vmem>> -> memref<128x16xf32, #tpu.memory_space<vmem>>
    %dma_start3A_330 = arith.constant 0 : i32
    %dma_start3A_331 = tpu.memref_slice %arg15[%dma_start3A_330] : memref<1024xi32, #tpu.memory_space<vmem>> -> memref<128xi32, #tpu.memory_space<vmem>>
    %dma_start3A_332 = arith.constant 0 : i32
    %dma_start3A_333 = arith.constant 0 : i32
    %dma_start3A_334 = tpu.memref_slice %arg7[%dma_start3A_332, %dma_start3A_333] : memref<32896x16xf32, #tpu.memory_space<hbm>> -> memref<32896x16xf32, #tpu.memory_space<hbm>>
    tpu.enqueue_indirect_dma source(%dma_start3A_334 : memref<32896x16xf32, #tpu.memory_space<hbm>>) target(%dma_start3A_329 : memref<128x16xf32, #tpu.memory_space<vmem>>) offsets(%dma_start3A_331 : memref<128xi32, #tpu.memory_space<vmem>>) semaphore(%arg24 : memref<!tpu.dma_semaphore, #tpu.memory_space<semaphore_mem>>)
    %dma_start3A_335 = arith.constant 0 : i32
    %dma_start3A_336 = arith.constant 0 : i32
    %dma_start3A_337 = tpu.memref_slice %arg18[%dma_start3A_335, %dma_start3A_336] : memref<1024x16xf32, #tpu.memory_space<vmem>> -> memref<128x16xf32, #tpu.memory_space<vmem>>
    %dma_start3A_338 = arith.constant 0 : i32
    %dma_start3A_339 = tpu.memref_slice %arg16[%dma_start3A_338] : memref<1024xi32, #tpu.memory_space<vmem>> -> memref<128xi32, #tpu.memory_space<vmem>>
    %dma_start3A_340 = arith.constant 0 : i32
    %dma_start3A_341 = arith.constant 0 : i32
    %dma_start3A_342 = tpu.memref_slice %arg7[%dma_start3A_340, %dma_start3A_341] : memref<32896x16xf32, #tpu.memory_space<hbm>> -> memref<32896x16xf32, #tpu.memory_space<hbm>>
    tpu.enqueue_indirect_dma source(%dma_start3A_342 : memref<32896x16xf32, #tpu.memory_space<hbm>>) target(%dma_start3A_337 : memref<128x16xf32, #tpu.memory_space<vmem>>) offsets(%dma_start3A_339 : memref<128xi32, #tpu.memory_space<vmem>>) semaphore(%arg24 : memref<!tpu.dma_semaphore, #tpu.memory_space<semaphore_mem>>)
    %dma_start3A_343 = arith.constant 128 : i32
    %dma_start3A_344 = arith.constant 0 : i32
    %dma_start3A_345 = tpu.memref_slice %arg17[%dma_start3A_343, %dma_start3A_344] : memref<1024x16xf32, #tpu.memory_space<vmem>> -> memref<128x16xf32, #tpu.memory_space<vmem>>
    %dma_start3A_346 = arith.constant 128 : i32
    %dma_start3A_347 = tpu.memref_slice %arg15[%dma_start3A_346] : memref<1024xi32, #tpu.memory_space<vmem>> -> memref<128xi32, #tpu.memory_space<vmem>>
    %dma_start3A_348 = arith.constant 0 : i32
    %dma_start3A_349 = arith.constant 0 : i32
    %dma_start3A_350 = tpu.memref_slice %arg7[%dma_start3A_348, %dma_start3A_349] : memref<32896x16xf32, #tpu.memory_space<hbm>> -> memref<32896x16xf32, #tpu.memory_space<hbm>>
    tpu.enqueue_indirect_dma source(%dma_start3A_350 : memref<32896x16xf32, #tpu.memory_space<hbm>>) target(%dma_start3A_345 : memref<128x16xf32, #tpu.memory_space<vmem>>) offsets(%dma_start3A_347 : memref<128xi32, #tpu.memory_space<vmem>>) semaphore(%arg24 : memref<!tpu.dma_semaphore, #tpu.memory_space<semaphore_mem>>)
    %dma_start3A_351 = arith.constant 128 : i32
    %dma_start3A_352 = arith.constant 0 : i32
    %dma_start3A_353 = tpu.memref_slice %arg18[%dma_start3A_351, %dma_start3A_352] : memref<1024x16xf32, #tpu.memory_space<vmem>> -> memref<128x16xf32, #tpu.memory_space<vmem>>
    %dma_start3A_354 = arith.constant 128 : i32
    %dma_start3A_355 = tpu.memref_slice %arg16[%dma_start3A_354] : memref<1024xi32, #tpu.memory_space<vmem>> -> memref<128xi32, #tpu.memory_space<vmem>>
    %dma_start3A_356 = arith.constant 0 : i32
    %dma_start3A_357 = arith.constant 0 : i32
    %dma_start3A_358 = tpu.memref_slice %arg7[%dma_start3A_356, %dma_start3A_357] : memref<32896x16xf32, #tpu.memory_space<hbm>> -> memref<32896x16xf32, #tpu.memory_space<hbm>>
    tpu.enqueue_indirect_dma source(%dma_start3A_358 : memref<32896x16xf32, #tpu.memory_space<hbm>>) target(%dma_start3A_353 : memref<128x16xf32, #tpu.memory_space<vmem>>) offsets(%dma_start3A_355 : memref<128xi32, #tpu.memory_space<vmem>>) semaphore(%arg24 : memref<!tpu.dma_semaphore, #tpu.memory_space<semaphore_mem>>)
    %dma_start3A_359 = arith.constant 256 : i32
    %dma_start3A_360 = arith.constant 0 : i32
    %dma_start3A_361 = tpu.memref_slice %arg17[%dma_start3A_359, %dma_start3A_360] : memref<1024x16xf32, #tpu.memory_space<vmem>> -> memref<128x16xf32, #tpu.memory_space<vmem>>
    %dma_start3A_362 = arith.constant 256 : i32
    %dma_start3A_363 = tpu.memref_slice %arg15[%dma_start3A_362] : memref<1024xi32, #tpu.memory_space<vmem>> -> memref<128xi32, #tpu.memory_space<vmem>>
    %dma_start3A_364 = arith.constant 0 : i32
    %dma_start3A_365 = arith.constant 0 : i32
    %dma_start3A_366 = tpu.memref_slice %arg7[%dma_start3A_364, %dma_start3A_365] : memref<32896x16xf32, #tpu.memory_space<hbm>> -> memref<32896x16xf32, #tpu.memory_space<hbm>>
    tpu.enqueue_indirect_dma source(%dma_start3A_366 : memref<32896x16xf32, #tpu.memory_space<hbm>>) target(%dma_start3A_361 : memref<128x16xf32, #tpu.memory_space<vmem>>) offsets(%dma_start3A_363 : memref<128xi32, #tpu.memory_space<vmem>>) semaphore(%arg24 : memref<!tpu.dma_semaphore, #tpu.memory_space<semaphore_mem>>)
    %dma_start3A_367 = arith.constant 256 : i32
    %dma_start3A_368 = arith.constant 0 : i32
    %dma_start3A_369 = tpu.memref_slice %arg18[%dma_start3A_367, %dma_start3A_368] : memref<1024x16xf32, #tpu.memory_space<vmem>> -> memref<128x16xf32, #tpu.memory_space<vmem>>
    %dma_start3A_370 = arith.constant 256 : i32
    %dma_start3A_371 = tpu.memref_slice %arg16[%dma_start3A_370] : memref<1024xi32, #tpu.memory_space<vmem>> -> memref<128xi32, #tpu.memory_space<vmem>>
    %dma_start3A_372 = arith.constant 0 : i32
    %dma_start3A_373 = arith.constant 0 : i32
    %dma_start3A_374 = tpu.memref_slice %arg7[%dma_start3A_372, %dma_start3A_373] : memref<32896x16xf32, #tpu.memory_space<hbm>> -> memref<32896x16xf32, #tpu.memory_space<hbm>>
    tpu.enqueue_indirect_dma source(%dma_start3A_374 : memref<32896x16xf32, #tpu.memory_space<hbm>>) target(%dma_start3A_369 : memref<128x16xf32, #tpu.memory_space<vmem>>) offsets(%dma_start3A_371 : memref<128xi32, #tpu.memory_space<vmem>>) semaphore(%arg24 : memref<!tpu.dma_semaphore, #tpu.memory_space<semaphore_mem>>)
    %dma_start3A_375 = arith.constant 384 : i32
    %dma_start3A_376 = arith.constant 0 : i32
    %dma_start3A_377 = tpu.memref_slice %arg17[%dma_start3A_375, %dma_start3A_376] : memref<1024x16xf32, #tpu.memory_space<vmem>> -> memref<128x16xf32, #tpu.memory_space<vmem>>
    %dma_start3A_378 = arith.constant 384 : i32
    %dma_start3A_379 = tpu.memref_slice %arg15[%dma_start3A_378] : memref<1024xi32, #tpu.memory_space<vmem>> -> memref<128xi32, #tpu.memory_space<vmem>>
    %dma_start3A_380 = arith.constant 0 : i32
    %dma_start3A_381 = arith.constant 0 : i32
    %dma_start3A_382 = tpu.memref_slice %arg7[%dma_start3A_380, %dma_start3A_381] : memref<32896x16xf32, #tpu.memory_space<hbm>> -> memref<32896x16xf32, #tpu.memory_space<hbm>>
    tpu.enqueue_indirect_dma source(%dma_start3A_382 : memref<32896x16xf32, #tpu.memory_space<hbm>>) target(%dma_start3A_377 : memref<128x16xf32, #tpu.memory_space<vmem>>) offsets(%dma_start3A_379 : memref<128xi32, #tpu.memory_space<vmem>>) semaphore(%arg24 : memref<!tpu.dma_semaphore, #tpu.memory_space<semaphore_mem>>)
    %dma_start3A_383 = arith.constant 384 : i32
    %dma_start3A_384 = arith.constant 0 : i32
    %dma_start3A_385 = tpu.memref_slice %arg18[%dma_start3A_383, %dma_start3A_384] : memref<1024x16xf32, #tpu.memory_space<vmem>> -> memref<128x16xf32, #tpu.memory_space<vmem>>
    %dma_start3A_386 = arith.constant 384 : i32
    %dma_start3A_387 = tpu.memref_slice %arg16[%dma_start3A_386] : memref<1024xi32, #tpu.memory_space<vmem>> -> memref<128xi32, #tpu.memory_space<vmem>>
    %dma_start3A_388 = arith.constant 0 : i32
    %dma_start3A_389 = arith.constant 0 : i32
    %dma_start3A_390 = tpu.memref_slice %arg7[%dma_start3A_388, %dma_start3A_389] : memref<32896x16xf32, #tpu.memory_space<hbm>> -> memref<32896x16xf32, #tpu.memory_space<hbm>>
    tpu.enqueue_indirect_dma source(%dma_start3A_390 : memref<32896x16xf32, #tpu.memory_space<hbm>>) target(%dma_start3A_385 : memref<128x16xf32, #tpu.memory_space<vmem>>) offsets(%dma_start3A_387 : memref<128xi32, #tpu.memory_space<vmem>>) semaphore(%arg24 : memref<!tpu.dma_semaphore, #tpu.memory_space<semaphore_mem>>)
    %dma_start3A_391 = arith.constant 512 : i32
    %dma_start3A_392 = arith.constant 0 : i32
    %dma_start3A_393 = tpu.memref_slice %arg17[%dma_start3A_391, %dma_start3A_392] : memref<1024x16xf32, #tpu.memory_space<vmem>> -> memref<128x16xf32, #tpu.memory_space<vmem>>
    %dma_start3A_394 = arith.constant 512 : i32
    %dma_start3A_395 = tpu.memref_slice %arg15[%dma_start3A_394] : memref<1024xi32, #tpu.memory_space<vmem>> -> memref<128xi32, #tpu.memory_space<vmem>>
    %dma_start3A_396 = arith.constant 0 : i32
    %dma_start3A_397 = arith.constant 0 : i32
    %dma_start3A_398 = tpu.memref_slice %arg7[%dma_start3A_396, %dma_start3A_397] : memref<32896x16xf32, #tpu.memory_space<hbm>> -> memref<32896x16xf32, #tpu.memory_space<hbm>>
    tpu.enqueue_indirect_dma source(%dma_start3A_398 : memref<32896x16xf32, #tpu.memory_space<hbm>>) target(%dma_start3A_393 : memref<128x16xf32, #tpu.memory_space<vmem>>) offsets(%dma_start3A_395 : memref<128xi32, #tpu.memory_space<vmem>>) semaphore(%arg24 : memref<!tpu.dma_semaphore, #tpu.memory_space<semaphore_mem>>)
    %dma_start3A_399 = arith.constant 512 : i32
    %dma_start3A_400 = arith.constant 0 : i32
    %dma_start3A_401 = tpu.memref_slice %arg18[%dma_start3A_399, %dma_start3A_400] : memref<1024x16xf32, #tpu.memory_space<vmem>> -> memref<128x16xf32, #tpu.memory_space<vmem>>
    %dma_start3A_402 = arith.constant 512 : i32
    %dma_start3A_403 = tpu.memref_slice %arg16[%dma_start3A_402] : memref<1024xi32, #tpu.memory_space<vmem>> -> memref<128xi32, #tpu.memory_space<vmem>>
    %dma_start3A_404 = arith.constant 0 : i32
    %dma_start3A_405 = arith.constant 0 : i32
    %dma_start3A_406 = tpu.memref_slice %arg7[%dma_start3A_404, %dma_start3A_405] : memref<32896x16xf32, #tpu.memory_space<hbm>> -> memref<32896x16xf32, #tpu.memory_space<hbm>>
    tpu.enqueue_indirect_dma source(%dma_start3A_406 : memref<32896x16xf32, #tpu.memory_space<hbm>>) target(%dma_start3A_401 : memref<128x16xf32, #tpu.memory_space<vmem>>) offsets(%dma_start3A_403 : memref<128xi32, #tpu.memory_space<vmem>>) semaphore(%arg24 : memref<!tpu.dma_semaphore, #tpu.memory_space<semaphore_mem>>)
    %dma_start3A_407 = arith.constant 640 : i32
    %dma_start3A_408 = arith.constant 0 : i32
    %dma_start3A_409 = tpu.memref_slice %arg17[%dma_start3A_407, %dma_start3A_408] : memref<1024x16xf32, #tpu.memory_space<vmem>> -> memref<128x16xf32, #tpu.memory_space<vmem>>
    %dma_start3A_410 = arith.constant 640 : i32
    %dma_start3A_411 = tpu.memref_slice %arg15[%dma_start3A_410] : memref<1024xi32, #tpu.memory_space<vmem>> -> memref<128xi32, #tpu.memory_space<vmem>>
    %dma_start3A_412 = arith.constant 0 : i32
    %dma_start3A_413 = arith.constant 0 : i32
    %dma_start3A_414 = tpu.memref_slice %arg7[%dma_start3A_412, %dma_start3A_413] : memref<32896x16xf32, #tpu.memory_space<hbm>> -> memref<32896x16xf32, #tpu.memory_space<hbm>>
    tpu.enqueue_indirect_dma source(%dma_start3A_414 : memref<32896x16xf32, #tpu.memory_space<hbm>>) target(%dma_start3A_409 : memref<128x16xf32, #tpu.memory_space<vmem>>) offsets(%dma_start3A_411 : memref<128xi32, #tpu.memory_space<vmem>>) semaphore(%arg24 : memref<!tpu.dma_semaphore, #tpu.memory_space<semaphore_mem>>)
    %dma_start3A_415 = arith.constant 640 : i32
    %dma_start3A_416 = arith.constant 0 : i32
    %dma_start3A_417 = tpu.memref_slice %arg18[%dma_start3A_415, %dma_start3A_416] : memref<1024x16xf32, #tpu.memory_space<vmem>> -> memref<128x16xf32, #tpu.memory_space<vmem>>
    %dma_start3A_418 = arith.constant 640 : i32
    %dma_start3A_419 = tpu.memref_slice %arg16[%dma_start3A_418] : memref<1024xi32, #tpu.memory_space<vmem>> -> memref<128xi32, #tpu.memory_space<vmem>>
    %dma_start3A_420 = arith.constant 0 : i32
    %dma_start3A_421 = arith.constant 0 : i32
    %dma_start3A_422 = tpu.memref_slice %arg7[%dma_start3A_420, %dma_start3A_421] : memref<32896x16xf32, #tpu.memory_space<hbm>> -> memref<32896x16xf32, #tpu.memory_space<hbm>>
    tpu.enqueue_indirect_dma source(%dma_start3A_422 : memref<32896x16xf32, #tpu.memory_space<hbm>>) target(%dma_start3A_417 : memref<128x16xf32, #tpu.memory_space<vmem>>) offsets(%dma_start3A_419 : memref<128xi32, #tpu.memory_space<vmem>>) semaphore(%arg24 : memref<!tpu.dma_semaphore, #tpu.memory_space<semaphore_mem>>)
    %dma_start3A_423 = arith.constant 768 : i32
    %dma_start3A_424 = arith.constant 0 : i32
    %dma_start3A_425 = tpu.memref_slice %arg17[%dma_start3A_423, %dma_start3A_424] : memref<1024x16xf32, #tpu.memory_space<vmem>> -> memref<128x16xf32, #tpu.memory_space<vmem>>
    %dma_start3A_426 = arith.constant 768 : i32
    %dma_start3A_427 = tpu.memref_slice %arg15[%dma_start3A_426] : memref<1024xi32, #tpu.memory_space<vmem>> -> memref<128xi32, #tpu.memory_space<vmem>>
    %dma_start3A_428 = arith.constant 0 : i32
    %dma_start3A_429 = arith.constant 0 : i32
    %dma_start3A_430 = tpu.memref_slice %arg7[%dma_start3A_428, %dma_start3A_429] : memref<32896x16xf32, #tpu.memory_space<hbm>> -> memref<32896x16xf32, #tpu.memory_space<hbm>>
    tpu.enqueue_indirect_dma source(%dma_start3A_430 : memref<32896x16xf32, #tpu.memory_space<hbm>>) target(%dma_start3A_425 : memref<128x16xf32, #tpu.memory_space<vmem>>) offsets(%dma_start3A_427 : memref<128xi32, #tpu.memory_space<vmem>>) semaphore(%arg24 : memref<!tpu.dma_semaphore, #tpu.memory_space<semaphore_mem>>)
    %dma_start3A_431 = arith.constant 768 : i32
    %dma_start3A_432 = arith.constant 0 : i32
    %dma_start3A_433 = tpu.memref_slice %arg18[%dma_start3A_431, %dma_start3A_432] : memref<1024x16xf32, #tpu.memory_space<vmem>> -> memref<128x16xf32, #tpu.memory_space<vmem>>
    %dma_start3A_434 = arith.constant 768 : i32
    %dma_start3A_435 = tpu.memref_slice %arg16[%dma_start3A_434] : memref<1024xi32, #tpu.memory_space<vmem>> -> memref<128xi32, #tpu.memory_space<vmem>>
    %dma_start3A_436 = arith.constant 0 : i32
    %dma_start3A_437 = arith.constant 0 : i32
    %dma_start3A_438 = tpu.memref_slice %arg7[%dma_start3A_436, %dma_start3A_437] : memref<32896x16xf32, #tpu.memory_space<hbm>> -> memref<32896x16xf32, #tpu.memory_space<hbm>>
    tpu.enqueue_indirect_dma source(%dma_start3A_438 : memref<32896x16xf32, #tpu.memory_space<hbm>>) target(%dma_start3A_433 : memref<128x16xf32, #tpu.memory_space<vmem>>) offsets(%dma_start3A_435 : memref<128xi32, #tpu.memory_space<vmem>>) semaphore(%arg24 : memref<!tpu.dma_semaphore, #tpu.memory_space<semaphore_mem>>)
    %dma_start3A_439 = arith.constant 896 : i32
    %dma_start3A_440 = arith.constant 0 : i32
    %dma_start3A_441 = tpu.memref_slice %arg17[%dma_start3A_439, %dma_start3A_440] : memref<1024x16xf32, #tpu.memory_space<vmem>> -> memref<128x16xf32, #tpu.memory_space<vmem>>
    %dma_start3A_442 = arith.constant 896 : i32
    %dma_start3A_443 = tpu.memref_slice %arg15[%dma_start3A_442] : memref<1024xi32, #tpu.memory_space<vmem>> -> memref<128xi32, #tpu.memory_space<vmem>>
    %dma_start3A_444 = arith.constant 0 : i32
    %dma_start3A_445 = arith.constant 0 : i32
    %dma_start3A_446 = tpu.memref_slice %arg7[%dma_start3A_444, %dma_start3A_445] : memref<32896x16xf32, #tpu.memory_space<hbm>> -> memref<32896x16xf32, #tpu.memory_space<hbm>>
    tpu.enqueue_indirect_dma source(%dma_start3A_446 : memref<32896x16xf32, #tpu.memory_space<hbm>>) target(%dma_start3A_441 : memref<128x16xf32, #tpu.memory_space<vmem>>) offsets(%dma_start3A_443 : memref<128xi32, #tpu.memory_space<vmem>>) semaphore(%arg24 : memref<!tpu.dma_semaphore, #tpu.memory_space<semaphore_mem>>)
    %dma_start3A_447 = arith.constant 896 : i32
    %dma_start3A_448 = arith.constant 0 : i32
    %dma_start3A_449 = tpu.memref_slice %arg18[%dma_start3A_447, %dma_start3A_448] : memref<1024x16xf32, #tpu.memory_space<vmem>> -> memref<128x16xf32, #tpu.memory_space<vmem>>
    %dma_start3A_450 = arith.constant 896 : i32
    %dma_start3A_451 = tpu.memref_slice %arg16[%dma_start3A_450] : memref<1024xi32, #tpu.memory_space<vmem>> -> memref<128xi32, #tpu.memory_space<vmem>>
    %dma_start3A_452 = arith.constant 0 : i32
    %dma_start3A_453 = arith.constant 0 : i32
    %dma_start3A_454 = tpu.memref_slice %arg7[%dma_start3A_452, %dma_start3A_453] : memref<32896x16xf32, #tpu.memory_space<hbm>> -> memref<32896x16xf32, #tpu.memory_space<hbm>>
    tpu.enqueue_indirect_dma source(%dma_start3A_454 : memref<32896x16xf32, #tpu.memory_space<hbm>>) target(%dma_start3A_449 : memref<128x16xf32, #tpu.memory_space<vmem>>) offsets(%dma_start3A_451 : memref<128xi32, #tpu.memory_space<vmem>>) semaphore(%arg24 : memref<!tpu.dma_semaphore, #tpu.memory_space<semaphore_mem>>)
    %dma_wait3A_455 = arith.constant 0 : i32
    %dma_wait3A_456 = arith.constant 0 : i32
    %dma_wait3A_457 = tpu.memref_slice %arg17[%dma_wait3A_455, %dma_wait3A_456] : memref<1024x16xf32, #tpu.memory_space<vmem>> -> memref<128x16xf32, #tpu.memory_space<vmem>>
    %dma_wait3A_458 = arith.constant 0 : i32
    %dma_wait3A_459 = tpu.memref_slice %arg15[%dma_wait3A_458] : memref<1024xi32, #tpu.memory_space<vmem>> -> memref<128xi32, #tpu.memory_space<vmem>>
    %dma_wait3A_460 = arith.constant 0 : i32
    %dma_wait3A_461 = arith.constant 0 : i32
    %dma_wait3A_462 = tpu.memref_slice %arg7[%dma_wait3A_460, %dma_wait3A_461] : memref<32896x16xf32, #tpu.memory_space<hbm>> -> memref<32896x16xf32, #tpu.memory_space<hbm>>
    tpu.wait_indirect_dma semaphore(%arg24 : memref<!tpu.dma_semaphore, #tpu.memory_space<semaphore_mem>>) src(%dma_wait3A_462 : memref<32896x16xf32, #tpu.memory_space<hbm>>) dst(%dma_wait3A_457 : memref<128x16xf32, #tpu.memory_space<vmem>>)
    %dma_wait3A_463 = arith.constant 0 : i32
    %dma_wait3A_464 = arith.constant 0 : i32
    %dma_wait3A_465 = tpu.memref_slice %arg18[%dma_wait3A_463, %dma_wait3A_464] : memref<1024x16xf32, #tpu.memory_space<vmem>> -> memref<128x16xf32, #tpu.memory_space<vmem>>
    %dma_wait3A_466 = arith.constant 0 : i32
    %dma_wait3A_467 = tpu.memref_slice %arg16[%dma_wait3A_466] : memref<1024xi32, #tpu.memory_space<vmem>> -> memref<128xi32, #tpu.memory_space<vmem>>
    %dma_wait3A_468 = arith.constant 0 : i32
    %dma_wait3A_469 = arith.constant 0 : i32
    %dma_wait3A_470 = tpu.memref_slice %arg7[%dma_wait3A_468, %dma_wait3A_469] : memref<32896x16xf32, #tpu.memory_space<hbm>> -> memref<32896x16xf32, #tpu.memory_space<hbm>>
    tpu.wait_indirect_dma semaphore(%arg24 : memref<!tpu.dma_semaphore, #tpu.memory_space<semaphore_mem>>) src(%dma_wait3A_470 : memref<32896x16xf32, #tpu.memory_space<hbm>>) dst(%dma_wait3A_465 : memref<128x16xf32, #tpu.memory_space<vmem>>)
    %dma_wait3A_471 = arith.constant 128 : i32
    %dma_wait3A_472 = arith.constant 0 : i32
    %dma_wait3A_473 = tpu.memref_slice %arg17[%dma_wait3A_471, %dma_wait3A_472] : memref<1024x16xf32, #tpu.memory_space<vmem>> -> memref<128x16xf32, #tpu.memory_space<vmem>>
    %dma_wait3A_474 = arith.constant 128 : i32
    %dma_wait3A_475 = tpu.memref_slice %arg15[%dma_wait3A_474] : memref<1024xi32, #tpu.memory_space<vmem>> -> memref<128xi32, #tpu.memory_space<vmem>>
    %dma_wait3A_476 = arith.constant 0 : i32
    %dma_wait3A_477 = arith.constant 0 : i32
    %dma_wait3A_478 = tpu.memref_slice %arg7[%dma_wait3A_476, %dma_wait3A_477] : memref<32896x16xf32, #tpu.memory_space<hbm>> -> memref<32896x16xf32, #tpu.memory_space<hbm>>
    tpu.wait_indirect_dma semaphore(%arg24 : memref<!tpu.dma_semaphore, #tpu.memory_space<semaphore_mem>>) src(%dma_wait3A_478 : memref<32896x16xf32, #tpu.memory_space<hbm>>) dst(%dma_wait3A_473 : memref<128x16xf32, #tpu.memory_space<vmem>>)
    %dma_wait3A_479 = arith.constant 128 : i32
    %dma_wait3A_480 = arith.constant 0 : i32
    %dma_wait3A_481 = tpu.memref_slice %arg18[%dma_wait3A_479, %dma_wait3A_480] : memref<1024x16xf32, #tpu.memory_space<vmem>> -> memref<128x16xf32, #tpu.memory_space<vmem>>
    %dma_wait3A_482 = arith.constant 128 : i32
    %dma_wait3A_483 = tpu.memref_slice %arg16[%dma_wait3A_482] : memref<1024xi32, #tpu.memory_space<vmem>> -> memref<128xi32, #tpu.memory_space<vmem>>
    %dma_wait3A_484 = arith.constant 0 : i32
    %dma_wait3A_485 = arith.constant 0 : i32
    %dma_wait3A_486 = tpu.memref_slice %arg7[%dma_wait3A_484, %dma_wait3A_485] : memref<32896x16xf32, #tpu.memory_space<hbm>> -> memref<32896x16xf32, #tpu.memory_space<hbm>>
    tpu.wait_indirect_dma semaphore(%arg24 : memref<!tpu.dma_semaphore, #tpu.memory_space<semaphore_mem>>) src(%dma_wait3A_486 : memref<32896x16xf32, #tpu.memory_space<hbm>>) dst(%dma_wait3A_481 : memref<128x16xf32, #tpu.memory_space<vmem>>)
    %dma_wait3A_487 = arith.constant 256 : i32
    %dma_wait3A_488 = arith.constant 0 : i32
    %dma_wait3A_489 = tpu.memref_slice %arg17[%dma_wait3A_487, %dma_wait3A_488] : memref<1024x16xf32, #tpu.memory_space<vmem>> -> memref<128x16xf32, #tpu.memory_space<vmem>>
    %dma_wait3A_490 = arith.constant 256 : i32
    %dma_wait3A_491 = tpu.memref_slice %arg15[%dma_wait3A_490] : memref<1024xi32, #tpu.memory_space<vmem>> -> memref<128xi32, #tpu.memory_space<vmem>>
    %dma_wait3A_492 = arith.constant 0 : i32
    %dma_wait3A_493 = arith.constant 0 : i32
    %dma_wait3A_494 = tpu.memref_slice %arg7[%dma_wait3A_492, %dma_wait3A_493] : memref<32896x16xf32, #tpu.memory_space<hbm>> -> memref<32896x16xf32, #tpu.memory_space<hbm>>
    tpu.wait_indirect_dma semaphore(%arg24 : memref<!tpu.dma_semaphore, #tpu.memory_space<semaphore_mem>>) src(%dma_wait3A_494 : memref<32896x16xf32, #tpu.memory_space<hbm>>) dst(%dma_wait3A_489 : memref<128x16xf32, #tpu.memory_space<vmem>>)
    %dma_wait3A_495 = arith.constant 256 : i32
    %dma_wait3A_496 = arith.constant 0 : i32
    %dma_wait3A_497 = tpu.memref_slice %arg18[%dma_wait3A_495, %dma_wait3A_496] : memref<1024x16xf32, #tpu.memory_space<vmem>> -> memref<128x16xf32, #tpu.memory_space<vmem>>
    %dma_wait3A_498 = arith.constant 256 : i32
    %dma_wait3A_499 = tpu.memref_slice %arg16[%dma_wait3A_498] : memref<1024xi32, #tpu.memory_space<vmem>> -> memref<128xi32, #tpu.memory_space<vmem>>
    %dma_wait3A_500 = arith.constant 0 : i32
    %dma_wait3A_501 = arith.constant 0 : i32
    %dma_wait3A_502 = tpu.memref_slice %arg7[%dma_wait3A_500, %dma_wait3A_501] : memref<32896x16xf32, #tpu.memory_space<hbm>> -> memref<32896x16xf32, #tpu.memory_space<hbm>>
    tpu.wait_indirect_dma semaphore(%arg24 : memref<!tpu.dma_semaphore, #tpu.memory_space<semaphore_mem>>) src(%dma_wait3A_502 : memref<32896x16xf32, #tpu.memory_space<hbm>>) dst(%dma_wait3A_497 : memref<128x16xf32, #tpu.memory_space<vmem>>)
    %dma_wait3A_503 = arith.constant 384 : i32
    %dma_wait3A_504 = arith.constant 0 : i32
    %dma_wait3A_505 = tpu.memref_slice %arg17[%dma_wait3A_503, %dma_wait3A_504] : memref<1024x16xf32, #tpu.memory_space<vmem>> -> memref<128x16xf32, #tpu.memory_space<vmem>>
    %dma_wait3A_506 = arith.constant 384 : i32
    %dma_wait3A_507 = tpu.memref_slice %arg15[%dma_wait3A_506] : memref<1024xi32, #tpu.memory_space<vmem>> -> memref<128xi32, #tpu.memory_space<vmem>>
    %dma_wait3A_508 = arith.constant 0 : i32
    %dma_wait3A_509 = arith.constant 0 : i32
    %dma_wait3A_510 = tpu.memref_slice %arg7[%dma_wait3A_508, %dma_wait3A_509] : memref<32896x16xf32, #tpu.memory_space<hbm>> -> memref<32896x16xf32, #tpu.memory_space<hbm>>
    tpu.wait_indirect_dma semaphore(%arg24 : memref<!tpu.dma_semaphore, #tpu.memory_space<semaphore_mem>>) src(%dma_wait3A_510 : memref<32896x16xf32, #tpu.memory_space<hbm>>) dst(%dma_wait3A_505 : memref<128x16xf32, #tpu.memory_space<vmem>>)
    %dma_wait3A_511 = arith.constant 384 : i32
    %dma_wait3A_512 = arith.constant 0 : i32
    %dma_wait3A_513 = tpu.memref_slice %arg18[%dma_wait3A_511, %dma_wait3A_512] : memref<1024x16xf32, #tpu.memory_space<vmem>> -> memref<128x16xf32, #tpu.memory_space<vmem>>
    %dma_wait3A_514 = arith.constant 384 : i32
    %dma_wait3A_515 = tpu.memref_slice %arg16[%dma_wait3A_514] : memref<1024xi32, #tpu.memory_space<vmem>> -> memref<128xi32, #tpu.memory_space<vmem>>
    %dma_wait3A_516 = arith.constant 0 : i32
    %dma_wait3A_517 = arith.constant 0 : i32
    %dma_wait3A_518 = tpu.memref_slice %arg7[%dma_wait3A_516, %dma_wait3A_517] : memref<32896x16xf32, #tpu.memory_space<hbm>> -> memref<32896x16xf32, #tpu.memory_space<hbm>>
    tpu.wait_indirect_dma semaphore(%arg24 : memref<!tpu.dma_semaphore, #tpu.memory_space<semaphore_mem>>) src(%dma_wait3A_518 : memref<32896x16xf32, #tpu.memory_space<hbm>>) dst(%dma_wait3A_513 : memref<128x16xf32, #tpu.memory_space<vmem>>)
    %dma_wait3A_519 = arith.constant 512 : i32
    %dma_wait3A_520 = arith.constant 0 : i32
    %dma_wait3A_521 = tpu.memref_slice %arg17[%dma_wait3A_519, %dma_wait3A_520] : memref<1024x16xf32, #tpu.memory_space<vmem>> -> memref<128x16xf32, #tpu.memory_space<vmem>>
    %dma_wait3A_522 = arith.constant 512 : i32
    %dma_wait3A_523 = tpu.memref_slice %arg15[%dma_wait3A_522] : memref<1024xi32, #tpu.memory_space<vmem>> -> memref<128xi32, #tpu.memory_space<vmem>>
    %dma_wait3A_524 = arith.constant 0 : i32
    %dma_wait3A_525 = arith.constant 0 : i32
    %dma_wait3A_526 = tpu.memref_slice %arg7[%dma_wait3A_524, %dma_wait3A_525] : memref<32896x16xf32, #tpu.memory_space<hbm>> -> memref<32896x16xf32, #tpu.memory_space<hbm>>
    tpu.wait_indirect_dma semaphore(%arg24 : memref<!tpu.dma_semaphore, #tpu.memory_space<semaphore_mem>>) src(%dma_wait3A_526 : memref<32896x16xf32, #tpu.memory_space<hbm>>) dst(%dma_wait3A_521 : memref<128x16xf32, #tpu.memory_space<vmem>>)
    %dma_wait3A_527 = arith.constant 512 : i32
    %dma_wait3A_528 = arith.constant 0 : i32
    %dma_wait3A_529 = tpu.memref_slice %arg18[%dma_wait3A_527, %dma_wait3A_528] : memref<1024x16xf32, #tpu.memory_space<vmem>> -> memref<128x16xf32, #tpu.memory_space<vmem>>
    %dma_wait3A_530 = arith.constant 512 : i32
    %dma_wait3A_531 = tpu.memref_slice %arg16[%dma_wait3A_530] : memref<1024xi32, #tpu.memory_space<vmem>> -> memref<128xi32, #tpu.memory_space<vmem>>
    %dma_wait3A_532 = arith.constant 0 : i32
    %dma_wait3A_533 = arith.constant 0 : i32
    %dma_wait3A_534 = tpu.memref_slice %arg7[%dma_wait3A_532, %dma_wait3A_533] : memref<32896x16xf32, #tpu.memory_space<hbm>> -> memref<32896x16xf32, #tpu.memory_space<hbm>>
    tpu.wait_indirect_dma semaphore(%arg24 : memref<!tpu.dma_semaphore, #tpu.memory_space<semaphore_mem>>) src(%dma_wait3A_534 : memref<32896x16xf32, #tpu.memory_space<hbm>>) dst(%dma_wait3A_529 : memref<128x16xf32, #tpu.memory_space<vmem>>)
    %dma_wait3A_535 = arith.constant 640 : i32
    %dma_wait3A_536 = arith.constant 0 : i32
    %dma_wait3A_537 = tpu.memref_slice %arg17[%dma_wait3A_535, %dma_wait3A_536] : memref<1024x16xf32, #tpu.memory_space<vmem>> -> memref<128x16xf32, #tpu.memory_space<vmem>>
    %dma_wait3A_538 = arith.constant 640 : i32
    %dma_wait3A_539 = tpu.memref_slice %arg15[%dma_wait3A_538] : memref<1024xi32, #tpu.memory_space<vmem>> -> memref<128xi32, #tpu.memory_space<vmem>>
    %dma_wait3A_540 = arith.constant 0 : i32
    %dma_wait3A_541 = arith.constant 0 : i32
    %dma_wait3A_542 = tpu.memref_slice %arg7[%dma_wait3A_540, %dma_wait3A_541] : memref<32896x16xf32, #tpu.memory_space<hbm>> -> memref<32896x16xf32, #tpu.memory_space<hbm>>
    tpu.wait_indirect_dma semaphore(%arg24 : memref<!tpu.dma_semaphore, #tpu.memory_space<semaphore_mem>>) src(%dma_wait3A_542 : memref<32896x16xf32, #tpu.memory_space<hbm>>) dst(%dma_wait3A_537 : memref<128x16xf32, #tpu.memory_space<vmem>>)
    %dma_wait3A_543 = arith.constant 640 : i32
    %dma_wait3A_544 = arith.constant 0 : i32
    %dma_wait3A_545 = tpu.memref_slice %arg18[%dma_wait3A_543, %dma_wait3A_544] : memref<1024x16xf32, #tpu.memory_space<vmem>> -> memref<128x16xf32, #tpu.memory_space<vmem>>
    %dma_wait3A_546 = arith.constant 640 : i32
    %dma_wait3A_547 = tpu.memref_slice %arg16[%dma_wait3A_546] : memref<1024xi32, #tpu.memory_space<vmem>> -> memref<128xi32, #tpu.memory_space<vmem>>
    %dma_wait3A_548 = arith.constant 0 : i32
    %dma_wait3A_549 = arith.constant 0 : i32
    %dma_wait3A_550 = tpu.memref_slice %arg7[%dma_wait3A_548, %dma_wait3A_549] : memref<32896x16xf32, #tpu.memory_space<hbm>> -> memref<32896x16xf32, #tpu.memory_space<hbm>>
    tpu.wait_indirect_dma semaphore(%arg24 : memref<!tpu.dma_semaphore, #tpu.memory_space<semaphore_mem>>) src(%dma_wait3A_550 : memref<32896x16xf32, #tpu.memory_space<hbm>>) dst(%dma_wait3A_545 : memref<128x16xf32, #tpu.memory_space<vmem>>)
    %dma_wait3A_551 = arith.constant 768 : i32
    %dma_wait3A_552 = arith.constant 0 : i32
    %dma_wait3A_553 = tpu.memref_slice %arg17[%dma_wait3A_551, %dma_wait3A_552] : memref<1024x16xf32, #tpu.memory_space<vmem>> -> memref<128x16xf32, #tpu.memory_space<vmem>>
    %dma_wait3A_554 = arith.constant 768 : i32
    %dma_wait3A_555 = tpu.memref_slice %arg15[%dma_wait3A_554] : memref<1024xi32, #tpu.memory_space<vmem>> -> memref<128xi32, #tpu.memory_space<vmem>>
    %dma_wait3A_556 = arith.constant 0 : i32
    %dma_wait3A_557 = arith.constant 0 : i32
    %dma_wait3A_558 = tpu.memref_slice %arg7[%dma_wait3A_556, %dma_wait3A_557] : memref<32896x16xf32, #tpu.memory_space<hbm>> -> memref<32896x16xf32, #tpu.memory_space<hbm>>
    tpu.wait_indirect_dma semaphore(%arg24 : memref<!tpu.dma_semaphore, #tpu.memory_space<semaphore_mem>>) src(%dma_wait3A_558 : memref<32896x16xf32, #tpu.memory_space<hbm>>) dst(%dma_wait3A_553 : memref<128x16xf32, #tpu.memory_space<vmem>>)
    %dma_wait3A_559 = arith.constant 768 : i32
    %dma_wait3A_560 = arith.constant 0 : i32
    %dma_wait3A_561 = tpu.memref_slice %arg18[%dma_wait3A_559, %dma_wait3A_560] : memref<1024x16xf32, #tpu.memory_space<vmem>> -> memref<128x16xf32, #tpu.memory_space<vmem>>
    %dma_wait3A_562 = arith.constant 768 : i32
    %dma_wait3A_563 = tpu.memref_slice %arg16[%dma_wait3A_562] : memref<1024xi32, #tpu.memory_space<vmem>> -> memref<128xi32, #tpu.memory_space<vmem>>
    %dma_wait3A_564 = arith.constant 0 : i32
    %dma_wait3A_565 = arith.constant 0 : i32
    %dma_wait3A_566 = tpu.memref_slice %arg7[%dma_wait3A_564, %dma_wait3A_565] : memref<32896x16xf32, #tpu.memory_space<hbm>> -> memref<32896x16xf32, #tpu.memory_space<hbm>>
    tpu.wait_indirect_dma semaphore(%arg24 : memref<!tpu.dma_semaphore, #tpu.memory_space<semaphore_mem>>) src(%dma_wait3A_566 : memref<32896x16xf32, #tpu.memory_space<hbm>>) dst(%dma_wait3A_561 : memref<128x16xf32, #tpu.memory_space<vmem>>)
    %dma_wait3A_567 = arith.constant 896 : i32
    %dma_wait3A_568 = arith.constant 0 : i32
    %dma_wait3A_569 = tpu.memref_slice %arg17[%dma_wait3A_567, %dma_wait3A_568] : memref<1024x16xf32, #tpu.memory_space<vmem>> -> memref<128x16xf32, #tpu.memory_space<vmem>>
    %dma_wait3A_570 = arith.constant 896 : i32
    %dma_wait3A_571 = tpu.memref_slice %arg15[%dma_wait3A_570] : memref<1024xi32, #tpu.memory_space<vmem>> -> memref<128xi32, #tpu.memory_space<vmem>>
    %dma_wait3A_572 = arith.constant 0 : i32
    %dma_wait3A_573 = arith.constant 0 : i32
    %dma_wait3A_574 = tpu.memref_slice %arg7[%dma_wait3A_572, %dma_wait3A_573] : memref<32896x16xf32, #tpu.memory_space<hbm>> -> memref<32896x16xf32, #tpu.memory_space<hbm>>
    tpu.wait_indirect_dma semaphore(%arg24 : memref<!tpu.dma_semaphore, #tpu.memory_space<semaphore_mem>>) src(%dma_wait3A_574 : memref<32896x16xf32, #tpu.memory_space<hbm>>) dst(%dma_wait3A_569 : memref<128x16xf32, #tpu.memory_space<vmem>>)
    %dma_wait3A_575 = arith.constant 896 : i32
    %dma_wait3A_576 = arith.constant 0 : i32
    %dma_wait3A_577 = tpu.memref_slice %arg18[%dma_wait3A_575, %dma_wait3A_576] : memref<1024x16xf32, #tpu.memory_space<vmem>> -> memref<128x16xf32, #tpu.memory_space<vmem>>
    %dma_wait3A_578 = arith.constant 896 : i32
    %dma_wait3A_579 = tpu.memref_slice %arg16[%dma_wait3A_578] : memref<1024xi32, #tpu.memory_space<vmem>> -> memref<128xi32, #tpu.memory_space<vmem>>
    %dma_wait3A_580 = arith.constant 0 : i32
    %dma_wait3A_581 = arith.constant 0 : i32
    %dma_wait3A_582 = tpu.memref_slice %arg7[%dma_wait3A_580, %dma_wait3A_581] : memref<32896x16xf32, #tpu.memory_space<hbm>> -> memref<32896x16xf32, #tpu.memory_space<hbm>>
    tpu.wait_indirect_dma semaphore(%arg24 : memref<!tpu.dma_semaphore, #tpu.memory_space<semaphore_mem>>) src(%dma_wait3A_582 : memref<32896x16xf32, #tpu.memory_space<hbm>>) dst(%dma_wait3A_577 : memref<128x16xf32, #tpu.memory_space<vmem>>)
    %dma_wait3A_583 = arith.constant 0 : i32
    %dma_wait3A_584 = arith.constant 0 : i32
    %dma_wait3A_585 = tpu.memref_slice %arg19[%dma_wait3A_583, %dma_wait3A_584] : memref<1024x16xf32, #tpu.memory_space<vmem>> -> memref<128x16xf32, #tpu.memory_space<vmem>>
    %dma_wait3A_586 = arith.constant 0 : i32
    %dma_wait3A_587 = tpu.memref_slice %arg12[%dma_wait3A_586] : memref<1024xi32, #tpu.memory_space<vmem>> -> memref<128xi32, #tpu.memory_space<vmem>>
    %dma_wait3A_588 = arith.constant 0 : i32
    %dma_wait3A_589 = arith.constant 0 : i32
    %dma_wait3A_590 = tpu.memref_slice %arg21[%dma_wait3A_588, %dma_wait3A_589] : memref<1024x16xf32, #tpu.memory_space<vmem_shared>> -> memref<1024x16xf32, #tpu.memory_space<vmem_shared>>
    tpu.wait_indirect_dma semaphore(%arg22 : memref<!tpu.dma_semaphore, #tpu.memory_space<semaphore_mem>>) src(%dma_wait3A_590 : memref<1024x16xf32, #tpu.memory_space<vmem_shared>>) dst(%dma_wait3A_585 : memref<128x16xf32, #tpu.memory_space<vmem>>)
    %dma_wait3A_591 = arith.constant 0 : i32
    %dma_wait3A_592 = arith.constant 0 : i32
    %dma_wait3A_593 = tpu.memref_slice %arg20[%dma_wait3A_591, %dma_wait3A_592] : memref<1024x16xf32, #tpu.memory_space<vmem>> -> memref<128x16xf32, #tpu.memory_space<vmem>>
    %dma_wait3A_594 = arith.constant 0 : i32
    %dma_wait3A_595 = tpu.memref_slice %arg11[%dma_wait3A_594] : memref<1024xi32, #tpu.memory_space<vmem>> -> memref<128xi32, #tpu.memory_space<vmem>>
    %dma_wait3A_596 = arith.constant 0 : i32
    %dma_wait3A_597 = arith.constant 0 : i32
    %dma_wait3A_598 = tpu.memref_slice %arg21[%dma_wait3A_596, %dma_wait3A_597] : memref<1024x16xf32, #tpu.memory_space<vmem_shared>> -> memref<1024x16xf32, #tpu.memory_space<vmem_shared>>
    tpu.wait_indirect_dma semaphore(%arg22 : memref<!tpu.dma_semaphore, #tpu.memory_space<semaphore_mem>>) src(%dma_wait3A_598 : memref<1024x16xf32, #tpu.memory_space<vmem_shared>>) dst(%dma_wait3A_593 : memref<128x16xf32, #tpu.memory_space<vmem>>)
    %dma_wait3A_599 = arith.constant 128 : i32
    %dma_wait3A_600 = arith.constant 0 : i32
    %dma_wait3A_601 = tpu.memref_slice %arg19[%dma_wait3A_599, %dma_wait3A_600] : memref<1024x16xf32, #tpu.memory_space<vmem>> -> memref<128x16xf32, #tpu.memory_space<vmem>>
    %dma_wait3A_602 = arith.constant 128 : i32
    %dma_wait3A_603 = tpu.memref_slice %arg12[%dma_wait3A_602] : memref<1024xi32, #tpu.memory_space<vmem>> -> memref<128xi32, #tpu.memory_space<vmem>>
    %dma_wait3A_604 = arith.constant 0 : i32
    %dma_wait3A_605 = arith.constant 0 : i32
    %dma_wait3A_606 = tpu.memref_slice %arg21[%dma_wait3A_604, %dma_wait3A_605] : memref<1024x16xf32, #tpu.memory_space<vmem_shared>> -> memref<1024x16xf32, #tpu.memory_space<vmem_shared>>
    tpu.wait_indirect_dma semaphore(%arg22 : memref<!tpu.dma_semaphore, #tpu.memory_space<semaphore_mem>>) src(%dma_wait3A_606 : memref<1024x16xf32, #tpu.memory_space<vmem_shared>>) dst(%dma_wait3A_601 : memref<128x16xf32, #tpu.memory_space<vmem>>)
    %dma_wait3A_607 = arith.constant 128 : i32
    %dma_wait3A_608 = arith.constant 0 : i32
    %dma_wait3A_609 = tpu.memref_slice %arg20[%dma_wait3A_607, %dma_wait3A_608] : memref<1024x16xf32, #tpu.memory_space<vmem>> -> memref<128x16xf32, #tpu.memory_space<vmem>>
    %dma_wait3A_610 = arith.constant 128 : i32
    %dma_wait3A_611 = tpu.memref_slice %arg11[%dma_wait3A_610] : memref<1024xi32, #tpu.memory_space<vmem>> -> memref<128xi32, #tpu.memory_space<vmem>>
    %dma_wait3A_612 = arith.constant 0 : i32
    %dma_wait3A_613 = arith.constant 0 : i32
    %dma_wait3A_614 = tpu.memref_slice %arg21[%dma_wait3A_612, %dma_wait3A_613] : memref<1024x16xf32, #tpu.memory_space<vmem_shared>> -> memref<1024x16xf32, #tpu.memory_space<vmem_shared>>
    tpu.wait_indirect_dma semaphore(%arg22 : memref<!tpu.dma_semaphore, #tpu.memory_space<semaphore_mem>>) src(%dma_wait3A_614 : memref<1024x16xf32, #tpu.memory_space<vmem_shared>>) dst(%dma_wait3A_609 : memref<128x16xf32, #tpu.memory_space<vmem>>)
    %dma_wait3A_615 = arith.constant 256 : i32
    %dma_wait3A_616 = arith.constant 0 : i32
    %dma_wait3A_617 = tpu.memref_slice %arg19[%dma_wait3A_615, %dma_wait3A_616] : memref<1024x16xf32, #tpu.memory_space<vmem>> -> memref<128x16xf32, #tpu.memory_space<vmem>>
    %dma_wait3A_618 = arith.constant 256 : i32
    %dma_wait3A_619 = tpu.memref_slice %arg12[%dma_wait3A_618] : memref<1024xi32, #tpu.memory_space<vmem>> -> memref<128xi32, #tpu.memory_space<vmem>>
    %dma_wait3A_620 = arith.constant 0 : i32
    %dma_wait3A_621 = arith.constant 0 : i32
    %dma_wait3A_622 = tpu.memref_slice %arg21[%dma_wait3A_620, %dma_wait3A_621] : memref<1024x16xf32, #tpu.memory_space<vmem_shared>> -> memref<1024x16xf32, #tpu.memory_space<vmem_shared>>
    tpu.wait_indirect_dma semaphore(%arg22 : memref<!tpu.dma_semaphore, #tpu.memory_space<semaphore_mem>>) src(%dma_wait3A_622 : memref<1024x16xf32, #tpu.memory_space<vmem_shared>>) dst(%dma_wait3A_617 : memref<128x16xf32, #tpu.memory_space<vmem>>)
    %dma_wait3A_623 = arith.constant 256 : i32
    %dma_wait3A_624 = arith.constant 0 : i32
    %dma_wait3A_625 = tpu.memref_slice %arg20[%dma_wait3A_623, %dma_wait3A_624] : memref<1024x16xf32, #tpu.memory_space<vmem>> -> memref<128x16xf32, #tpu.memory_space<vmem>>
    %dma_wait3A_626 = arith.constant 256 : i32
    %dma_wait3A_627 = tpu.memref_slice %arg11[%dma_wait3A_626] : memref<1024xi32, #tpu.memory_space<vmem>> -> memref<128xi32, #tpu.memory_space<vmem>>
    %dma_wait3A_628 = arith.constant 0 : i32
    %dma_wait3A_629 = arith.constant 0 : i32
    %dma_wait3A_630 = tpu.memref_slice %arg21[%dma_wait3A_628, %dma_wait3A_629] : memref<1024x16xf32, #tpu.memory_space<vmem_shared>> -> memref<1024x16xf32, #tpu.memory_space<vmem_shared>>
    tpu.wait_indirect_dma semaphore(%arg22 : memref<!tpu.dma_semaphore, #tpu.memory_space<semaphore_mem>>) src(%dma_wait3A_630 : memref<1024x16xf32, #tpu.memory_space<vmem_shared>>) dst(%dma_wait3A_625 : memref<128x16xf32, #tpu.memory_space<vmem>>)
    %dma_wait3A_631 = arith.constant 384 : i32
    %dma_wait3A_632 = arith.constant 0 : i32
    %dma_wait3A_633 = tpu.memref_slice %arg19[%dma_wait3A_631, %dma_wait3A_632] : memref<1024x16xf32, #tpu.memory_space<vmem>> -> memref<128x16xf32, #tpu.memory_space<vmem>>
    %dma_wait3A_634 = arith.constant 384 : i32
    %dma_wait3A_635 = tpu.memref_slice %arg12[%dma_wait3A_634] : memref<1024xi32, #tpu.memory_space<vmem>> -> memref<128xi32, #tpu.memory_space<vmem>>
    %dma_wait3A_636 = arith.constant 0 : i32
    %dma_wait3A_637 = arith.constant 0 : i32
    %dma_wait3A_638 = tpu.memref_slice %arg21[%dma_wait3A_636, %dma_wait3A_637] : memref<1024x16xf32, #tpu.memory_space<vmem_shared>> -> memref<1024x16xf32, #tpu.memory_space<vmem_shared>>
    tpu.wait_indirect_dma semaphore(%arg22 : memref<!tpu.dma_semaphore, #tpu.memory_space<semaphore_mem>>) src(%dma_wait3A_638 : memref<1024x16xf32, #tpu.memory_space<vmem_shared>>) dst(%dma_wait3A_633 : memref<128x16xf32, #tpu.memory_space<vmem>>)
    %dma_wait3A_639 = arith.constant 384 : i32
    %dma_wait3A_640 = arith.constant 0 : i32
    %dma_wait3A_641 = tpu.memref_slice %arg20[%dma_wait3A_639, %dma_wait3A_640] : memref<1024x16xf32, #tpu.memory_space<vmem>> -> memref<128x16xf32, #tpu.memory_space<vmem>>
    %dma_wait3A_642 = arith.constant 384 : i32
    %dma_wait3A_643 = tpu.memref_slice %arg11[%dma_wait3A_642] : memref<1024xi32, #tpu.memory_space<vmem>> -> memref<128xi32, #tpu.memory_space<vmem>>
    %dma_wait3A_644 = arith.constant 0 : i32
    %dma_wait3A_645 = arith.constant 0 : i32
    %dma_wait3A_646 = tpu.memref_slice %arg21[%dma_wait3A_644, %dma_wait3A_645] : memref<1024x16xf32, #tpu.memory_space<vmem_shared>> -> memref<1024x16xf32, #tpu.memory_space<vmem_shared>>
    tpu.wait_indirect_dma semaphore(%arg22 : memref<!tpu.dma_semaphore, #tpu.memory_space<semaphore_mem>>) src(%dma_wait3A_646 : memref<1024x16xf32, #tpu.memory_space<vmem_shared>>) dst(%dma_wait3A_641 : memref<128x16xf32, #tpu.memory_space<vmem>>)
    %dma_wait3A_647 = arith.constant 512 : i32
    %dma_wait3A_648 = arith.constant 0 : i32
    %dma_wait3A_649 = tpu.memref_slice %arg19[%dma_wait3A_647, %dma_wait3A_648] : memref<1024x16xf32, #tpu.memory_space<vmem>> -> memref<128x16xf32, #tpu.memory_space<vmem>>
    %dma_wait3A_650 = arith.constant 512 : i32
    %dma_wait3A_651 = tpu.memref_slice %arg12[%dma_wait3A_650] : memref<1024xi32, #tpu.memory_space<vmem>> -> memref<128xi32, #tpu.memory_space<vmem>>
    %dma_wait3A_652 = arith.constant 0 : i32
    %dma_wait3A_653 = arith.constant 0 : i32
    %dma_wait3A_654 = tpu.memref_slice %arg21[%dma_wait3A_652, %dma_wait3A_653] : memref<1024x16xf32, #tpu.memory_space<vmem_shared>> -> memref<1024x16xf32, #tpu.memory_space<vmem_shared>>
    tpu.wait_indirect_dma semaphore(%arg22 : memref<!tpu.dma_semaphore, #tpu.memory_space<semaphore_mem>>) src(%dma_wait3A_654 : memref<1024x16xf32, #tpu.memory_space<vmem_shared>>) dst(%dma_wait3A_649 : memref<128x16xf32, #tpu.memory_space<vmem>>)
    %dma_wait3A_655 = arith.constant 512 : i32
    %dma_wait3A_656 = arith.constant 0 : i32
    %dma_wait3A_657 = tpu.memref_slice %arg20[%dma_wait3A_655, %dma_wait3A_656] : memref<1024x16xf32, #tpu.memory_space<vmem>> -> memref<128x16xf32, #tpu.memory_space<vmem>>
    %dma_wait3A_658 = arith.constant 512 : i32
    %dma_wait3A_659 = tpu.memref_slice %arg11[%dma_wait3A_658] : memref<1024xi32, #tpu.memory_space<vmem>> -> memref<128xi32, #tpu.memory_space<vmem>>
    %dma_wait3A_660 = arith.constant 0 : i32
    %dma_wait3A_661 = arith.constant 0 : i32
    %dma_wait3A_662 = tpu.memref_slice %arg21[%dma_wait3A_660, %dma_wait3A_661] : memref<1024x16xf32, #tpu.memory_space<vmem_shared>> -> memref<1024x16xf32, #tpu.memory_space<vmem_shared>>
    tpu.wait_indirect_dma semaphore(%arg22 : memref<!tpu.dma_semaphore, #tpu.memory_space<semaphore_mem>>) src(%dma_wait3A_662 : memref<1024x16xf32, #tpu.memory_space<vmem_shared>>) dst(%dma_wait3A_657 : memref<128x16xf32, #tpu.memory_space<vmem>>)
    %dma_wait3A_663 = arith.constant 640 : i32
    %dma_wait3A_664 = arith.constant 0 : i32
    %dma_wait3A_665 = tpu.memref_slice %arg19[%dma_wait3A_663, %dma_wait3A_664] : memref<1024x16xf32, #tpu.memory_space<vmem>> -> memref<128x16xf32, #tpu.memory_space<vmem>>
    %dma_wait3A_666 = arith.constant 640 : i32
    %dma_wait3A_667 = tpu.memref_slice %arg12[%dma_wait3A_666] : memref<1024xi32, #tpu.memory_space<vmem>> -> memref<128xi32, #tpu.memory_space<vmem>>
    %dma_wait3A_668 = arith.constant 0 : i32
    %dma_wait3A_669 = arith.constant 0 : i32
    %dma_wait3A_670 = tpu.memref_slice %arg21[%dma_wait3A_668, %dma_wait3A_669] : memref<1024x16xf32, #tpu.memory_space<vmem_shared>> -> memref<1024x16xf32, #tpu.memory_space<vmem_shared>>
    tpu.wait_indirect_dma semaphore(%arg22 : memref<!tpu.dma_semaphore, #tpu.memory_space<semaphore_mem>>) src(%dma_wait3A_670 : memref<1024x16xf32, #tpu.memory_space<vmem_shared>>) dst(%dma_wait3A_665 : memref<128x16xf32, #tpu.memory_space<vmem>>)
    %dma_wait3A_671 = arith.constant 640 : i32
    %dma_wait3A_672 = arith.constant 0 : i32
    %dma_wait3A_673 = tpu.memref_slice %arg20[%dma_wait3A_671, %dma_wait3A_672] : memref<1024x16xf32, #tpu.memory_space<vmem>> -> memref<128x16xf32, #tpu.memory_space<vmem>>
    %dma_wait3A_674 = arith.constant 640 : i32
    %dma_wait3A_675 = tpu.memref_slice %arg11[%dma_wait3A_674] : memref<1024xi32, #tpu.memory_space<vmem>> -> memref<128xi32, #tpu.memory_space<vmem>>
    %dma_wait3A_676 = arith.constant 0 : i32
    %dma_wait3A_677 = arith.constant 0 : i32
    %dma_wait3A_678 = tpu.memref_slice %arg21[%dma_wait3A_676, %dma_wait3A_677] : memref<1024x16xf32, #tpu.memory_space<vmem_shared>> -> memref<1024x16xf32, #tpu.memory_space<vmem_shared>>
    tpu.wait_indirect_dma semaphore(%arg22 : memref<!tpu.dma_semaphore, #tpu.memory_space<semaphore_mem>>) src(%dma_wait3A_678 : memref<1024x16xf32, #tpu.memory_space<vmem_shared>>) dst(%dma_wait3A_673 : memref<128x16xf32, #tpu.memory_space<vmem>>)
    %dma_wait3A_679 = arith.constant 768 : i32
    %dma_wait3A_680 = arith.constant 0 : i32
    %dma_wait3A_681 = tpu.memref_slice %arg19[%dma_wait3A_679, %dma_wait3A_680] : memref<1024x16xf32, #tpu.memory_space<vmem>> -> memref<128x16xf32, #tpu.memory_space<vmem>>
    %dma_wait3A_682 = arith.constant 768 : i32
    %dma_wait3A_683 = tpu.memref_slice %arg12[%dma_wait3A_682] : memref<1024xi32, #tpu.memory_space<vmem>> -> memref<128xi32, #tpu.memory_space<vmem>>
    %dma_wait3A_684 = arith.constant 0 : i32
    %dma_wait3A_685 = arith.constant 0 : i32
    %dma_wait3A_686 = tpu.memref_slice %arg21[%dma_wait3A_684, %dma_wait3A_685] : memref<1024x16xf32, #tpu.memory_space<vmem_shared>> -> memref<1024x16xf32, #tpu.memory_space<vmem_shared>>
    tpu.wait_indirect_dma semaphore(%arg22 : memref<!tpu.dma_semaphore, #tpu.memory_space<semaphore_mem>>) src(%dma_wait3A_686 : memref<1024x16xf32, #tpu.memory_space<vmem_shared>>) dst(%dma_wait3A_681 : memref<128x16xf32, #tpu.memory_space<vmem>>)
    %dma_wait3A_687 = arith.constant 768 : i32
    %dma_wait3A_688 = arith.constant 0 : i32
    %dma_wait3A_689 = tpu.memref_slice %arg20[%dma_wait3A_687, %dma_wait3A_688] : memref<1024x16xf32, #tpu.memory_space<vmem>> -> memref<128x16xf32, #tpu.memory_space<vmem>>
    %dma_wait3A_690 = arith.constant 768 : i32
    %dma_wait3A_691 = tpu.memref_slice %arg11[%dma_wait3A_690] : memref<1024xi32, #tpu.memory_space<vmem>> -> memref<128xi32, #tpu.memory_space<vmem>>
    %dma_wait3A_692 = arith.constant 0 : i32
    %dma_wait3A_693 = arith.constant 0 : i32
    %dma_wait3A_694 = tpu.memref_slice %arg21[%dma_wait3A_692, %dma_wait3A_693] : memref<1024x16xf32, #tpu.memory_space<vmem_shared>> -> memref<1024x16xf32, #tpu.memory_space<vmem_shared>>
    tpu.wait_indirect_dma semaphore(%arg22 : memref<!tpu.dma_semaphore, #tpu.memory_space<semaphore_mem>>) src(%dma_wait3A_694 : memref<1024x16xf32, #tpu.memory_space<vmem_shared>>) dst(%dma_wait3A_689 : memref<128x16xf32, #tpu.memory_space<vmem>>)
    %dma_wait3A_695 = arith.constant 896 : i32
    %dma_wait3A_696 = arith.constant 0 : i32
    %dma_wait3A_697 = tpu.memref_slice %arg19[%dma_wait3A_695, %dma_wait3A_696] : memref<1024x16xf32, #tpu.memory_space<vmem>> -> memref<128x16xf32, #tpu.memory_space<vmem>>
    %dma_wait3A_698 = arith.constant 896 : i32
    %dma_wait3A_699 = tpu.memref_slice %arg12[%dma_wait3A_698] : memref<1024xi32, #tpu.memory_space<vmem>> -> memref<128xi32, #tpu.memory_space<vmem>>
    %dma_wait3A_700 = arith.constant 0 : i32
    %dma_wait3A_701 = arith.constant 0 : i32
    %dma_wait3A_702 = tpu.memref_slice %arg21[%dma_wait3A_700, %dma_wait3A_701] : memref<1024x16xf32, #tpu.memory_space<vmem_shared>> -> memref<1024x16xf32, #tpu.memory_space<vmem_shared>>
    tpu.wait_indirect_dma semaphore(%arg22 : memref<!tpu.dma_semaphore, #tpu.memory_space<semaphore_mem>>) src(%dma_wait3A_702 : memref<1024x16xf32, #tpu.memory_space<vmem_shared>>) dst(%dma_wait3A_697 : memref<128x16xf32, #tpu.memory_space<vmem>>)
    %dma_wait3A_703 = arith.constant 896 : i32
    %dma_wait3A_704 = arith.constant 0 : i32
    %dma_wait3A_705 = tpu.memref_slice %arg20[%dma_wait3A_703, %dma_wait3A_704] : memref<1024x16xf32, #tpu.memory_space<vmem>> -> memref<128x16xf32, #tpu.memory_space<vmem>>
    %dma_wait3A_706 = arith.constant 896 : i32
    %dma_wait3A_707 = tpu.memref_slice %arg11[%dma_wait3A_706] : memref<1024xi32, #tpu.memory_space<vmem>> -> memref<128xi32, #tpu.memory_space<vmem>>
    %dma_wait3A_708 = arith.constant 0 : i32
    %dma_wait3A_709 = arith.constant 0 : i32
    %dma_wait3A_710 = tpu.memref_slice %arg21[%dma_wait3A_708, %dma_wait3A_709] : memref<1024x16xf32, #tpu.memory_space<vmem_shared>> -> memref<1024x16xf32, #tpu.memory_space<vmem_shared>>
    tpu.wait_indirect_dma semaphore(%arg22 : memref<!tpu.dma_semaphore, #tpu.memory_space<semaphore_mem>>) src(%dma_wait3A_710 : memref<1024x16xf32, #tpu.memory_space<vmem_shared>>) dst(%dma_wait3A_705 : memref<128x16xf32, #tpu.memory_space<vmem>>)
    %scan3A_711 = arith.constant 0 : i32
    %scan3A_712 = arith.constant 256 : i32
    %scan3A_713 = arith.addi %scan3A_711, %scan3A_712 : i32
    %scan3A_714 = arith.constant 1 : i32
    scf.for %scan3A_732 = %scan3A_711 to %scan3A_713 step %scan3A_714  : i32 {
      %mul3A_733 = arith.constant 4 : i32
      %mul3A_734 = arith.muli %scan3A_732, %mul3A_733 : i32
      %add3A_735 = arith.constant 0 : i32
      %add3A_736 = arith.addi %add3A_735, %mul3A_734 : i32
      %add3A_737 = arith.constant 0 : i32
      %add3A_738 = arith.addi %add3A_736, %add3A_737 : i32
      %get3A = arith.index_cast %add3A_738 : i32 to index
      %get3A_739 = arith.constant 0 : index
      %get3A_740 = tpu.vector_load %arg17[%get3A, %get3A_739] {strides = array<i32>} : memref<1024x16xf32, #tpu.memory_space<vmem>>, vector<16xf32>,
      %add3A_741 = arith.constant 0 : i32
      %add3A_742 = arith.addi %add3A_736, %add3A_741 : i32
      %get3A_743 = arith.index_cast %add3A_742 : i32 to index
      %get3A_744 = arith.constant 0 : index
      %get3A_745 = tpu.vector_load %arg18[%get3A_743, %get3A_744] {strides = array<i32>} : memref<1024x16xf32, #tpu.memory_space<vmem>>, vector<16xf32>,
      %add3A_746 = arith.addf %get3A_740, %get3A_745 : vector<16xf32>
      %mul3A_747 = arith.constant 5.000000e-01 : f32
      %mul3A_748 = vector.broadcast %mul3A_747 : f32 to vector<16xf32>
      %mul3A_749 = arith.mulf %add3A_746, %mul3A_748 : vector<16xf32>
      %add3A_750 = arith.constant 0 : i32
      %add3A_751 = arith.addi %add3A_736, %add3A_750 : i32
      %swap3A = arith.index_cast %add3A_751 : i32 to index
      %swap3A_752 = arith.constant 0 : index
      %swap3A_753 = tpu.vector_load %arg17[%swap3A, %swap3A_752] {strides = array<i32>} : memref<1024x16xf32, #tpu.memory_space<vmem>>, vector<16xf32>,
      tpu.vector_store %arg17[%swap3A, %swap3A_752], %mul3A_749 {strides = array<i32>} : memref<1024x16xf32, #tpu.memory_space<vmem>>, vector<16xf32>,
      %add3A_754 = arith.constant 0 : i32
      %add3A_755 = arith.addi %add3A_736, %add3A_754 : i32
      %get3A_756 = arith.index_cast %add3A_755 : i32 to index
      %get3A_757 = arith.constant 0 : index
      %get3A_758 = tpu.vector_load %arg19[%get3A_756, %get3A_757] {strides = array<i32>} : memref<1024x16xf32, #tpu.memory_space<vmem>>, vector<16xf32>,
      %add3A_759 = arith.constant 0 : i32
      %add3A_760 = arith.addi %add3A_736, %add3A_759 : i32
      %get3A_761 = arith.index_cast %add3A_760 : i32 to index
      %get3A_762 = arith.constant 0 : index
      %get3A_763 = tpu.vector_load %arg20[%get3A_761, %get3A_762] {strides = array<i32>} : memref<1024x16xf32, #tpu.memory_space<vmem>>, vector<16xf32>,
      %sub3A = arith.subf %get3A_758, %get3A_763 : vector<16xf32>
      %add3A_764 = arith.constant 0 : i32
      %add3A_765 = arith.addi %add3A_736, %add3A_764 : i32
      %swap3A_766 = arith.index_cast %add3A_765 : i32 to index
      %swap3A_767 = arith.constant 0 : index
      %swap3A_768 = tpu.vector_load %arg19[%swap3A_766, %swap3A_767] {strides = array<i32>} : memref<1024x16xf32, #tpu.memory_space<vmem>>, vector<16xf32>,
      tpu.vector_store %arg19[%swap3A_766, %swap3A_767], %sub3A {strides = array<i32>} : memref<1024x16xf32, #tpu.memory_space<vmem>>, vector<16xf32>,
      %add3A_769 = arith.constant 1 : i32
      %add3A_770 = arith.addi %add3A_736, %add3A_769 : i32
      %get3A_771 = arith.index_cast %add3A_770 : i32 to index
      %get3A_772 = arith.constant 0 : index
      %get3A_773 = tpu.vector_load %arg17[%get3A_771, %get3A_772] {strides = array<i32>} : memref<1024x16xf32, #tpu.memory_space<vmem>>, vector<16xf32>,
      %add3A_774 = arith.constant 1 : i32
      %add3A_775 = arith.addi %add3A_736, %add3A_774 : i32
      %get3A_776 = arith.index_cast %add3A_775 : i32 to index
      %get3A_777 = arith.constant 0 : index
      %get3A_778 = tpu.vector_load %arg18[%get3A_776, %get3A_777] {strides = array<i32>} : memref<1024x16xf32, #tpu.memory_space<vmem>>, vector<16xf32>,
      %add3A_779 = arith.addf %get3A_773, %get3A_778 : vector<16xf32>
      %mul3A_780 = arith.constant 5.000000e-01 : f32
      %mul3A_781 = vector.broadcast %mul3A_780 : f32 to vector<16xf32>
      %mul3A_782 = arith.mulf %add3A_779, %mul3A_781 : vector<16xf32>
      %add3A_783 = arith.constant 1 : i32
      %add3A_784 = arith.addi %add3A_736, %add3A_783 : i32
      %swap3A_785 = arith.index_cast %add3A_784 : i32 to index
      %swap3A_786 = arith.constant 0 : index
      %swap3A_787 = tpu.vector_load %arg17[%swap3A_785, %swap3A_786] {strides = array<i32>} : memref<1024x16xf32, #tpu.memory_space<vmem>>, vector<16xf32>,
      tpu.vector_store %arg17[%swap3A_785, %swap3A_786], %mul3A_782 {strides = array<i32>} : memref<1024x16xf32, #tpu.memory_space<vmem>>, vector<16xf32>,
      %add3A_788 = arith.constant 1 : i32
      %add3A_789 = arith.addi %add3A_736, %add3A_788 : i32
      %get3A_790 = arith.index_cast %add3A_789 : i32 to index
      %get3A_791 = arith.constant 0 : index
      %get3A_792 = tpu.vector_load %arg19[%get3A_790, %get3A_791] {strides = array<i32>} : memref<1024x16xf32, #tpu.memory_space<vmem>>, vector<16xf32>,
      %add3A_793 = arith.constant 1 : i32
      %add3A_794 = arith.addi %add3A_736, %add3A_793 : i32
      %get3A_795 = arith.index_cast %add3A_794 : i32 to index
      %get3A_796 = arith.constant 0 : index
      %get3A_797 = tpu.vector_load %arg20[%get3A_795, %get3A_796] {strides = array<i32>} : memref<1024x16xf32, #tpu.memory_space<vmem>>, vector<16xf32>,
      %sub3A_798 = arith.subf %get3A_792, %get3A_797 : vector<16xf32>
      %add3A_799 = arith.constant 1 : i32
      %add3A_800 = arith.addi %add3A_736, %add3A_799 : i32
      %swap3A_801 = arith.index_cast %add3A_800 : i32 to index
      %swap3A_802 = arith.constant 0 : index
      %swap3A_803 = tpu.vector_load %arg19[%swap3A_801, %swap3A_802] {strides = array<i32>} : memref<1024x16xf32, #tpu.memory_space<vmem>>, vector<16xf32>,
      tpu.vector_store %arg19[%swap3A_801, %swap3A_802], %sub3A_798 {strides = array<i32>} : memref<1024x16xf32, #tpu.memory_space<vmem>>, vector<16xf32>,
      %add3A_804 = arith.constant 2 : i32
      %add3A_805 = arith.addi %add3A_736, %add3A_804 : i32
      %get3A_806 = arith.index_cast %add3A_805 : i32 to index
      %get3A_807 = arith.constant 0 : index
      %get3A_808 = tpu.vector_load %arg17[%get3A_806, %get3A_807] {strides = array<i32>} : memref<1024x16xf32, #tpu.memory_space<vmem>>, vector<16xf32>,
      %add3A_809 = arith.constant 2 : i32
      %add3A_810 = arith.addi %add3A_736, %add3A_809 : i32
      %get3A_811 = arith.index_cast %add3A_810 : i32 to index
      %get3A_812 = arith.constant 0 : index
      %get3A_813 = tpu.vector_load %arg18[%get3A_811, %get3A_812] {strides = array<i32>} : memref<1024x16xf32, #tpu.memory_space<vmem>>, vector<16xf32>,
      %add3A_814 = arith.addf %get3A_808, %get3A_813 : vector<16xf32>
      %mul3A_815 = arith.constant 5.000000e-01 : f32
      %mul3A_816 = vector.broadcast %mul3A_815 : f32 to vector<16xf32>
      %mul3A_817 = arith.mulf %add3A_814, %mul3A_816 : vector<16xf32>
      %add3A_818 = arith.constant 2 : i32
      %add3A_819 = arith.addi %add3A_736, %add3A_818 : i32
      %swap3A_820 = arith.index_cast %add3A_819 : i32 to index
      %swap3A_821 = arith.constant 0 : index
      %swap3A_822 = tpu.vector_load %arg17[%swap3A_820, %swap3A_821] {strides = array<i32>} : memref<1024x16xf32, #tpu.memory_space<vmem>>, vector<16xf32>,
      tpu.vector_store %arg17[%swap3A_820, %swap3A_821], %mul3A_817 {strides = array<i32>} : memref<1024x16xf32, #tpu.memory_space<vmem>>, vector<16xf32>,
      %add3A_823 = arith.constant 2 : i32
      %add3A_824 = arith.addi %add3A_736, %add3A_823 : i32
      %get3A_825 = arith.index_cast %add3A_824 : i32 to index
      %get3A_826 = arith.constant 0 : index
      %get3A_827 = tpu.vector_load %arg19[%get3A_825, %get3A_826] {strides = array<i32>} : memref<1024x16xf32, #tpu.memory_space<vmem>>, vector<16xf32>,
      %add3A_828 = arith.constant 2 : i32
      %add3A_829 = arith.addi %add3A_736, %add3A_828 : i32
      %get3A_830 = arith.index_cast %add3A_829 : i32 to index
      %get3A_831 = arith.constant 0 : index
      %get3A_832 = tpu.vector_load %arg20[%get3A_830, %get3A_831] {strides = array<i32>} : memref<1024x16xf32, #tpu.memory_space<vmem>>, vector<16xf32>,
      %sub3A_833 = arith.subf %get3A_827, %get3A_832 : vector<16xf32>
      %add3A_834 = arith.constant 2 : i32
      %add3A_835 = arith.addi %add3A_736, %add3A_834 : i32
      %swap3A_836 = arith.index_cast %add3A_835 : i32 to index
      %swap3A_837 = arith.constant 0 : index
      %swap3A_838 = tpu.vector_load %arg19[%swap3A_836, %swap3A_837] {strides = array<i32>} : memref<1024x16xf32, #tpu.memory_space<vmem>>, vector<16xf32>,
      tpu.vector_store %arg19[%swap3A_836, %swap3A_837], %sub3A_833 {strides = array<i32>} : memref<1024x16xf32, #tpu.memory_space<vmem>>, vector<16xf32>,
      %add3A_839 = arith.constant 3 : i32
      %add3A_840 = arith.addi %add3A_736, %add3A_839 : i32
      %get3A_841 = arith.index_cast %add3A_840 : i32 to index
      %get3A_842 = arith.constant 0 : index
      %get3A_843 = tpu.vector_load %arg17[%get3A_841, %get3A_842] {strides = array<i32>} : memref<1024x16xf32, #tpu.memory_space<vmem>>, vector<16xf32>,
      %add3A_844 = arith.constant 3 : i32
      %add3A_845 = arith.addi %add3A_736, %add3A_844 : i32
      %get3A_846 = arith.index_cast %add3A_845 : i32 to index
      %get3A_847 = arith.constant 0 : index
      %get3A_848 = tpu.vector_load %arg18[%get3A_846, %get3A_847] {strides = array<i32>} : memref<1024x16xf32, #tpu.memory_space<vmem>>, vector<16xf32>,
      %add3A_849 = arith.addf %get3A_843, %get3A_848 : vector<16xf32>
      %mul3A_850 = arith.constant 5.000000e-01 : f32
      %mul3A_851 = vector.broadcast %mul3A_850 : f32 to vector<16xf32>
      %mul3A_852 = arith.mulf %add3A_849, %mul3A_851 : vector<16xf32>
      %add3A_853 = arith.constant 3 : i32
      %add3A_854 = arith.addi %add3A_736, %add3A_853 : i32
      %swap3A_855 = arith.index_cast %add3A_854 : i32 to index
      %swap3A_856 = arith.constant 0 : index
      %swap3A_857 = tpu.vector_load %arg17[%swap3A_855, %swap3A_856] {strides = array<i32>} : memref<1024x16xf32, #tpu.memory_space<vmem>>, vector<16xf32>,
      tpu.vector_store %arg17[%swap3A_855, %swap3A_856], %mul3A_852 {strides = array<i32>} : memref<1024x16xf32, #tpu.memory_space<vmem>>, vector<16xf32>,
      %add3A_858 = arith.constant 3 : i32
      %add3A_859 = arith.addi %add3A_736, %add3A_858 : i32
      %get3A_860 = arith.index_cast %add3A_859 : i32 to index
      %get3A_861 = arith.constant 0 : index
      %get3A_862 = tpu.vector_load %arg19[%get3A_860, %get3A_861] {strides = array<i32>} : memref<1024x16xf32, #tpu.memory_space<vmem>>, vector<16xf32>,
      %add3A_863 = arith.constant 3 : i32
      %add3A_864 = arith.addi %add3A_736, %add3A_863 : i32
      %get3A_865 = arith.index_cast %add3A_864 : i32 to index
      %get3A_866 = arith.constant 0 : index
      %get3A_867 = tpu.vector_load %arg20[%get3A_865, %get3A_866] {strides = array<i32>} : memref<1024x16xf32, #tpu.memory_space<vmem>>, vector<16xf32>,
      %sub3A_868 = arith.subf %get3A_862, %get3A_867 : vector<16xf32>
      %add3A_869 = arith.constant 3 : i32
      %add3A_870 = arith.addi %add3A_736, %add3A_869 : i32
      %swap3A_871 = arith.index_cast %add3A_870 : i32 to index
      %swap3A_872 = arith.constant 0 : index
      %swap3A_873 = tpu.vector_load %arg19[%swap3A_871, %swap3A_872] {strides = array<i32>} : memref<1024x16xf32, #tpu.memory_space<vmem>>, vector<16xf32>,
      tpu.vector_store %arg19[%swap3A_871, %swap3A_872], %sub3A_868 {strides = array<i32>} : memref<1024x16xf32, #tpu.memory_space<vmem>>, vector<16xf32>,
    }
    %scan3A_715 = arith.constant 256 : i32
    %dma_start3A_716 = arith.constant 0 : i32
    %dma_start3A_717 = tpu.memref_slice %arg9[%mul3A_2, %dma_start3A_716] : memref<32768x16xf32, #tpu.memory_space<hbm>> -> memref<1024x16xf32, #tpu.memory_space<hbm>>
    %dma_start3A_718 = arith.constant 0 : i32
    %dma_start3A_719 = tpu.memref_slice %arg9[%mul3A_2, %dma_start3A_718] : memref<32768x16xf32, #tpu.memory_space<hbm>> -> memref<1024x16xf32, #tpu.memory_space<hbm>>
    tpu.enqueue_dma source(%arg17 : memref<1024x16xf32, #tpu.memory_space<vmem>>) target(%dma_start3A_719 : memref<1024x16xf32, #tpu.memory_space<hbm>>) target_semaphore(%arg25 : memref<!tpu.dma_semaphore, #tpu.memory_space<semaphore_mem>>)
    %dma_start3A_720 = arith.constant 0 : i32
    %dma_start3A_721 = tpu.memref_slice %arg10[%mul3A_2, %dma_start3A_720] : memref<32768x16xf32, #tpu.memory_space<hbm>> -> memref<1024x16xf32, #tpu.memory_space<hbm>>
    %dma_start3A_722 = arith.constant 0 : i32
    %dma_start3A_723 = tpu.memref_slice %arg10[%mul3A_2, %dma_start3A_722] : memref<32768x16xf32, #tpu.memory_space<hbm>> -> memref<1024x16xf32, #tpu.memory_space<hbm>>
    tpu.enqueue_dma source(%arg19 : memref<1024x16xf32, #tpu.memory_space<vmem>>) target(%dma_start3A_723 : memref<1024x16xf32, #tpu.memory_space<hbm>>) target_semaphore(%arg25 : memref<!tpu.dma_semaphore, #tpu.memory_space<semaphore_mem>>)
    %dma_wait3A_724 = arith.constant 0 : i32
    %dma_wait3A_725 = tpu.memref_slice %arg9[%mul3A_2, %dma_wait3A_724] : memref<32768x16xf32, #tpu.memory_space<hbm>> -> memref<1024x16xf32, #tpu.memory_space<hbm>>
    %dma_wait3A_726 = arith.constant 0 : i32
    %dma_wait3A_727 = tpu.memref_slice %arg9[%mul3A_2, %dma_wait3A_726] : memref<32768x16xf32, #tpu.memory_space<hbm>> -> memref<1024x16xf32, #tpu.memory_space<hbm>>
    tpu.wait_dma2 semaphore(%arg25 : memref<!tpu.dma_semaphore, #tpu.memory_space<semaphore_mem>>) src(%arg17 : memref<1024x16xf32, #tpu.memory_space<vmem>>) dst(%dma_wait3A_727 : memref<1024x16xf32, #tpu.memory_space<hbm>>)
    %dma_wait3A_728 = arith.constant 0 : i32
    %dma_wait3A_729 = tpu.memref_slice %arg10[%mul3A_2, %dma_wait3A_728] : memref<32768x16xf32, #tpu.memory_space<hbm>> -> memref<1024x16xf32, #tpu.memory_space<hbm>>
    %dma_wait3A_730 = arith.constant 0 : i32
    %dma_wait3A_731 = tpu.memref_slice %arg10[%mul3A_2, %dma_wait3A_730] : memref<32768x16xf32, #tpu.memory_space<hbm>> -> memref<1024x16xf32, #tpu.memory_space<hbm>>
    tpu.wait_dma2 semaphore(%arg25 : memref<!tpu.dma_semaphore, #tpu.memory_space<semaphore_mem>>) src(%arg19 : memref<1024x16xf32, #tpu.memory_space<vmem>>) dst(%dma_wait3A_731 : memref<1024x16xf32, #tpu.memory_space<hbm>>)
    return
  }
}

module attributes {stable_mosaic.version = 14 : i64} {
  func.func @_node_body(%arg0: memref<1024x256xf32, #tpu.memory_space<vmem>>, %arg1: memref<1024x64xf32, #tpu.memory_space<vmem>>, %arg2: memref<1024x64xf32, #tpu.memory_space<vmem>>, %arg3: memref<1024x64xf32, #tpu.memory_space<vmem>>, %arg4: memref<1024x16xf32, #tpu.memory_space<vmem>>, %arg5: memref<1024x1xi32, #tpu.memory_space<vmem>>, %arg6: memref<256x256xf32, #tpu.memory_space<vmem>>, %arg7: memref<1x256xf32, #tpu.memory_space<vmem>>, %arg8: memref<64x1xf32, #tpu.memory_space<vmem>>, %arg9: memref<256x16xf32, #tpu.memory_space<vmem>>, %arg10: memref<1x16xf32, #tpu.memory_space<vmem>>, %arg11: memref<1024x256xf32, #tpu.memory_space<vmem>>, %arg12: memref<1024x16xf32, #tpu.memory_space<vmem>>, %arg13: memref<1024x16xf32, #tpu.memory_space<vmem>>) attributes {dimension_semantics = [], scalar_prefetch = 0 : i64, scratch_operands = 0 : i64, tpu.core_type = #tpu.core_type<tc>} {
    %get3A = arith.constant 0 : index
    %get3A_0 = arith.constant 0 : index
    %get3A_1 = vector.load %arg0[%get3A, %get3A_0] : memref<1024x256xf32, #tpu.memory_space<vmem>>, vector<1024x256xf32>
    %get3A_2 = arith.constant 0 : index
    %get3A_3 = arith.constant 0 : index
    %get3A_4 = vector.load %arg6[%get3A_2, %get3A_3] : memref<256x256xf32, #tpu.memory_space<vmem>>, vector<256x256xf32>
    %dot_general3A = arith.constant dense<0.000000e+00> : vector<1024x256xf32>
    %dot_general3A_5 = tpu.matmul %get3A_1, %get3A_4, %dot_general3A {dimension_numbers = #tpu.dot_dimension_numbers<[1], [0], [0], [1], [0, 0, 1, 1], [], []>, transpose_lhs_hint = false} : vector<1024x256xf32>, vector<256x256xf32>, vector<1024x256xf32> -> vector<1024x256xf32>
    %get3A_6 = arith.constant 0 : index
    %get3A_7 = arith.constant 0 : index
    %get3A_8 = vector.load %arg7[%get3A_6, %get3A_7] : memref<1x256xf32, #tpu.memory_space<vmem>>, vector<1x256xf32>
    %add3A = vector.broadcast %get3A_8 : vector<1x256xf32> to vector<1024x256xf32>
    %add3A_9 = arith.addf %dot_general3A_5, %add3A : vector<1024x256xf32>
    %logistic3A = arith.negf %add3A_9 : vector<1024x256xf32>
    %logistic3A_10 = math.exp %logistic3A : vector<1024x256xf32>
    %logistic3A_11 = arith.constant 1.000000e+00 : f32
    %logistic3A_12 = vector.broadcast %logistic3A_11 : f32 to vector<1024x256xf32>
    %logistic3A_13 = arith.addf %logistic3A_12, %logistic3A_10 : vector<1024x256xf32>
    %logistic3A_14 = arith.divf %logistic3A_12, %logistic3A_13 : vector<1024x256xf32>
    %mul3A = arith.mulf %add3A_9, %logistic3A_14 : vector<1024x256xf32>
    %swap3A = arith.constant 0 : index
    %swap3A_15 = arith.constant 0 : index
    %swap3A_16 = vector.load %arg11[%swap3A, %swap3A_15] : memref<1024x256xf32, #tpu.memory_space<vmem>>, vector<1024x256xf32>
    tpu.vector_store %arg11[%swap3A, %swap3A_15], %mul3A {strides = array<i32>} : memref<1024x256xf32, #tpu.memory_space<vmem>>, vector<1024x256xf32>,
    %get3A_17 = arith.constant 0 : index
    %get3A_18 = arith.constant 0 : index
    %get3A_19 = vector.load %arg9[%get3A_17, %get3A_18] : memref<256x16xf32, #tpu.memory_space<vmem>>, vector<256x16xf32>
    %dot_general3A_20 = arith.constant dense<0.000000e+00> : vector<1024x16xf32>
    %dot_general3A_21 = tpu.matmul %mul3A, %get3A_19, %dot_general3A_20 {dimension_numbers = #tpu.dot_dimension_numbers<[1], [0], [0], [1], [0, 0, 1, 1], [], []>, transpose_lhs_hint = false} : vector<1024x256xf32>, vector<256x16xf32>, vector<1024x16xf32> -> vector<1024x16xf32>
    %get3A_22 = arith.constant 0 : index
    %get3A_23 = arith.constant 0 : index
    %get3A_24 = vector.load %arg10[%get3A_22, %get3A_23] : memref<1x16xf32, #tpu.memory_space<vmem>>, vector<1x16xf32>
    %add3A_25 = vector.broadcast %get3A_24 : vector<1x16xf32> to vector<1024x16xf32>
    %add3A_26 = arith.addf %dot_general3A_21, %add3A_25 : vector<1024x16xf32>
    %swap3A_27 = arith.constant 0 : index
    %swap3A_28 = arith.constant 0 : index
    %swap3A_29 = vector.load %arg12[%swap3A_27, %swap3A_28] : memref<1024x16xf32, #tpu.memory_space<vmem>>, vector<1024x16xf32>
    tpu.vector_store %arg12[%swap3A_27, %swap3A_28], %add3A_26 {strides = array<i32>} : memref<1024x16xf32, #tpu.memory_space<vmem>>, vector<1024x16xf32>,
    %get3A_30 = arith.constant 0 : index
    %get3A_31 = arith.constant 0 : index
    %get3A_32 = vector.load %arg8[%get3A_30, %get3A_31] : memref<64x1xf32, #tpu.memory_space<vmem>>, vector<64x1xf32>
    %get3A_33 = arith.constant 0 : index
    %get3A_34 = arith.constant 0 : index
    %get3A_35 = vector.load %arg1[%get3A_33, %get3A_34] : memref<1024x64xf32, #tpu.memory_space<vmem>>, vector<1024x64xf32>
    %dot_general3A_36 = arith.constant dense<0.000000e+00> : vector<1024x1xf32>
    %dot_general3A_37 = tpu.matmul %get3A_35, %get3A_32, %dot_general3A_36 {dimension_numbers = #tpu.dot_dimension_numbers<[1], [0], [0], [1], [0, 0, 1, 1], [], []>, transpose_lhs_hint = false} : vector<1024x64xf32>, vector<64x1xf32>, vector<1024x1xf32> -> vector<1024x1xf32>
    %get3A_38 = arith.constant 0 : index
    %get3A_39 = arith.constant 0 : index
    %get3A_40 = vector.load %arg2[%get3A_38, %get3A_39] : memref<1024x64xf32, #tpu.memory_space<vmem>>, vector<1024x64xf32>
    %dot_general3A_41 = arith.constant dense<0.000000e+00> : vector<1024x1xf32>
    %dot_general3A_42 = tpu.matmul %get3A_40, %get3A_32, %dot_general3A_41 {dimension_numbers = #tpu.dot_dimension_numbers<[1], [0], [0], [1], [0, 0, 1, 1], [], []>, transpose_lhs_hint = false} : vector<1024x64xf32>, vector<64x1xf32>, vector<1024x1xf32> -> vector<1024x1xf32>
    %get3A_43 = arith.constant 0 : index
    %get3A_44 = arith.constant 0 : index
    %get3A_45 = vector.load %arg3[%get3A_43, %get3A_44] : memref<1024x64xf32, #tpu.memory_space<vmem>>, vector<1024x64xf32>
    %dot_general3A_46 = arith.constant dense<0.000000e+00> : vector<1024x1xf32>
    %dot_general3A_47 = tpu.matmul %get3A_45, %get3A_32, %dot_general3A_46 {dimension_numbers = #tpu.dot_dimension_numbers<[1], [0], [0], [1], [0, 0, 1, 1], [], []>, transpose_lhs_hint = false} : vector<1024x64xf32>, vector<64x1xf32>, vector<1024x1xf32> -> vector<1024x1xf32>
    %broadcast_in_dim3A = arith.constant 0.000000e+00 : f32
    %broadcast_in_dim3A_48 = vector.broadcast %broadcast_in_dim3A : f32 to vector<1024x13xf32>
    %concatenate3A = tpu.concatenate %dot_general3A_37, %dot_general3A_42, %dot_general3A_47, %broadcast_in_dim3A_48 in 1 : vector<1024x1xf32>, vector<1024x1xf32>, vector<1024x1xf32>, vector<1024x13xf32> -> vector<1024x16xf32>
    %get3A_49 = arith.constant 0 : index
    %get3A_50 = arith.constant 0 : index
    %get3A_51 = vector.load %arg4[%get3A_49, %get3A_50] : memref<1024x16xf32, #tpu.memory_space<vmem>>, vector<1024x16xf32>
    %add3A_52 = arith.addf %concatenate3A, %get3A_51 : vector<1024x16xf32>
    %iota3A = tpu.iota {dimensions = array<i32: 1>} : vector<1024x32xi32>
    %get3A_53 = arith.constant 0 : index
    %get3A_54 = arith.constant 0 : index
    %get3A_55 = vector.load %arg5[%get3A_53, %get3A_54] : memref<1024x1xi32, #tpu.memory_space<vmem>>, vector<1024x1xi32>
    %eq3A = vector.broadcast %get3A_55 : vector<1024x1xi32> to vector<1024x32xi32>
    %eq3A_56 = arith.cmpi eq, %eq3A, %iota3A : vector<1024x32xi32>
    %convert_element_type3A = arith.extui %eq3A_56 : vector<1024x32xi1> to vector<1024x32xi32>
    %convert_element_type3A_57 = arith.sitofp %convert_element_type3A : vector<1024x32xi32> to vector<1024x32xf32>
    %broadcast_in_dim3A_58 = arith.constant 1.000000e+00 : f32
    %broadcast_in_dim3A_59 = vector.broadcast %broadcast_in_dim3A_58 : f32 to vector<1024x1xf32>
    %dot_general3A_60 = arith.constant dense<0.000000e+00> : vector<32x16xf32>
    %dot_general3A_61 = tpu.matmul %convert_element_type3A_57, %add3A_52, %dot_general3A_60 {dimension_numbers = #tpu.dot_dimension_numbers<[0], [0], [1], [1], [0, 1, 1, 1], [], []>, transpose_lhs_hint = false} : vector<1024x32xf32>, vector<1024x16xf32>, vector<32x16xf32> -> vector<32x16xf32>
    %dot_general3A_62 = arith.constant dense<0.000000e+00> : vector<32x1xf32>
    %dot_general3A_63 = tpu.matmul %convert_element_type3A_57, %broadcast_in_dim3A_59, %dot_general3A_62 {dimension_numbers = #tpu.dot_dimension_numbers<[0], [0], [1], [1], [0, 1, 1, 1], [], []>, transpose_lhs_hint = false} : vector<1024x32xf32>, vector<1024x1xf32>, vector<32x1xf32> -> vector<32x1xf32>
    %max3A = arith.constant 1.000000e+00 : f32
    %max3A_64 = vector.broadcast %max3A : f32 to vector<32x1xf32>
    %max3A_65 = arith.maximumf %dot_general3A_63, %max3A_64 : vector<32x1xf32>
    %div3A = vector.broadcast %max3A_65 : vector<32x1xf32> to vector<32x16xf32>
    %div3A_66 = arith.divf %dot_general3A_61, %div3A : vector<32x16xf32>
    %dot_general3A_67 = arith.constant dense<0.000000e+00> : vector<1024x16xf32>
    %dot_general3A_68 = tpu.matmul %convert_element_type3A_57, %div3A_66, %dot_general3A_67 {dimension_numbers = #tpu.dot_dimension_numbers<[1], [0], [0], [1], [0, 0, 1, 1], [], []>, transpose_lhs_hint = false} : vector<1024x32xf32>, vector<32x16xf32>, vector<1024x16xf32> -> vector<1024x16xf32>
    %sub3A = arith.subf %add3A_52, %dot_general3A_68 : vector<1024x16xf32>
    %swap3A_69 = arith.constant 0 : index
    %swap3A_70 = arith.constant 0 : index
    %swap3A_71 = vector.load %arg13[%swap3A_69, %swap3A_70] : memref<1024x16xf32, #tpu.memory_space<vmem>>, vector<1024x16xf32>
    tpu.vector_store %arg13[%swap3A_69, %swap3A_70], %sub3A {strides = array<i32>} : memref<1024x16xf32, #tpu.memory_space<vmem>>, vector<1024x16xf32>,
    return
  }
}

module attributes {stable_mosaic.version = 14 : i64} {
  func.func @_edge_body(%arg0: i32, %arg1: memref<4096x128xi32, #tpu.memory_space<vmem>>, %arg2: memref<4096x128xi32, #tpu.memory_space<vmem>>, %arg3: memref<4096x16xf32, #tpu.memory_space<vmem>>, %arg4: memref<4096x16xf32, #tpu.memory_space<vmem>>, %arg5: memref<16x256xbf16, #tpu.memory_space<vmem>>, %arg6: memref<1x256xf32, #tpu.memory_space<vmem>>, %arg7: memref<256x256xbf16, #tpu.memory_space<vmem>>, %arg8: memref<1x256xf32, #tpu.memory_space<vmem>>, %arg9: memref<1x256xf32, #tpu.memory_space<vmem>>, %arg10: memref<256x5xbf16, #tpu.memory_space<vmem>>, %arg11: memref<1x5xf32, #tpu.memory_space<vmem>>, %arg12: memref<4096x5xf32, #tpu.memory_space<vmem>>) attributes {dimension_semantics = [#tpu.dimension_semantics<arbitrary>], iteration_bounds = array<i64: 8>, scalar_prefetch = 0 : i64, scratch_operands = 0 : i64, tpu.core_type = #tpu.core_type<tc>, window_params = [{transform_indices = @transform_0, window_bounds = array<i64: 4096, 128>}, {transform_indices = @transform_1, window_bounds = array<i64: 4096, 128>}, {transform_indices = @transform_2, window_bounds = array<i64: 4096, 16>}, {transform_indices = @transform_3, window_bounds = array<i64: 4096, 16>}, {pipeline_mode = #tpu.pipeline_mode<synchronous>, transform_indices = @transform_4, window_bounds = array<i64: 16, 256>}, {pipeline_mode = #tpu.pipeline_mode<synchronous>, transform_indices = @transform_5, window_bounds = array<i64: 1, 256>}, {pipeline_mode = #tpu.pipeline_mode<synchronous>, transform_indices = @transform_6, window_bounds = array<i64: 256, 256>}, {pipeline_mode = #tpu.pipeline_mode<synchronous>, transform_indices = @transform_7, window_bounds = array<i64: 1, 256>}, {pipeline_mode = #tpu.pipeline_mode<synchronous>, transform_indices = @transform_8, window_bounds = array<i64: 1, 256>}, {pipeline_mode = #tpu.pipeline_mode<synchronous>, transform_indices = @transform_9, window_bounds = array<i64: 256, 5>}, {pipeline_mode = #tpu.pipeline_mode<synchronous>, transform_indices = @transform_10, window_bounds = array<i64: 1, 5>}, {transform_indices = @transform_11, window_bounds = array<i64: 4096, 5>}]} {
    %get3A = arith.constant 0 : index
    %get3A_0 = arith.constant 0 : index
    %get3A_1 = vector.load %arg1[%get3A, %get3A_0] : memref<4096x128xi32, #tpu.memory_space<vmem>>, vector<4096x128xi32>
    %convert_element_type3A = arith.trunci %get3A_1 : vector<4096x128xi32> to vector<4096x128xi16>
    %bitcast_convert_type3A = tpu.bitcast %convert_element_type3A : vector<4096x128xi16> -> vector<4096x128xbf16>
    %shift_right_logical3A = arith.constant 16 : i32
    %shift_right_logical3A_2 = vector.broadcast %shift_right_logical3A : i32 to vector<4096x128xi32>
    %shift_right_logical3A_3 = arith.shrui %get3A_1, %shift_right_logical3A_2 : vector<4096x128xi32>
    %convert_element_type3A_4 = arith.trunci %shift_right_logical3A_3 : vector<4096x128xi32> to vector<4096x128xi16>
    %bitcast_convert_type3A_5 = tpu.bitcast %convert_element_type3A_4 : vector<4096x128xi16> -> vector<4096x128xbf16>
    %get3A_6 = arith.constant 0 : index
    %get3A_7 = arith.constant 0 : index
    %get3A_8 = vector.load %arg2[%get3A_6, %get3A_7] : memref<4096x128xi32, #tpu.memory_space<vmem>>, vector<4096x128xi32>
    %convert_element_type3A_9 = arith.trunci %get3A_8 : vector<4096x128xi32> to vector<4096x128xi16>
    %bitcast_convert_type3A_10 = tpu.bitcast %convert_element_type3A_9 : vector<4096x128xi16> -> vector<4096x128xbf16>
    %shift_right_logical3A_11 = arith.constant 16 : i32
    %shift_right_logical3A_12 = vector.broadcast %shift_right_logical3A_11 : i32 to vector<4096x128xi32>
    %shift_right_logical3A_13 = arith.shrui %get3A_8, %shift_right_logical3A_12 : vector<4096x128xi32>
    %convert_element_type3A_14 = arith.trunci %shift_right_logical3A_13 : vector<4096x128xi32> to vector<4096x128xi16>
    %bitcast_convert_type3A_15 = tpu.bitcast %convert_element_type3A_14 : vector<4096x128xi16> -> vector<4096x128xbf16>
    %get3A_16 = arith.constant 0 : index
    %get3A_17 = arith.constant 0 : index
    %get3A_18 = vector.load %arg3[%get3A_16, %get3A_17] : memref<4096x16xf32, #tpu.memory_space<vmem>>, vector<4096x16xf32>
    %convert_element_type3A_19 = arith.truncf %get3A_18 : vector<4096x16xf32> to vector<4096x16xbf16>
    %get3A_20 = arith.constant 0 : index
    %get3A_21 = arith.constant 0 : index
    %get3A_22 = vector.load %arg5[%get3A_20, %get3A_21] : memref<16x256xbf16, #tpu.memory_space<vmem>>, vector<16x256xbf16>
    %dot_general3A = arith.constant dense<0.000000e+00> : vector<4096x256xf32>
    %dot_general3A_23 = tpu.matmul %convert_element_type3A_19, %get3A_22, %dot_general3A {dimension_numbers = #tpu.dot_dimension_numbers<[1], [0], [0], [1], [0, 0, 1, 1], [], []>, transpose_lhs_hint = false} : vector<4096x16xbf16>, vector<16x256xbf16>, vector<4096x256xf32> -> vector<4096x256xf32>
    %get3A_24 = arith.constant 0 : index
    %get3A_25 = arith.constant 0 : index
    %get3A_26 = vector.load %arg6[%get3A_24, %get3A_25] : memref<1x256xf32, #tpu.memory_space<vmem>>, vector<1x256xf32>
    %add3A = vector.broadcast %get3A_26 : vector<1x256xf32> to vector<4096x256xf32>
    %add3A_27 = arith.addf %dot_general3A_23, %add3A : vector<4096x256xf32>
    %add3A_28 = arith.addf %bitcast_convert_type3A, %bitcast_convert_type3A_10 : vector<4096x128xbf16>
    %slice3A = vector.extract_strided_slice %add3A_27 {offsets = [0, 0], sizes = [4096, 128], strides = [1, 1]} : vector<4096x256xf32> to vector<4096x128xf32>
    %convert_element_type3A_29 = arith.truncf %slice3A : vector<4096x128xf32> to vector<4096x128xbf16>
    %add3A_30 = arith.addf %add3A_28, %convert_element_type3A_29 : vector<4096x128xbf16>
    %add3A_31 = arith.addf %bitcast_convert_type3A_5, %bitcast_convert_type3A_15 : vector<4096x128xbf16>
    %slice3A_32 = vector.extract_strided_slice %add3A_27 {offsets = [0, 128], sizes = [4096, 128], strides = [1, 1]} : vector<4096x256xf32> to vector<4096x128xf32>
    %convert_element_type3A_33 = arith.truncf %slice3A_32 : vector<4096x128xf32> to vector<4096x128xbf16>
    %add3A_34 = arith.addf %add3A_31, %convert_element_type3A_33 : vector<4096x128xbf16>
    %get3A_35 = arith.constant 0 : index
    %get3A_36 = arith.constant 0 : index
    %get3A_37 = vector.load %arg4[%get3A_35, %get3A_36] : memref<4096x16xf32, #tpu.memory_space<vmem>>, vector<4096x16xf32>
    %mul3A = arith.mulf %get3A_37, %get3A_37 : vector<4096x16xf32>
    %broadcast_in_dim3A = arith.constant 1.000000e+00 : f32
    %broadcast_in_dim3A_38 = vector.broadcast %broadcast_in_dim3A : f32 to vector<16x1xf32>
    %dot_general3A_39 = arith.constant dense<0.000000e+00> : vector<4096x1xf32>
    %dot_general3A_40 = tpu.matmul %mul3A, %broadcast_in_dim3A_38, %dot_general3A_39 {dimension_numbers = #tpu.dot_dimension_numbers<[1], [0], [0], [1], [0, 0, 1, 1], [], []>, transpose_lhs_hint = false} : vector<4096x16xf32>, vector<16x1xf32>, vector<4096x1xf32> -> vector<4096x1xf32>
    %get3A_41 = arith.constant 0 : index
    %get3A_42 = arith.constant 0 : index
    %get3A_43 = vector.load %arg7[%get3A_41, %get3A_42] : memref<256x256xbf16, #tpu.memory_space<vmem>>, vector<128x256xbf16>
    %dot_general3A_44 = arith.constant dense<0.000000e+00> : vector<4096x256xf32>
    %dot_general3A_45 = tpu.matmul %add3A_30, %get3A_43, %dot_general3A_44 {dimension_numbers = #tpu.dot_dimension_numbers<[1], [0], [0], [1], [0, 0, 1, 1], [], []>, transpose_lhs_hint = false} : vector<4096x128xbf16>, vector<128x256xbf16>, vector<4096x256xf32> -> vector<4096x256xf32>
    %get3A_46 = arith.constant 128 : index
    %get3A_47 = arith.constant 0 : index
    %get3A_48 = vector.load %arg7[%get3A_46, %get3A_47] : memref<256x256xbf16, #tpu.memory_space<vmem>>, vector<128x256xbf16>
    %dot_general3A_49 = arith.constant dense<0.000000e+00> : vector<4096x256xf32>
    %dot_general3A_50 = tpu.matmul %add3A_34, %get3A_48, %dot_general3A_49 {dimension_numbers = #tpu.dot_dimension_numbers<[1], [0], [0], [1], [0, 0, 1, 1], [], []>, transpose_lhs_hint = false} : vector<4096x128xbf16>, vector<128x256xbf16>, vector<4096x256xf32> -> vector<4096x256xf32>
    %add3A_51 = arith.addf %dot_general3A_45, %dot_general3A_50 : vector<4096x256xf32>
    %get3A_52 = arith.constant 0 : index
    %get3A_53 = arith.constant 0 : index
    %get3A_54 = vector.load %arg8[%get3A_52, %get3A_53] : memref<1x256xf32, #tpu.memory_space<vmem>>, vector<1x256xf32>
    %mul3A_55 = vector.broadcast %dot_general3A_40 : vector<4096x1xf32> to vector<4096x256xf32>
    %mul3A_56 = vector.broadcast %get3A_54 : vector<1x256xf32> to vector<4096x256xf32>
    %mul3A_57 = arith.mulf %mul3A_55, %mul3A_56 : vector<4096x256xf32>
    %add3A_58 = arith.addf %add3A_51, %mul3A_57 : vector<4096x256xf32>
    %get3A_59 = arith.constant 0 : index
    %get3A_60 = arith.constant 0 : index
    %get3A_61 = vector.load %arg9[%get3A_59, %get3A_60] : memref<1x256xf32, #tpu.memory_space<vmem>>, vector<1x256xf32>
    %add3A_62 = vector.broadcast %get3A_61 : vector<1x256xf32> to vector<4096x256xf32>
    %add3A_63 = arith.addf %add3A_58, %add3A_62 : vector<4096x256xf32>
    %logistic3A = arith.negf %add3A_63 : vector<4096x256xf32>
    %logistic3A_64 = math.exp %logistic3A : vector<4096x256xf32>
    %logistic3A_65 = arith.constant 1.000000e+00 : f32
    %logistic3A_66 = vector.broadcast %logistic3A_65 : f32 to vector<4096x256xf32>
    %logistic3A_67 = arith.addf %logistic3A_66, %logistic3A_64 : vector<4096x256xf32>
    %logistic3A_68 = arith.divf %logistic3A_66, %logistic3A_67 : vector<4096x256xf32>
    %mul3A_69 = arith.mulf %add3A_63, %logistic3A_68 : vector<4096x256xf32>
    %convert_element_type3A_70 = arith.truncf %mul3A_69 : vector<4096x256xf32> to vector<4096x256xbf16>
    %get3A_71 = arith.constant 0 : index
    %get3A_72 = arith.constant 0 : index
    %get3A_73 = vector.load %arg10[%get3A_71, %get3A_72] : memref<256x5xbf16, #tpu.memory_space<vmem>>, vector<256x5xbf16>
    %dot_general3A_74 = arith.constant dense<0.000000e+00> : vector<4096x5xf32>
    %dot_general3A_75 = tpu.matmul %convert_element_type3A_70, %get3A_73, %dot_general3A_74 {dimension_numbers = #tpu.dot_dimension_numbers<[1], [0], [0], [1], [0, 0, 1, 1], [], []>, transpose_lhs_hint = false} : vector<4096x256xbf16>, vector<256x5xbf16>, vector<4096x5xf32> -> vector<4096x5xf32>
    %get3A_76 = arith.constant 0 : index
    %get3A_77 = arith.constant 0 : index
    %get3A_78 = vector.load %arg11[%get3A_76, %get3A_77] : memref<1x5xf32, #tpu.memory_space<vmem>>, vector<1x5xf32>
    %add3A_79 = vector.broadcast %get3A_78 : vector<1x5xf32> to vector<4096x5xf32>
    %add3A_80 = arith.addf %dot_general3A_75, %add3A_79 : vector<4096x5xf32>
    %swap3A = arith.constant 0 : index
    %swap3A_81 = arith.constant 0 : index
    %swap3A_82 = vector.load %arg12[%swap3A, %swap3A_81] : memref<4096x5xf32, #tpu.memory_space<vmem>>, vector<4096x5xf32>
    tpu.vector_store %arg12[%swap3A, %swap3A_81], %add3A_80 {strides = array<i32>} : memref<4096x5xf32, #tpu.memory_space<vmem>>, vector<4096x5xf32>,
    return
  }
  func.func @transform_0(%arg0: i32) -> (i32, i32) {
    %c0_i32 = arith.constant 0 : i32
    %c0_i32_0 = arith.constant 0 : i32
    return %arg0, %c0_i32 : i32, i32
  }
  func.func @transform_1(%arg0: i32) -> (i32, i32) {
    %c0_i32 = arith.constant 0 : i32
    %c0_i32_0 = arith.constant 0 : i32
    return %arg0, %c0_i32 : i32, i32
  }
  func.func @transform_2(%arg0: i32) -> (i32, i32) {
    %c0_i32 = arith.constant 0 : i32
    %c0_i32_0 = arith.constant 0 : i32
    return %arg0, %c0_i32 : i32, i32
  }
  func.func @transform_3(%arg0: i32) -> (i32, i32) {
    %c0_i32 = arith.constant 0 : i32
    %c0_i32_0 = arith.constant 0 : i32
    return %arg0, %c0_i32 : i32, i32
  }
  func.func @transform_4(%arg0: i32) -> (i32, i32) {
    %c0_i32 = arith.constant 0 : i32
    %c0_i32_0 = arith.constant 0 : i32
    %c0_i32_1 = arith.constant 0 : i32
    return %c0_i32, %c0_i32_0 : i32, i32
  }
  func.func @transform_5(%arg0: i32) -> (i32, i32) {
    %c0_i32 = arith.constant 0 : i32
    %c0_i32_0 = arith.constant 0 : i32
    %c0_i32_1 = arith.constant 0 : i32
    return %c0_i32, %c0_i32_0 : i32, i32
  }
  func.func @transform_6(%arg0: i32) -> (i32, i32) {
    %c0_i32 = arith.constant 0 : i32
    %c0_i32_0 = arith.constant 0 : i32
    %c0_i32_1 = arith.constant 0 : i32
    return %c0_i32, %c0_i32_0 : i32, i32
  }
  func.func @transform_7(%arg0: i32) -> (i32, i32) {
    %c0_i32 = arith.constant 0 : i32
    %c0_i32_0 = arith.constant 0 : i32
    %c0_i32_1 = arith.constant 0 : i32
    return %c0_i32, %c0_i32_0 : i32, i32
  }
  func.func @transform_8(%arg0: i32) -> (i32, i32) {
    %c0_i32 = arith.constant 0 : i32
    %c0_i32_0 = arith.constant 0 : i32
    %c0_i32_1 = arith.constant 0 : i32
    return %c0_i32, %c0_i32_0 : i32, i32
  }
  func.func @transform_9(%arg0: i32) -> (i32, i32) {
    %c0_i32 = arith.constant 0 : i32
    %c0_i32_0 = arith.constant 0 : i32
    %c0_i32_1 = arith.constant 0 : i32
    return %c0_i32, %c0_i32_0 : i32, i32
  }
  func.func @transform_10(%arg0: i32) -> (i32, i32) {
    %c0_i32 = arith.constant 0 : i32
    %c0_i32_0 = arith.constant 0 : i32
    %c0_i32_1 = arith.constant 0 : i32
    return %c0_i32, %c0_i32_0 : i32, i32
  }
  func.func @transform_11(%arg0: i32) -> (i32, i32) {
    %c0_i32 = arith.constant 0 : i32
    %c0_i32_0 = arith.constant 0 : i32
    return %arg0, %c0_i32 : i32, i32
  }
}

</mosaic_0001>

<sc_bundles>
// kernel: kernel.10.cloned.1.call-start
scs
__scs_entry_jumppad:
0x0: {  	(pc) =	sbr.rel $0x88, $3  }
0x1: {  	(tag) =	ssettag $0x0;
	lr =	simm.s32 $0x1  }
0x2: {  	[smem:$0x3F90] =	sst lr;
	_ =	strace $0xD0000000  }
0x3: {  	_ = 	snop  }
0x4: {  	_ = 	snop  }
0x5: {  	_ = 	snop  }
0x6: {  	_ = 	snop  }
0x7: {  	_ = 	snop  }
__scs_overlays_trampoline_lowered:
0x8: {  	[smem:$0x3F9F] =	sst s0  }
0x9: {  	[smem:$0x3FA0] =	sst s1  }
0xa: {  	[smem:$0x3FA1] =	sst s2  }
0xb: {  	[smem:$0x3FA2] =	sst s3  }
0xc: {  	[smem:$0x3FA3] =	sst s4  }
0xd: {  	[smem:$0x3FA4] =	sst s5  }
0xe: {  	[smem:$0x3FA5] =	sst s6  }
0xf: {  	[smem:$0x3FA6] =	sst s7  }
0x10: {  	[smem:$0x3FA7] =	sst s8  }
0x11: {  	[smem:$0x3FA8] =	sst s9;
	s0 =	simm.s32 @!p0 $0x0  }
0x12: {  	s1 =	sld [smem:$0x3F8E];
	s0 =	simm.s32 @p0 $0x1  }
0x13: {  	[smem:$0x3FA9] =	sst s0;
	s0 =	simm.s32 @!p1 $0x0  }
0x14: {  	s2 =	sld [smem:$0x3F8D];
	s0 =	simm.s32 @p1 $0x1  }
0x15: {  	[smem:$0x3FAA] =	sst s0;
	s0 =	simm.s32 @!p2 $0x0  }
0x16: {  	s3 =	sld [smem:$0x3FDB];
	s0 =	simm.s32 @p2 $0x1  }
0x17: {  	s4 =	simm.s32 $0x1BF5;
	[smem:$0x3FAC] =	sst s0  }
0x18: {  	s0 =	sld [smem:$0x3F8F];
	_ =	swait.ge [sflag:s4], $0x0  }
0x19: {  	s7 =	sld [smem:$0x3F90]  }
0x1a: {  	s8 =	sadd.s32 $0xFFFFE003, lr  }
0x1b: {  	s9 =	sadd.s32 $0xFFFFFEF7, lr;
	s5 =	simm.s32 $0xFFFFFFFF;
	p2 =	slt.u32 s8, $0xFFFFF086  }
0x1c: {  	p1 =	slt.u32 s9, $0xF7A;
	s5 =	simm.s32 @!p2 $0x0  }
0x1d: {  	s5 =	simm.s32 @p1 $0x1;
	p0 =	seq.s32 s7, s2  }
0x1e: {  	s7 =	smul.u32 @!p0 $0xF7A, s2;
	p2 =	seq.s32 @!p0 s5, $0x0  }
0x1f: {  	s9 =	smul.u32 $0xF7A, s1;
	s8 =	simm.s32 @!p0 $0x1BF5;
	p2 =	por !p2, p0  }
0x20: {  	[sflag:s8] =	ssyncset.s32 @!p0 $0xFFFFF086;
	s6 =	sadd.s32 @!p0 s3, s7;
	s7 =	simm.s32 @!p0 $0x108  }
0x21: {  	s3 =	sadd.s32 s3, s9;
	s6 =	sadd.s32 @!p0 $0x88, s6;
	s7 =	simm.s32 @p2 $0x1082  }
0x22: {  	[simem:s7], [sflag:s8] =	dma.local @!p0 [hbm:s6], $0xF7A  }
0x23: {  	s9 =	sor.u32 $0xD0000000, s2;
	s6 =	simm.s32 $0x108;
	_ =	swait.ge @!p0 [sflag:s8], $0x0  }
0x24: {  	s3 =	sadd.s32 $0x88, s3;
	s6 =	simm.s32 @!p1 $0x1082;
	[sflag:s4] =	ssyncset.s32 $0xFFFFF086  }
0x25: {  	[simem:s6], [sflag:s4] =	dma.local [hbm:s3], $0xF7A  }
0x26: {  	[smem:$0x3F90] =	sst s1;
	(tag) =	ssettag s2;
	_ =	strace s9  }
0x27: {  	s1 =	sld [smem:$0x3FA0]  }
0x28: {  	s2 =	sld [smem:$0x3FA1]  }
0x29: {  	s4 =	sld [smem:$0x3FA3]  }
0x2a: {  	p0 =	seq.s32 s5, $0x0;
	s5 =	sld [smem:$0x3FA4]  }
0x2b: {  	s6 =	sld [smem:$0x3FA5]  }
0x2c: {  	s7 =	sld [smem:$0x3FA6]  }
0x2d: {  	s3 =	simm.s32 $0x108;
	s8 =	sld [smem:$0x3FA7]  }
0x2e: {  	s3 =	simm.s32 @!p0 $0x1082;
	s9 =	sld [smem:$0x3FA8]  }
0x2f: {  	lr =	sadd.s32 s0, s3;
	s0 =	sld [smem:$0x3F9F]  }
0x30: {  	s3 =	sld [smem:$0x3FA2]  }
0x31: {  	[smem:$0x3FAB] =	sst s10  }
0x32: {  	s10 =	sld [smem:$0x3FA9];
	_ =	sdelay $0x3  }
0x33: {  	p0 =	seq.s32 s10, $0x1;
	s10 =	sld [smem:$0x3FAB];
	_ =	sdelay $0x3  }
0x34: {  	[smem:$0x3FAB] =	sst s10  }
0x35: {  	s10 =	sld [smem:$0x3FAA];
	_ =	sdelay $0x3  }
0x36: {  	p1 =	seq.s32 s10, $0x1;
	s10 =	sld [smem:$0x3FAB];
	_ =	sdelay $0x3  }
0x37: {  	[smem:$0x3FAB] =	sst s10  }
0x38: {  	s10 =	sld [smem:$0x3FAC]  }
0x39: {  	_ = 	snop;
	(pc) =	sbr.ind lr, $3  }
0x3a: {  	_ = 	snop  }
0x3b: {  	_ = 	snop  }
0x3c: {  	p2 =	seq.s32 s10, $0x1;
	s10 =	sld [smem:$0x3FAB]  }
0x3d: {  	_ =	shalt  }
0x3e: {  	_ =	shalt  }
0x3f: {  	_ =	shalt  }
0x40: {  	_ =	shalt  }
0x41: {  	_ =	shalt  }
0x42: {  	_ =	shalt  }
0x43: {  	_ =	shalt  }
0x44: {  	_ =	shalt  }
0x45: {  	_ =	shalt  }
0x46: {  	_ =	shalt  }
0x47: {  	_ =	shalt  }
0x48: {  	_ =	shalt  }
0x49: {  	_ =	shalt  }
0x4a: {  	_ =	shalt  }
0x4b: {  	_ =	shalt  }
0x4c: {  	_ =	shalt  }
0x4d: {  	_ =	shalt  }
0x4e: {  	_ =	shalt  }
0x4f: {  	_ =	shalt  }
0x50: {  	_ =	shalt  }
0x51: {  	_ =	shalt  }
0x52: {  	_ =	shalt  }
0x53: {  	_ =	shalt  }
0x54: {  	_ =	shalt  }
0x55: {  	_ =	shalt  }
0x56: {  	_ =	shalt  }
0x57: {  	_ =	shalt  }
0x58: {  	_ =	shalt  }
0x59: {  	_ =	shalt  }
0x5a: {  	_ =	shalt  }
0x5b: {  	_ =	shalt  }
0x5c: {  	_ =	shalt  }
0x5d: {  	_ =	shalt  }
0x5e: {  	_ =	shalt  }
0x5f: {  	_ =	shalt  }
0x60: {  	_ =	shalt  }
0x61: {  	_ =	shalt  }
0x62: {  	_ =	shalt  }
0x63: {  	_ =	shalt  }
0x64: {  	_ =	shalt  }
0x65: {  	_ =	shalt  }
0x66: {  	_ =	shalt  }
0x67: {  	_ =	shalt  }
0x68: {  	_ =	shalt  }
0x69: {  	_ =	shalt  }
0x6a: {  	_ =	shalt  }
0x6b: {  	_ =	shalt  }
0x6c: {  	_ =	shalt  }
0x6d: {  	_ =	shalt  }
0x6e: {  	_ =	shalt  }
0x6f: {  	_ =	shalt  }
0x70: {  	_ =	shalt  }
0x71: {  	_ =	shalt  }
0x72: {  	_ =	shalt  }
0x73: {  	_ =	shalt  }
0x74: {  	_ =	shalt  }
0x75: {  	_ =	shalt  }
0x76: {  	_ =	shalt  }
0x77: {  	_ =	shalt  }
0x78: {  	_ =	shalt  }
0x79: {  	_ =	shalt  }
0x7a: {  	_ =	shalt  }
0x7b: {  	_ =	shalt  }
0x7c: {  	_ =	shalt  }
0x7d: {  	_ =	shalt  }
0x7e: {  	_ =	shalt  }
0x7f: {  	_ =	shalt  }
0x80: {  	_ =	shalt  }
0x81: {  	_ =	shalt  }
0x82: {  	_ =	shalt  }
0x83: {  	_ =	shalt  }
0x84: {  	_ =	shalt  }
0x85: {  	_ =	shalt  }
0x86: {  	_ =	shalt  }
0x87: {  	_ =	shalt  }
.Lfunc_end0:
.L_simem_size_0:
called_computation.1_lowered:
.L_overlay_start_0:
0x88: {  	s2 =	sld [smem:$0x3FD9]  }
0x89: {  	s3 =	sld [smem:$0x3FFE];
	_ =	sdelay $0x1  }
0x8a: {  	s1 =	srdreg.scid  }
0x8b: {  	s0 =	sand.u32 $0x1, s1  }
0x8c: {  	s16 =	sshll.u32 s0, $0xA;
	s2 =	sadd.s32 s3, s2  }
0x8d: {  	s2 =	sadd.s32 s2, s16  }
0x8e: {  	[smem:$0x3FB7] =	sst s2  }
0x8f: {  	_ = 	snop  }
0x90: {  	(tm) =	ssettm $0x1  }
0x91: {  	s17 =	sld [smem:$0x3FFB];
	_ =	sdelay $0x3  }
0x92: {  	_ =	strace s17  }
0x93: {  	s2 =	sld [smem:$0x3FFC];
	_ =	sdelay $0x3  }
0x94: {  	_ =	strace s2  }
0x95: {  	s2 =	sld [smem:$0x3FFD];
	_ =	sdelay $0x3  }
0x96: {  	_ =	strace s2  }
0x97: {  	_ =	strace $0x8FFFFFFF  }
0x98: {  	s18 =	sld [smem:$0x3FDB];
	_ =	sdelay $0x1  }
0x99: {  	s19 =	simm.s32 $_scs_section_size  }
0x9a: {  	s4 =	simm.s32 $_size__tile_overlayer_lowered;
	s5 =	simm.s32 $_tile_overlayer_lowered  }
0x9b: {  	s22 =	simm.s32 $0x1BFF;
	s21 =	sshll.u32 s5, $0x1;
	s2 =	sadd.s32 s19, s18  }
0x9c: {  	s6 =	simm.s32 $0x0;
	s20 =	sshll.u32 s4, $0x1;
	s4 =	sadd.s32 s21, s2  }
0x9d: {  	[timem:s6], [sflag:s22] =	dma.local [hbm:s4], s20  }
0x9e: {  	_ =	swait.ge [sflag:s22], s20  }
0x9f: {  	s3 =	ssub.s32 $0x0, s20;
	[sflag:s22] =	ssyncset.done $0x0  }
0xa0: {  	[sflag:s22] =	ssyncadd.s32 s3;
	_ =	sdelay $0x1  }
0xa1: {  	s23 =	simm.s32 $0x1B8B  }
0xa2: {  	_ =	swait.ge [sflag:s23], $0x1  }
0xa3: {  	[sflag:s23] =	ssyncset.done $0x0  }
0xa4: {  	s25 =	simm.s32 $0x1B8E;
	s24 =	sld [smem:$0x3FFE];
	[sflag:s23] =	ssyncadd.s32 $0xFFFFFFFF  }
0xa5: {  	s26 =	simm.s32 $execute0_lowered;
	[smem:$0x3FD2] =	sst s25  }
0xa6: {  	s4 =	sshll.u32 s26, $0x1;
	_ =	strace $0x80000049;
	[dreg:$0x1] =	wrdreg $0xFFFFFFFF  }
0xa7: {  	s28 =	simm.s32 $_size_execute0_lowered;
	s2 =	sadd.s32 s2, s4;
	[dreg:$0x0] =	wrdreg $0x0  }
0xa8: {  	s4 =	sshll.u32 s28, $0x1;
	[dreg:$0x2] =	wrdreg s2  }
0xa9: {  	[dreg:$0x3] =	wrdreg s4  }
0xaa: {  	[dreg:$0x4] =	wrdreg $0xC0  }
0xab: {  	_ =	task [dreg:s6], $0x5FFFF  }
0xac: {  	[dreg:$0x1] =	wrdreg $0xFFFFFFFF  }
0xad: {  	[dreg:$0x0] =	wrdreg $0x60  }
0xae: {  	[dreg:$0x2] =	wrdreg s24  }
0xaf: {  	[dreg:$0x3] =	wrdreg $0x118000  }
0xb0: {  	[dreg:$0x4] =	wrdreg $0x9  }
0xb1: {  	_ =	task.clear_ibuf [dreg:s6], $0x5FFFF;
	_ =	strace $0x90000049  }
0xb2: {  	s29 =	simm.s32 $0x9;
	_ =	strace $0x8000004B  }
0xb3: {  	_ =	swait.ge [sflag:s29], $0x1  }
0xb4: {  	[sflag:s29] =	ssyncadd.s32 $0xFFFFFFFF  }
0xb5: {  	_ =	strace $0x9000004B  }
0xb6: {  	_ =	sfence  }
0xb7: {  	s30 =	sld [smem:$0x0];
	_ =	sdelay $0x2  }
0xb8: {  	s31 =	sshll.u32 s1, $0xD;
	s1 =	sshrl.u32 s1, $0x2  }
0xb9: {  	s3 =	sand.u32 $0x4000, s31;
	s1 =	sadd.s32 s1, s30  }
0xba: {  	s0 =	sor.u32 s3, s0;
	s1 =	sshll.u32 s1, $0x11  }
0xbb: {  	s0 =	sor.u32 s1, s0  }
0xbc: {  	s0 =	sadd.s32 $0x8F2B, s0  }
0xbd: {  	[sflag:s0] =	ssyncadd.remote.s32 $0x1  }
0xbe: {  	_ =	sfence.sel $0xFFFF  }
0xbf: {  	[dreg:$0x0] =	wrdreg $0xFFFFFFFF;
	(pc) =	sbr.abs _section_cstart, $3  }
0xc0: {  	[dreg:$0x1] =	wrdreg $0xFFFFFFFF  }
0xc1: {  	_ =	task.clear_ibuf [dreg:s6], $0x2FFFF;
	_ =	strace $0x9FFFFFFF  }
0xc2: {  	(tm) =	ssettm $0x7FFFFFFF  }
0xc3: {  	_ =	shalt  }
tec
execute0_lowered:
.L_overlay_start_1:
0x0: {  	(tag) =	ssettag $0x1  }
0x1: {  	s0 =	srdreg.scid  }
0x2: {  	s5 =	rddreg [dreg:$0x0];
	s6 =	stileid.u32  }
0x3: {  	s1 =	rddreg [dreg:$0x1];
	s2 =	simm.s32 $0x0;
	s14 =	simm.s32 $0x5  }
0x4: {  	s18 =	simm.s32 $0x80;
	s29 =	simm.s32 $0x1480;
	s31 =	simm.s32 $0x1100  }
0x5: {  	s20 =	simm.s32 $0x1500;
	s30 =	simm.s32 $0x1200;
	s28 =	simm.s32 $0x1280  }
0x6: {  	s15 =	simm.s32 $0x1800;
	s16 =	simm.s32 $0x3;
	s10 =	simm.s32 $0x1  }
0x7: {  	s17 =	simm.s32 $0x4;
	s11 =	simm.s32 $0x0;
	s0 =	sand.u32 $0x1, s0  }
0x8: {  	s3 =	sshll.u32 s6, $0xB;
	[smem:$0x7FF] =	sst s2;
	s9 =	sadd.s32 $0x28000, s5  }
0x9: {  	p0 =	sne.s32 s6, $0x0;
	s4 =	sshll.u32 s0, $0xA;
	s0 =	ssub.s32 $0x2, s0  }
0xa: {  	s6 =	simm.s32 $0x1380;
	s7 =	sor.u32 s4, s3;
	s21 =	sshrl.u32 s0, $0x1  }
0xb: {  	_ =	strace $0x8000004A;
	s3 =	sshrl.u32 s7, $0x3;
	s0 =	ssub.s32 s0, s21  }
0xc: {  	[dreg:$0x3] =	wrdreg s9;
	s8 =	sadd.s32 s3, s5;
	s0 =	smax.u32 s0, $0x1  }
0xd: {  	s4 =	sadd.s32 $0x28800, s5;
	s22 =	sadd.s32 $0x4000, s8;
	[dreg:$0xa] =	wrdreg s0  }
0xe: {  	s7 =	sshll.u32 s7, $0x1;
	s23 =	sadd.s32 $0x5000, s8;
	[dreg:$0x4] =	wrdreg s22  }
0xf: {  	s3 =	sadd.s32 $0x8000, s5;
	s24 =	sadd.s32 $0x7000, s8;
	[dreg:$0x5] =	wrdreg s23  }
0x10: {  	s5 =	sadd.s32 s7, s5;
	s25 =	sadd.s32 $0x6000, s8;
	[dreg:$0x6] =	wrdreg s24  }
0x11: {  	s9 =	simm.s32 $0x1400;
	s26 =	sadd.s32 $0x48A00, s5;
	[dreg:$0x7] =	wrdreg s25  }
0x12: {  	s21 =	simm.s32 $0x1600;
	s5 =	sadd.s32 $0x38A00, s5;
	[dreg:$0x8] =	wrdreg s26  }
0x13: {  	s7 =	simm.s32 $0x1780;
	s0 =	sshrl.u32 @!p0 s1, $0x3;
	[dreg:$0x9] =	wrdreg s5  }
0x14: {  	s8 =	simm.s32 $0x2;
	[dreg:$0xb] =	wrdreg s0;
	s22 =	simm.s32 $0x1180  }
0x15: {  	s25 =	simm.s32 $0x1580;
	s23 =	simm.s32 $0x1680;
	s0 =	simm.s32 $0x1300  }
0x16: {  	v0 =	vlaneseq.u32;
	s5 =	simm.s32 $0x1700;
	s26 =	simm.s32 $0x9800;
	s24 =	simm.s32 $0xC00  }
.LBB2_1:
0x17: {  	s13 =	rddreg [dreg:$0x3]  }
0x18: {  	s12 =	simm.s32 @!p0 $0x1C05;
	s19 =	rddreg [dreg:$0xb]  }
0x19: {  	[spmem:s19], [sflag:s12] =	dma.local @!p0 [hbm:s13], $0x800  }
0x1a: {  	s12 =	simm.s32 @!p0 $0x5  }
0x1b: {  	_ =	swait.ge @!p0 [sflag:s12], $0x800  }
0x1c: {  	[sflag:s12] =	ssyncset.done @!p0 $0x0  }
0x1d: {  	s13 =	rddreg [dreg:$0x4];
	[sflag:s12] =	ssyncadd.s32 @!p0 $0xFFFFF800  }
0x1e: {  	[tilespmem:s2], [sflag:$0x5] =	stream.linear.gather [hbm4b:s13+s2], $0x400, $0x38;
	[tilespmem:$0x11C00] =	vst v63  }
0x1f: {  	_ =	swait.ge [sflag:s14], $0x400  }
0x20: {  	[sflag:s14] =	ssyncset.done $0x0  }
0x21: {  	s13 =	simm.s32 $0x400;
	s19 =	rddreg [dreg:$0x5];
	[sflag:s14] =	ssyncadd.s32 $0xFFFFFC00  }
0x22: {  	[tilespmem:s13], [sflag:$0x5] =	stream.linear.gather [hbm4b:s19+s2], $0x400, $0x38;
	[tilespmem:$0x11C00] =	vst v63  }
0x23: {  	_ =	swait.ge [sflag:s14], $0x400  }
0x24: {  	[sflag:s14] =	ssyncset.done $0x0  }
0x25: {  	s19 =	simm.s32 $0x800;
	s12 =	rddreg [dreg:$0x6];
	[sflag:s14] =	ssyncadd.s32 $0xFFFFFC00  }
0x26: {  	[tilespmem:s19], [sflag:$0x5] =	stream.linear.gather [hbm4b:s12+s2], $0x400, $0x38;
	[tilespmem:$0x11C00] =	vst v63  }
0x27: {  	_ =	swait.ge [sflag:s14], $0x400  }
0x28: {  	[sflag:s14] =	ssyncset.done $0x0  }
0x29: {  	s12 =	rddreg [dreg:$0x7];
	[sflag:s14] =	ssyncadd.s32 $0xFFFFFC00  }
0x2a: {  	[tilespmem:s24], [sflag:$0x5] =	stream.linear.gather [hbm4b:s12+s2], $0x400, $0x38;
	[tilespmem:$0x11C00] =	vst v63  }
0x2b: {  	_ =	swait.ge [sflag:s14], $0x400  }
0x2c: {  	[sflag:s14] =	ssyncset.done $0x0  }
0x2d: {  	[sflag:s14] =	ssyncadd.s32 $0xFFFFFC00  }
0x2e: {  	[bflag:$0x0] =	sbarrier.arrive $0xFFFF  }
0x2f: {  	[tilespmem:s26], [sflag:$0x1] =	stream.indirect.gather [spmem:s1], $0x10, s13, s18, $0xb8;
	[tilespmem:$0x11C00] =	vst v63  }
0x30: {  	s13 =	simm.s32 $0xD800  }
0x31: {  	[tilespmem:s13], [sflag:$0x1] =	stream.indirect.gather [spmem:s1], $0x10, s2, s18, $0xb8;
	[tilespmem:$0x11C00] =	vst v63  }
0x32: {  	s12 =	simm.s32 $0x480;
	s13 =	simm.s32 $0xA000  }
0x33: {  	[tilespmem:s13], [sflag:$0x1] =	stream.indirect.gather [spmem:s1], $0x10, s12, s18, $0xb8;
	[tilespmem:$0x11C00] =	vst v63  }
0x34: {  	s13 =	simm.s32 $0xE000  }
0x35: {  	[tilespmem:s13], [sflag:$0x1] =	stream.indirect.gather [spmem:s1], $0x10, s18, s18, $0xb8;
	[tilespmem:$0x11C00] =	vst v63  }
0x36: {  	s12 =	simm.s32 $0x500;
	s13 =	simm.s32 $0xA800  }
0x37: {  	[tilespmem:s13], [sflag:$0x1] =	stream.indirect.gather [spmem:s1], $0x10, s12, s18, $0xb8;
	[tilespmem:$0x11C00] =	vst v63  }
0x38: {  	s12 =	simm.s32 $0x100;
	s13 =	simm.s32 $0xE800  }
0x39: {  	[tilespmem:s13], [sflag:$0x1] =	stream.indirect.gather [spmem:s1], $0x10, s12, s18, $0xb8;
	[tilespmem:$0x11C00] =	vst v63  }
0x3a: {  	s12 =	simm.s32 $0x580;
	s13 =	simm.s32 $0xB000  }
0x3b: {  	[tilespmem:s13], [sflag:$0x1] =	stream.indirect.gather [spmem:s1], $0x10, s12, s18, $0xb8;
	[tilespmem:$0x11C00] =	vst v63  }
0x3c: {  	s12 =	simm.s32 $0x180;
	s13 =	simm.s32 $0xF000  }
0x3d: {  	[tilespmem:s13], [sflag:$0x1] =	stream.indirect.gather [spmem:s1], $0x10, s12, s18, $0xb8;
	[tilespmem:$0x11C00] =	vst v63  }
0x3e: {  	s12 =	simm.s32 $0x600;
	s13 =	simm.s32 $0xB800  }
0x3f: {  	[tilespmem:s13], [sflag:$0x1] =	stream.indirect.gather [spmem:s1], $0x10, s12, s18, $0xb8;
	[tilespmem:$0x11C00] =	vst v63  }
0x40: {  	s12 =	simm.s32 $0x200;
	s13 =	simm.s32 $0xF800  }
0x41: {  	[tilespmem:s13], [sflag:$0x1] =	stream.indirect.gather [spmem:s1], $0x10, s12, s18, $0xb8;
	[tilespmem:$0x11C00] =	vst v63  }
0x42: {  	s12 =	simm.s32 $0x680;
	s13 =	simm.s32 $0xC000  }
0x43: {  	[tilespmem:s13], [sflag:$0x1] =	stream.indirect.gather [spmem:s1], $0x10, s12, s18, $0xb8;
	[tilespmem:$0x11C00] =	vst v63  }
0x44: {  	s12 =	simm.s32 $0x280;
	s13 =	simm.s32 $0x10000  }
0x45: {  	[tilespmem:s13], [sflag:$0x1] =	stream.indirect.gather [spmem:s1], $0x10, s12, s18, $0xb8;
	[tilespmem:$0x11C00] =	vst v63  }
0x46: {  	s12 =	simm.s32 $0x700;
	s13 =	simm.s32 $0xC800  }
0x47: {  	[tilespmem:s13], [sflag:$0x1] =	stream.indirect.gather [spmem:s1], $0x10, s12, s18, $0xb8;
	[tilespmem:$0x11C00] =	vst v63  }
0x48: {  	s12 =	simm.s32 $0x300;
	s13 =	simm.s32 $0x10800  }
0x49: {  	[tilespmem:s13], [sflag:$0x1] =	stream.indirect.gather [spmem:s1], $0x10, s12, s18, $0xb8;
	[tilespmem:$0x11C00] =	vst v63  }
0x4a: {  	s12 =	simm.s32 $0x780;
	s13 =	simm.s32 $0xD000  }
0x4b: {  	[tilespmem:s13], [sflag:$0x1] =	stream.indirect.gather [spmem:s1], $0x10, s12, s18, $0xb8;
	[tilespmem:$0x11C00] =	vst v63  }
0x4c: {  	s12 =	simm.s32 $0x380;
	s13 =	simm.s32 $0x11000  }
0x4d: {  	[tilespmem:s13], [sflag:$0x1] =	stream.indirect.gather [spmem:s1], $0x10, s12, s18, $0xb8;
	[tilespmem:$0x11C00] =	vst v63  }
0x4e: {  	s13 =	simm.s32 $0x1000  }
0x4f: {  	[tilespmem:s13], [sflag:$0x2] =	stream.indirect.gather [hbm4b:s3+s18], $0x1, s19, s18, $0xb8;
	[tilespmem:$0x11C00] =	vst v63  }
0x50: {  	_ = 	snop  }
0x51: {  	[tilespmem:s9], [sflag:$0x2] =	stream.indirect.gather [hbm4b:s3+s18], $0x1, s24, s18, $0xb8;
	[tilespmem:$0x11C00] =	vst v63  }
0x52: {  	s13 =	simm.s32 $0x880;
	s19 =	simm.s32 $0x1080  }
0x53: {  	[tilespmem:s19], [sflag:$0x2] =	stream.indirect.gather [hbm4b:s3+s18], $0x1, s13, s18, $0xb8;
	[tilespmem:$0x11C00] =	vst v63  }
0x54: {  	s19 =	simm.s32 $0xC80  }
0x55: {  	[tilespmem:s29], [sflag:$0x2] =	stream.indirect.gather [hbm4b:s3+s18], $0x1, s19, s18, $0xb8;
	[tilespmem:$0x11C00] =	vst v63  }
0x56: {  	s13 =	simm.s32 $0x900  }
0x57: {  	[tilespmem:s31], [sflag:$0x2] =	stream.indirect.gather [hbm4b:s3+s18], $0x1, s13, s18, $0xb8;
	[tilespmem:$0x11C00] =	vst v63  }
0x58: {  	s19 =	simm.s32 $0xD00  }
0x59: {  	[tilespmem:s20], [sflag:$0x2] =	stream.indirect.gather [hbm4b:s3+s18], $0x1, s19, s18, $0xb8;
	[tilespmem:$0x11C00] =	vst v63  }
0x5a: {  	s13 =	simm.s32 $0x980  }
0x5b: {  	[tilespmem:s22], [sflag:$0x2] =	stream.indirect.gather [hbm4b:s3+s18], $0x1, s13, s18, $0xb8;
	[tilespmem:$0x11C00] =	vst v63  }
0x5c: {  	s19 =	simm.s32 $0xD80  }
0x5d: {  	[tilespmem:s25], [sflag:$0x2] =	stream.indirect.gather [hbm4b:s3+s18], $0x1, s19, s18, $0xb8;
	[tilespmem:$0x11C00] =	vst v63  }
0x5e: {  	s13 =	simm.s32 $0xA00  }
0x5f: {  	[tilespmem:s30], [sflag:$0x2] =	stream.indirect.gather [hbm4b:s3+s18], $0x1, s13, s18, $0xb8;
	[tilespmem:$0x11C00] =	vst v63  }
0x60: {  	s19 =	simm.s32 $0xE00  }
0x61: {  	[tilespmem:s21], [sflag:$0x2] =	stream.indirect.gather [hbm4b:s3+s18], $0x1, s19, s18, $0xb8;
	[tilespmem:$0x11C00] =	vst v63  }
0x62: {  	s13 =	simm.s32 $0xA80  }
0x63: {  	[tilespmem:s28], [sflag:$0x2] =	stream.indirect.gather [hbm4b:s3+s18], $0x1, s13, s18, $0xb8;
	[tilespmem:$0x11C00] =	vst v63  }
0x64: {  	s19 =	simm.s32 $0xE80  }
0x65: {  	[tilespmem:s23], [sflag:$0x2] =	stream.indirect.gather [hbm4b:s3+s18], $0x1, s19, s18, $0xb8;
	[tilespmem:$0x11C00] =	vst v63  }
0x66: {  	s13 =	simm.s32 $0xB00  }
0x67: {  	[tilespmem:s0], [sflag:$0x2] =	stream.indirect.gather [hbm4b:s3+s18], $0x1, s13, s18, $0xb8;
	[tilespmem:$0x11C00] =	vst v63  }
0x68: {  	s19 =	simm.s32 $0xF00  }
0x69: {  	[tilespmem:s5], [sflag:$0x2] =	stream.indirect.gather [hbm4b:s3+s18], $0x1, s19, s18, $0xb8;
	[tilespmem:$0x11C00] =	vst v63  }
0x6a: {  	s13 =	simm.s32 $0xB80  }
0x6b: {  	[tilespmem:s6], [sflag:$0x2] =	stream.indirect.gather [hbm4b:s3+s18], $0x1, s13, s18, $0xb8;
	[tilespmem:$0x11C00] =	vst v63  }
0x6c: {  	s19 =	simm.s32 $0xF80  }
0x6d: {  	[tilespmem:s7], [sflag:$0x2] =	stream.indirect.gather [hbm4b:s3+s18], $0x1, s19, s18, $0xb8;
	[tilespmem:$0x11C00] =	vst v63  }
0x6e: {  	_ =	swait.ge [sflag:s8], $0x80  }
0x6f: {  	[sflag:s8] =	ssyncset.done $0x0  }
0x70: {  	[sflag:s8] =	ssyncadd.s32 $0xFFFFFF80  }
0x71: {  	_ =	swait.ge [sflag:s8], $0x80  }
0x72: {  	[sflag:s8] =	ssyncset.done $0x0  }
0x73: {  	[sflag:s8] =	ssyncadd.s32 $0xFFFFFF80  }
0x74: {  	_ =	swait.ge [sflag:s8], $0x80  }
0x75: {  	[sflag:s8] =	ssyncset.done $0x0  }
0x76: {  	[sflag:s8] =	ssyncadd.s32 $0xFFFFFF80  }
0x77: {  	_ =	swait.ge [sflag:s8], $0x80  }
0x78: {  	[sflag:s8] =	ssyncset.done $0x0  }
0x79: {  	[sflag:s8] =	ssyncadd.s32 $0xFFFFFF80  }
0x7a: {  	_ =	swait.ge [sflag:s8], $0x80  }
0x7b: {  	[sflag:s8] =	ssyncset.done $0x0  }
0x7c: {  	[sflag:s8] =	ssyncadd.s32 $0xFFFFFF80  }
0x7d: {  	_ =	swait.ge [sflag:s8], $0x80  }
0x7e: {  	[sflag:s8] =	ssyncset.done $0x0  }
0x7f: {  	[sflag:s8] =	ssyncadd.s32 $0xFFFFFF80  }
0x80: {  	_ =	swait.ge [sflag:s8], $0x80  }
0x81: {  	[sflag:s8] =	ssyncset.done $0x0  }
0x82: {  	[sflag:s8] =	ssyncadd.s32 $0xFFFFFF80  }
0x83: {  	_ =	swait.ge [sflag:s8], $0x80  }
0x84: {  	[sflag:s8] =	ssyncset.done $0x0  }
0x85: {  	[sflag:s8] =	ssyncadd.s32 $0xFFFFFF80  }
0x86: {  	_ =	swait.ge [sflag:s8], $0x80  }
0x87: {  	[sflag:s8] =	ssyncset.done $0x0  }
0x88: {  	[sflag:s8] =	ssyncadd.s32 $0xFFFFFF80  }
0x89: {  	_ =	swait.ge [sflag:s8], $0x80  }
0x8a: {  	[sflag:s8] =	ssyncset.done $0x0  }
0x8b: {  	[sflag:s8] =	ssyncadd.s32 $0xFFFFFF80  }
0x8c: {  	_ =	swait.ge [sflag:s8], $0x80  }
0x8d: {  	[sflag:s8] =	ssyncset.done $0x0  }
0x8e: {  	[sflag:s8] =	ssyncadd.s32 $0xFFFFFF80  }
0x8f: {  	_ =	swait.ge [sflag:s8], $0x80  }
0x90: {  	[sflag:s8] =	ssyncset.done $0x0  }
0x91: {  	[sflag:s8] =	ssyncadd.s32 $0xFFFFFF80  }
0x92: {  	_ =	swait.ge [sflag:s8], $0x80  }
0x93: {  	[sflag:s8] =	ssyncset.done $0x0  }
0x94: {  	[sflag:s8] =	ssyncadd.s32 $0xFFFFFF80  }
0x95: {  	_ =	swait.ge [sflag:s8], $0x80  }
0x96: {  	[sflag:s8] =	ssyncset.done $0x0  }
0x97: {  	[sflag:s8] =	ssyncadd.s32 $0xFFFFFF80  }
0x98: {  	_ =	swait.ge [sflag:s8], $0x80  }
0x99: {  	[sflag:s8] =	ssyncset.done $0x0  }
0x9a: {  	[sflag:s8] =	ssyncadd.s32 $0xFFFFFF80  }
0x9b: {  	_ =	swait.ge [sflag:s8], $0x80  }
0x9c: {  	[sflag:s8] =	ssyncset.done $0x0  }
0x9d: {  	[sflag:s8] =	ssyncadd.s32 $0xFFFFFF80  }
0x9e: {  	s12 =	simm.s32 $0x1400;
	s13 =	simm.s32 $0x0;
	s19 =	simm.s32 $0x10;
	v1 =	vld [tilespmem:s9+$0x0]  }
.LBB2_2:
0x9f: {  	p1 =	sne.s32 s19, $0x3F0;
	_ =	sdelay $0x1  }
0xa0: {  	v2 =	vor.u32 s13, v0;
	s13 =	smov.u32 s19  }
.Ltmp0:
0xa1: {  	v2 =	vand.u32 $0x7F, v2;
	(pc) =	sbr.rel @p1 .LBB2_2-.Ltmp0, $4  }
0xa2: {  	v2 =	vor.u32 $0x8000, v2;
	vm0 =	vlt.s32 v1, $0x0  }
0xa3: {  	v1 =	vsel vm0, v2, v1  }
0xa4: {  	[tilespmem:s12+$0x0] =	vst v1;
	s12 =	sadd.s32 $0x10, s12  }
0xa5: {  	s19 =	sadd.s32 $0x10, s19;
	v1 =	vld [tilespmem:s12+$0x0]  }
0xa6: {  	_ =	sdelay $0x1  }
0xa7: {  	v2 =	vor.u32 s13, v0  }
0xa8: {  	v2 =	vand.u32 $0x7F, v2  }
0xa9: {  	v2 =	vor.u32 $0x8000, v2;
	vm0 =	vlt.s32 v1, $0x0  }
0xaa: {  	v1 =	vsel vm0, v2, v1  }
0xab: {  	s13 =	simm.s32 $0x1000;
	[tilespmem:s12+$0x0] =	vst v1  }
0xac: {  	[tilespmem:s15], [sflag:$0x3] =	stream.indirect.gather [hbm4b:s4+s18], $0x10, s13, s18, $0xb8;
	[tilespmem:$0x11C00] =	vst v63  }
0xad: {  	s19 =	simm.s32 $0x5800  }
0xae: {  	[tilespmem:s19], [sflag:$0x3] =	stream.indirect.gather [hbm4b:s4+s18], $0x10, s9, s18, $0xb8;
	[tilespmem:$0x11C00] =	vst v63  }
0xaf: {  	s13 =	simm.s32 $0x1080;
	s19 =	simm.s32 $0x2000  }
0xb0: {  	[tilespmem:s19], [sflag:$0x3] =	stream.indirect.gather [hbm4b:s4+s18], $0x10, s13, s18, $0xb8;
	[tilespmem:$0x11C00] =	vst v63  }
0xb1: {  	s19 =	simm.s32 $0x6000  }
0xb2: {  	[tilespmem:s19], [sflag:$0x3] =	stream.indirect.gather [hbm4b:s4+s18], $0x10, s29, s18, $0xb8;
	[tilespmem:$0x11C00] =	vst v63  }
0xb3: {  	s13 =	simm.s32 $0x2800  }
0xb4: {  	[tilespmem:s13], [sflag:$0x3] =	stream.indirect.gather [hbm4b:s4+s18], $0x10, s31, s18, $0xb8;
	[tilespmem:$0x11C00] =	vst v63  }
0xb5: {  	s19 =	simm.s32 $0x6800  }
0xb6: {  	[tilespmem:s19], [sflag:$0x3] =	stream.indirect.gather [hbm4b:s4+s18], $0x10, s20, s18, $0xb8;
	[tilespmem:$0x11C00] =	vst v63  }
0xb7: {  	s13 =	simm.s32 $0x3000  }
0xb8: {  	[tilespmem:s13], [sflag:$0x3] =	stream.indirect.gather [hbm4b:s4+s18], $0x10, s22, s18, $0xb8;
	[tilespmem:$0x11C00] =	vst v63  }
0xb9: {  	s19 =	simm.s32 $0x7000  }
0xba: {  	[tilespmem:s19], [sflag:$0x3] =	stream.indirect.gather [hbm4b:s4+s18], $0x10, s25, s18, $0xb8;
	[tilespmem:$0x11C00] =	vst v63  }
0xbb: {  	s13 =	simm.s32 $0x3800  }
0xbc: {  	[tilespmem:s13], [sflag:$0x3] =	stream.indirect.gather [hbm4b:s4+s18], $0x10, s30, s18, $0xb8;
	[tilespmem:$0x11C00] =	vst v63  }
0xbd: {  	s19 =	simm.s32 $0x7800  }
0xbe: {  	[tilespmem:s19], [sflag:$0x3] =	stream.indirect.gather [hbm4b:s4+s18], $0x10, s21, s18, $0xb8;
	[tilespmem:$0x11C00] =	vst v63  }
0xbf: {  	s13 =	simm.s32 $0x4000  }
0xc0: {  	[tilespmem:s13], [sflag:$0x3] =	stream.indirect.gather [hbm4b:s4+s18], $0x10, s28, s18, $0xb8;
	[tilespmem:$0x11C00] =	vst v63  }
0xc1: {  	s19 =	simm.s32 $0x8000  }
0xc2: {  	[tilespmem:s19], [sflag:$0x3] =	stream.indirect.gather [hbm4b:s4+s18], $0x10, s23, s18, $0xb8;
	[tilespmem:$0x11C00] =	vst v63  }
0xc3: {  	s13 =	simm.s32 $0x4800  }
0xc4: {  	[tilespmem:s13], [sflag:$0x3] =	stream.indirect.gather [hbm4b:s4+s18], $0x10, s0, s18, $0xb8;
	[tilespmem:$0x11C00] =	vst v63  }
0xc5: {  	s19 =	simm.s32 $0x8800  }
0xc6: {  	[tilespmem:s19], [sflag:$0x3] =	stream.indirect.gather [hbm4b:s4+s18], $0x10, s5, s18, $0xb8;
	[tilespmem:$0x11C00] =	vst v63  }
0xc7: {  	s13 =	simm.s32 $0x5000  }
0xc8: {  	[tilespmem:s13], [sflag:$0x3] =	stream.indirect.gather [hbm4b:s4+s18], $0x10, s6, s18, $0xb8;
	[tilespmem:$0x11C00] =	vst v63  }
0xc9: {  	s19 =	simm.s32 $0x9000  }
0xca: {  	[tilespmem:s19], [sflag:$0x3] =	stream.indirect.gather [hbm4b:s4+s18], $0x10, s7, s18, $0xb8;
	[tilespmem:$0x11C00] =	vst v63  }
0xcb: {  	_ =	swait.ge [sflag:s16], $0x800  }
0xcc: {  	[sflag:s16] =	ssyncset.done $0x0  }
0xcd: {  	[sflag:s16] =	ssyncadd.s32 $0xFFFFF800  }
0xce: {  	_ =	swait.ge [sflag:s16], $0x800  }
0xcf: {  	[sflag:s16] =	ssyncset.done $0x0  }
0xd0: {  	[sflag:s16] =	ssyncadd.s32 $0xFFFFF800  }
0xd1: {  	_ =	swait.ge [sflag:s16], $0x800  }
0xd2: {  	[sflag:s16] =	ssyncset.done $0x0  }
0xd3: {  	[sflag:s16] =	ssyncadd.s32 $0xFFFFF800  }
0xd4: {  	_ =	swait.ge [sflag:s16], $0x800  }
0xd5: {  	[sflag:s16] =	ssyncset.done $0x0  }
0xd6: {  	[sflag:s16] =	ssyncadd.s32 $0xFFFFF800  }
0xd7: {  	_ =	swait.ge [sflag:s16], $0x800  }
0xd8: {  	[sflag:s16] =	ssyncset.done $0x0  }
0xd9: {  	[sflag:s16] =	ssyncadd.s32 $0xFFFFF800  }
0xda: {  	_ =	swait.ge [sflag:s16], $0x800  }
0xdb: {  	[sflag:s16] =	ssyncset.done $0x0  }
0xdc: {  	[sflag:s16] =	ssyncadd.s32 $0xFFFFF800  }
0xdd: {  	_ =	swait.ge [sflag:s16], $0x800  }
0xde: {  	[sflag:s16] =	ssyncset.done $0x0  }
0xdf: {  	[sflag:s16] =	ssyncadd.s32 $0xFFFFF800  }
0xe0: {  	_ =	swait.ge [sflag:s16], $0x800  }
0xe1: {  	[sflag:s16] =	ssyncset.done $0x0  }
0xe2: {  	[sflag:s16] =	ssyncadd.s32 $0xFFFFF800  }
0xe3: {  	_ =	swait.ge [sflag:s16], $0x800  }
0xe4: {  	[sflag:s16] =	ssyncset.done $0x0  }
0xe5: {  	[sflag:s16] =	ssyncadd.s32 $0xFFFFF800  }
0xe6: {  	_ =	swait.ge [sflag:s16], $0x800  }
0xe7: {  	[sflag:s16] =	ssyncset.done $0x0  }
0xe8: {  	[sflag:s16] =	ssyncadd.s32 $0xFFFFF800  }
0xe9: {  	_ =	swait.ge [sflag:s16], $0x800  }
0xea: {  	[sflag:s16] =	ssyncset.done $0x0  }
0xeb: {  	[sflag:s16] =	ssyncadd.s32 $0xFFFFF800  }
0xec: {  	_ =	swait.ge [sflag:s16], $0x800  }
0xed: {  	[sflag:s16] =	ssyncset.done $0x0  }
0xee: {  	[sflag:s16] =	ssyncadd.s32 $0xFFFFF800  }
0xef: {  	_ =	swait.ge [sflag:s16], $0x800  }
0xf0: {  	[sflag:s16] =	ssyncset.done $0x0  }
0xf1: {  	[sflag:s16] =	ssyncadd.s32 $0xFFFFF800  }
0xf2: {  	_ =	swait.ge [sflag:s16], $0x800  }
0xf3: {  	[sflag:s16] =	ssyncset.done $0x0  }
0xf4: {  	[sflag:s16] =	ssyncadd.s32 $0xFFFFF800  }
0xf5: {  	_ =	swait.ge [sflag:s16], $0x800  }
0xf6: {  	[sflag:s16] =	ssyncset.done $0x0  }
0xf7: {  	[sflag:s16] =	ssyncadd.s32 $0xFFFFF800  }
0xf8: {  	_ =	swait.ge [sflag:s16], $0x800  }
0xf9: {  	[sflag:s16] =	ssyncset.done $0x0  }
0xfa: {  	[sflag:s16] =	ssyncadd.s32 $0xFFFFF800  }
0xfb: {  	_ =	swait.ge [sflag:s10], $0x800  }
0xfc: {  	[sflag:s10] =	ssyncset.done $0x0  }
0xfd: {  	[sflag:s10] =	ssyncadd.s32 $0xFFFFF800  }
0xfe: {  	_ =	swait.ge [sflag:s10], $0x800  }
0xff: {  	[sflag:s10] =	ssyncset.done $0x0  }
0x100: {  	[sflag:s10] =	ssyncadd.s32 $0xFFFFF800  }
0x101: {  	_ =	swait.ge [sflag:s10], $0x800  }
0x102: {  	[sflag:s10] =	ssyncset.done $0x0  }
0x103: {  	[sflag:s10] =	ssyncadd.s32 $0xFFFFF800  }
0x104: {  	_ =	swait.ge [sflag:s10], $0x800  }
0x105: {  	[sflag:s10] =	ssyncset.done $0x0  }
0x106: {  	[sflag:s10] =	ssyncadd.s32 $0xFFFFF800  }
0x107: {  	_ =	swait.ge [sflag:s10], $0x800  }
0x108: {  	[sflag:s10] =	ssyncset.done $0x0  }
0x109: {  	[sflag:s10] =	ssyncadd.s32 $0xFFFFF800  }
0x10a: {  	_ =	swait.ge [sflag:s10], $0x800  }
0x10b: {  	[sflag:s10] =	ssyncset.done $0x0  }
0x10c: {  	[sflag:s10] =	ssyncadd.s32 $0xFFFFF800  }
0x10d: {  	_ =	swait.ge [sflag:s10], $0x800  }
0x10e: {  	[sflag:s10] =	ssyncset.done $0x0  }
0x10f: {  	[sflag:s10] =	ssyncadd.s32 $0xFFFFF800  }
0x110: {  	_ =	swait.ge [sflag:s10], $0x800  }
0x111: {  	[sflag:s10] =	ssyncset.done $0x0  }
0x112: {  	[sflag:s10] =	ssyncadd.s32 $0xFFFFF800  }
0x113: {  	_ =	swait.ge [sflag:s10], $0x800  }
0x114: {  	[sflag:s10] =	ssyncset.done $0x0  }
0x115: {  	[sflag:s10] =	ssyncadd.s32 $0xFFFFF800  }
0x116: {  	_ =	swait.ge [sflag:s10], $0x800  }
0x117: {  	[sflag:s10] =	ssyncset.done $0x0  }
0x118: {  	[sflag:s10] =	ssyncadd.s32 $0xFFFFF800  }
0x119: {  	_ =	swait.ge [sflag:s10], $0x800  }
0x11a: {  	[sflag:s10] =	ssyncset.done $0x0  }
0x11b: {  	[sflag:s10] =	ssyncadd.s32 $0xFFFFF800  }
0x11c: {  	_ =	swait.ge [sflag:s10], $0x800  }
0x11d: {  	[sflag:s10] =	ssyncset.done $0x0  }
0x11e: {  	[sflag:s10] =	ssyncadd.s32 $0xFFFFF800  }
0x11f: {  	_ =	swait.ge [sflag:s10], $0x800  }
0x120: {  	[sflag:s10] =	ssyncset.done $0x0  }
0x121: {  	[sflag:s10] =	ssyncadd.s32 $0xFFFFF800  }
0x122: {  	_ =	swait.ge [sflag:s10], $0x800  }
0x123: {  	[sflag:s10] =	ssyncset.done $0x0  }
0x124: {  	[sflag:s10] =	ssyncadd.s32 $0xFFFFF800  }
0x125: {  	_ =	swait.ge [sflag:s10], $0x800  }
0x126: {  	[sflag:s10] =	ssyncset.done $0x0  }
0x127: {  	[sflag:s10] =	ssyncadd.s32 $0xFFFFF800  }
0x128: {  	_ =	swait.ge [sflag:s10], $0x800  }
0x129: {  	[sflag:s10] =	ssyncset.done $0x0  }
0x12a: {  	s19 =	simm.s32 $0x0;
	[sflag:s10] =	ssyncadd.s32 $0xFFFFF800  }
0x12b: {  	v4 =	vld [tilespmem:s19+$0xD800]  }
0x12c: {  	v3 =	vld [tilespmem:s19+$0xD810]  }
0x12d: {  	v2 =	vld [tilespmem:s19+$0xD820]  }
0x12e: {  	v1 =	vld [tilespmem:s19+$0xD830]  }
0x12f: {  	v8 =	vld [tilespmem:s19+$0x5800]  }
0x130: {  	v7 =	vld [tilespmem:s19+$0x5810]  }
0x131: {  	v6 =	vld [tilespmem:s19+$0x5820]  }
0x132: {  	v5 =	vld [tilespmem:s19+$0x5830]  }
0x133: {  	v14 =	vld [tilespmem:s19+$0x9800]  }
0x134: {  	v12 =	vld [tilespmem:s19+$0x9810]  }
0x135: {  	v11 =	vld [tilespmem:s19+$0x9820]  }
0x136: {  	v9 =	vld [tilespmem:s19+$0x9830]  }
0x137: {  	v15 =	vld [tilespmem:s19+$0x1800]  }
0x138: {  	v13 =	vld [tilespmem:s19+$0x1810]  }
0x139: {  	s12 =	simm.s32 $0x100;
	v10 =	vld [tilespmem:s19+$0x1820]  }
.LBB2_4:
0x13a: {  	s13 =	sshra.s32 s12, $0x2;
	p1 =	sne.s32 s12, $0xFF00;
	v14 =	vsub.f32 v14, v4;
	v16 =	vld [tilespmem:s19+$0x1830]  }
0x13b: {  	v12 =	vsub.f32 v12, v3;
	v4 =	vld [tilespmem:s13+$0xD800]  }
0x13c: {  	v11 =	vsub.f32 v11, v2;
	v3 =	vld [tilespmem:s13+$0xD810];
	v8 =	vadd.f32 v8, v15;
	[tilespmem:s19+$0x9800] =	vst v14  }
0x13d: {  	v9 =	vsub.f32 v9, v1;
	v2 =	vld [tilespmem:s13+$0xD820];
	v7 =	vadd.f32 v7, v13;
	[tilespmem:s19+$0x9810] =	vst v12  }
0x13e: {  	v1 =	vld [tilespmem:s13+$0xD830];
	v12 =	vmul.f32 $5.000000000e-01, v8;
	v6 =	vadd.f32 v6, v10;
	[tilespmem:s19+$0x9820] =	vst v11  }
0x13f: {  	v8 =	vld [tilespmem:s13+$0x5800];
	v10 =	vmul.f32 $5.000000000e-01, v7;
	v5 =	vadd.f32 v5, v16;
	[tilespmem:s19+$0x9830] =	vst v9  }
0x140: {  	v7 =	vld [tilespmem:s13+$0x5810];
	[tilespmem:s19+$0x1800] =	vst v12;
	v9 =	vmul.f32 $5.000000000e-01, v6  }
0x141: {  	v6 =	vld [tilespmem:s13+$0x5820];
	[tilespmem:s19+$0x1810] =	vst v10;
	v10 =	vmul.f32 $5.000000000e-01, v5  }
0x142: {  	v5 =	vld [tilespmem:s13+$0x5830];
	[tilespmem:s19+$0x1820] =	vst v9  }
0x143: {  	v14 =	vld [tilespmem:s13+$0x9800];
	[tilespmem:s19+$0x1830] =	vst v10;
	s19 =	smov.u32 s13  }
0x144: {  	v12 =	vld [tilespmem:s19+$0x9810]  }
.Ltmp1:
0x145: {  	v11 =	vld [tilespmem:s19+$0x9820];
	(pc) =	sbr.rel @p1 .LBB2_4-.Ltmp1, $4  }
0x146: {  	v9 =	vld [tilespmem:s19+$0x9830]  }
0x147: {  	v15 =	vld [tilespmem:s19+$0x1800]  }
0x148: {  	v13 =	vld [tilespmem:s19+$0x1810]  }
0x149: {  	s12 =	sadd.s32 $0x100, s12;
	v10 =	vld [tilespmem:s19+$0x1820]  }
0x14a: {  	v4 =	vsub.f32 v14, v4;
	v61 =	vld [tilespmem:s19+$0x1830]  }
0x14b: {  	v3 =	vsub.f32 v12, v3  }
0x14c: {  	v2 =	vsub.f32 v11, v2;
	v8 =	vadd.f32 v8, v15;
	[tilespmem:s19+$0x9800] =	vst v4  }
0x14d: {  	v1 =	vsub.f32 v9, v1;
	[tilespmem:s19+$0x9810] =	vst v3;
	v62 =	vadd.f32 v7, v13  }
0x14e: {  	[tilespmem:s19+$0x9820] =	vst v2;
	v3 =	vmul.f32 $5.000000000e-01, v8;
	v6 =	vadd.f32 v6, v10  }
0x14f: {  	[tilespmem:s19+$0x9830] =	vst v1;
	v2 =	vmul.f32 $5.000000000e-01, v62;
	v63 =	vadd.f32 v5, v61  }
0x150: {  	[tilespmem:s19+$0x1800] =	vst v3;
	v1 =	vmul.f32 $5.000000000e-01, v6  }
0x151: {  	[tilespmem:s19+$0x1810] =	vst v2;
	v2 =	vmul.f32 $5.000000000e-01, v63  }
0x152: {  	[tilespmem:s19+$0x1820] =	vst v1  }
0x153: {  	s12 =	rddreg [dreg:$0x8];
	[tilespmem:s19+$0x1830] =	vst v2  }
0x154: {  	[hbm4b:s12+s2] =	stream.linear.scatter [tilespmem:s15], [sflag:$0x4], $0x4000, $0x38;
	[tilespmem:$0x11C00] =	vst v63  }
0x155: {  	s13 =	simm.s32 $0x9800;
	s19 =	rddreg [dreg:$0x9]  }
0x156: {  	[hbm4b:s19+s2] =	stream.linear.scatter [tilespmem:s13], [sflag:$0x4], $0x4000, $0x38;
	[tilespmem:$0x11C00] =	vst v63  }
0x157: {  	_ =	swait.ge [sflag:s17], $0x4000  }
0x158: {  	[sflag:s17] =	ssyncset.done $0x0  }
0x159: {  	[sflag:s17] =	ssyncadd.s32 $0xFFFFC000  }
0x15a: {  	_ =	swait.ge [sflag:s17], $0x4000  }
0x15b: {  	s11 =	sadd.s32 $0x1, s11;
	s19 =	rddreg [dreg:$0xa]  }
0x15c: {  	p1 =	sne.s32 s11, s19  }
.Ltmp2:
0x15d: {  	_ = 	snop;
	(pc) =	sbr.rel @p1 .LBB2_1-.Ltmp2, $3  }
0x15e: {  	_ =	sdelay $0x1  }
0x15f: {  	[sflag:s17] =	ssyncset.done $0x0  }
0x160: {  	[sflag:s17] =	ssyncadd.s32 $0xFFFFC000  }
0x161: {  	_ =	sfence.sel $0x180000  }
0x162: {  	[bflag:$0x0] =	sbarrier.arrive $0xFFFF  }
0x163: {  	_ =	strace $0x9000004A  }
0x164: {  	[bflag:$0x2] =	sbarrier.arrive $0xFFFF  }
0x165: {  	s0 =	rddreg [dreg:$0x2]  }
0x166: {  	s0 =	sadd.s32 @!p0 $0x100000, s0  }
0x167: {  	[sflag:s0] =	ssyncadd.tile.s32 @!p0 $0x1;
	_ =	shalt  }
.Lfunc_end2:
_tile_overlayer_lowered:
.L_overlay_start_2:
0x168: {  	(tag) =	ssettag $0x2  }
0x169: {  	s0 =	rddreg [dreg:$0x0];
	s2 =	stileid.u32  }
0x16a: {  	s1 =	rddreg [dreg:$0x1];
	p0 =	sne.s32 s2, $0x0  }
0x16b: {  	s3 =	rddreg [dreg:$0x2];
	[bflag:$0x3] =	sbarrier.arrive $0xFFFF;
	s2 =	simm.s32 @!p0 $0x1C05  }
0x16c: {  	[timem:s3], [sflag:s2] =	dma.local @!p0 [hbm:s0], s1  }
0x16d: {  	s0 =	simm.s32 @!p0 $0x5  }
0x16e: {  	_ =	swait.ge @!p0 [sflag:s0], s1  }
0x16f: {  	s1 =	ssub.s32 @!p0 $0x0, s1;
	[sflag:s0] =	ssyncset.done @!p0 $0x0  }
0x170: {  	[sflag:s0] =	ssyncadd.s32 @!p0 s1  }
0x171: {  	[bflag:$0x3] =	sbarrier.arrive $0xFFFF  }
0x172: {  	_ =	shalt  }

// kernel: kernel.13.cloned.1.call-start
scs
__scs_entry_jumppad:
0x0: {  	(pc) =	sbr.rel $0x88, $3  }
0x1: {  	(tag) =	ssettag $0x0;
	lr =	simm.s32 $0x1  }
0x2: {  	[smem:$0x3F90] =	sst lr;
	_ =	strace $0xD0000000  }
0x3: {  	_ = 	snop  }
0x4: {  	_ = 	snop  }
0x5: {  	_ = 	snop  }
0x6: {  	_ = 	snop  }
0x7: {  	_ = 	snop  }
__scs_overlays_trampoline_lowered:
0x8: {  	[smem:$0x3F9F] =	sst s0  }
0x9: {  	[smem:$0x3FA0] =	sst s1  }
0xa: {  	[smem:$0x3FA1] =	sst s2  }
0xb: {  	[smem:$0x3FA2] =	sst s3  }
0xc: {  	[smem:$0x3FA3] =	sst s4  }
0xd: {  	[smem:$0x3FA4] =	sst s5  }
0xe: {  	[smem:$0x3FA5] =	sst s6  }
0xf: {  	[smem:$0x3FA6] =	sst s7  }
0x10: {  	[smem:$0x3FA7] =	sst s8  }
0x11: {  	[smem:$0x3FA8] =	sst s9;
	s0 =	simm.s32 @!p0 $0x0  }
0x12: {  	s1 =	sld [smem:$0x3F8E];
	s0 =	simm.s32 @p0 $0x1  }
0x13: {  	[smem:$0x3FA9] =	sst s0;
	s0 =	simm.s32 @!p1 $0x0  }
0x14: {  	s2 =	sld [smem:$0x3F8D];
	s0 =	simm.s32 @p1 $0x1  }
0x15: {  	[smem:$0x3FAA] =	sst s0;
	s0 =	simm.s32 @!p2 $0x0  }
0x16: {  	s3 =	sld [smem:$0x3FDB];
	s0 =	simm.s32 @p2 $0x1  }
0x17: {  	s4 =	simm.s32 $0x1BF5;
	[smem:$0x3FAC] =	sst s0  }
0x18: {  	s0 =	sld [smem:$0x3F8F];
	_ =	swait.ge [sflag:s4], $0x0  }
0x19: {  	s7 =	sld [smem:$0x3F90]  }
0x1a: {  	s8 =	sadd.s32 $0xFFFFE003, lr  }
0x1b: {  	s9 =	sadd.s32 $0xFFFFFEF7, lr;
	s5 =	simm.s32 $0xFFFFFFFF;
	p2 =	slt.u32 s8, $0xFFFFF086  }
0x1c: {  	p1 =	slt.u32 s9, $0xF7A;
	s5 =	simm.s32 @!p2 $0x0  }
0x1d: {  	s5 =	simm.s32 @p1 $0x1;
	p0 =	seq.s32 s7, s2  }
0x1e: {  	s7 =	smul.u32 @!p0 $0xF7A, s2;
	p2 =	seq.s32 @!p0 s5, $0x0  }
0x1f: {  	s9 =	smul.u32 $0xF7A, s1;
	s8 =	simm.s32 @!p0 $0x1BF5;
	p2 =	por !p2, p0  }
0x20: {  	[sflag:s8] =	ssyncset.s32 @!p0 $0xFFFFF086;
	s6 =	sadd.s32 @!p0 s3, s7;
	s7 =	simm.s32 @!p0 $0x108  }
0x21: {  	s3 =	sadd.s32 s3, s9;
	s6 =	sadd.s32 @!p0 $0x88, s6;
	s7 =	simm.s32 @p2 $0x1082  }
0x22: {  	[simem:s7], [sflag:s8] =	dma.local @!p0 [hbm:s6], $0xF7A  }
0x23: {  	s9 =	sor.u32 $0xD0000000, s2;
	s6 =	simm.s32 $0x108;
	_ =	swait.ge @!p0 [sflag:s8], $0x0  }
0x24: {  	s3 =	sadd.s32 $0x88, s3;
	s6 =	simm.s32 @!p1 $0x1082;
	[sflag:s4] =	ssyncset.s32 $0xFFFFF086  }
0x25: {  	[simem:s6], [sflag:s4] =	dma.local [hbm:s3], $0xF7A  }
0x26: {  	[smem:$0x3F90] =	sst s1;
	(tag) =	ssettag s2;
	_ =	strace s9  }
0x27: {  	s1 =	sld [smem:$0x3FA0]  }
0x28: {  	s2 =	sld [smem:$0x3FA1]  }
0x29: {  	s4 =	sld [smem:$0x3FA3]  }
0x2a: {  	p0 =	seq.s32 s5, $0x0;
	s5 =	sld [smem:$0x3FA4]  }
0x2b: {  	s6 =	sld [smem:$0x3FA5]  }
0x2c: {  	s7 =	sld [smem:$0x3FA6]  }
0x2d: {  	s3 =	simm.s32 $0x108;
	s8 =	sld [smem:$0x3FA7]  }
0x2e: {  	s3 =	simm.s32 @!p0 $0x1082;
	s9 =	sld [smem:$0x3FA8]  }
0x2f: {  	lr =	sadd.s32 s0, s3;
	s0 =	sld [smem:$0x3F9F]  }
0x30: {  	s3 =	sld [smem:$0x3FA2]  }
0x31: {  	[smem:$0x3FAB] =	sst s10  }
0x32: {  	s10 =	sld [smem:$0x3FA9];
	_ =	sdelay $0x3  }
0x33: {  	p0 =	seq.s32 s10, $0x1;
	s10 =	sld [smem:$0x3FAB];
	_ =	sdelay $0x3  }
0x34: {  	[smem:$0x3FAB] =	sst s10  }
0x35: {  	s10 =	sld [smem:$0x3FAA];
	_ =	sdelay $0x3  }
0x36: {  	p1 =	seq.s32 s10, $0x1;
	s10 =	sld [smem:$0x3FAB];
	_ =	sdelay $0x3  }
0x37: {  	[smem:$0x3FAB] =	sst s10  }
0x38: {  	s10 =	sld [smem:$0x3FAC]  }
0x39: {  	_ = 	snop;
	(pc) =	sbr.ind lr, $3  }
0x3a: {  	_ = 	snop  }
0x3b: {  	_ = 	snop  }
0x3c: {  	p2 =	seq.s32 s10, $0x1;
	s10 =	sld [smem:$0x3FAB]  }
0x3d: {  	_ =	shalt  }
0x3e: {  	_ =	shalt  }
0x3f: {  	_ =	shalt  }
0x40: {  	_ =	shalt  }
0x41: {  	_ =	shalt  }
0x42: {  	_ =	shalt  }
0x43: {  	_ =	shalt  }
0x44: {  	_ =	shalt  }
0x45: {  	_ =	shalt  }
0x46: {  	_ =	shalt  }
0x47: {  	_ =	shalt  }
0x48: {  	_ =	shalt  }
0x49: {  	_ =	shalt  }
0x4a: {  	_ =	shalt  }
0x4b: {  	_ =	shalt  }
0x4c: {  	_ =	shalt  }
0x4d: {  	_ =	shalt  }
0x4e: {  	_ =	shalt  }
0x4f: {  	_ =	shalt  }
0x50: {  	_ =	shalt  }
0x51: {  	_ =	shalt  }
0x52: {  	_ =	shalt  }
0x53: {  	_ =	shalt  }
0x54: {  	_ =	shalt  }
0x55: {  	_ =	shalt  }
0x56: {  	_ =	shalt  }
0x57: {  	_ =	shalt  }
0x58: {  	_ =	shalt  }
0x59: {  	_ =	shalt  }
0x5a: {  	_ =	shalt  }
0x5b: {  	_ =	shalt  }
0x5c: {  	_ =	shalt  }
0x5d: {  	_ =	shalt  }
0x5e: {  	_ =	shalt  }
0x5f: {  	_ =	shalt  }
0x60: {  	_ =	shalt  }
0x61: {  	_ =	shalt  }
0x62: {  	_ =	shalt  }
0x63: {  	_ =	shalt  }
0x64: {  	_ =	shalt  }
0x65: {  	_ =	shalt  }
0x66: {  	_ =	shalt  }
0x67: {  	_ =	shalt  }
0x68: {  	_ =	shalt  }
0x69: {  	_ =	shalt  }
0x6a: {  	_ =	shalt  }
0x6b: {  	_ =	shalt  }
0x6c: {  	_ =	shalt  }
0x6d: {  	_ =	shalt  }
0x6e: {  	_ =	shalt  }
0x6f: {  	_ =	shalt  }
0x70: {  	_ =	shalt  }
0x71: {  	_ =	shalt  }
0x72: {  	_ =	shalt  }
0x73: {  	_ =	shalt  }
0x74: {  	_ =	shalt  }
0x75: {  	_ =	shalt  }
0x76: {  	_ =	shalt  }
0x77: {  	_ =	shalt  }
0x78: {  	_ =	shalt  }
0x79: {  	_ =	shalt  }
0x7a: {  	_ =	shalt  }
0x7b: {  	_ =	shalt  }
0x7c: {  	_ =	shalt  }
0x7d: {  	_ =	shalt  }
0x7e: {  	_ =	shalt  }
0x7f: {  	_ =	shalt  }
0x80: {  	_ =	shalt  }
0x81: {  	_ =	shalt  }
0x82: {  	_ =	shalt  }
0x83: {  	_ =	shalt  }
0x84: {  	_ =	shalt  }
0x85: {  	_ =	shalt  }
0x86: {  	_ =	shalt  }
0x87: {  	_ =	shalt  }
.Lfunc_end0:
.L_simem_size_0:
called_computation.2_lowered:
.L_overlay_start_0:
0x88: {  	s2 =	sld [smem:$0x3FD9]  }
0x89: {  	s3 =	sld [smem:$0x3FFE];
	_ =	sdelay $0x1  }
0x8a: {  	s1 =	srdreg.scid  }
0x8b: {  	s0 =	sand.u32 $0x1, s1  }
0x8c: {  	s15 =	sshll.u32 s0, $0xA;
	s2 =	sadd.s32 s3, s2  }
0x8d: {  	s2 =	sadd.s32 s2, s15  }
0x8e: {  	[smem:$0x3FB7] =	sst s2  }
0x8f: {  	_ = 	snop  }
0x90: {  	s2 =	sld [smem:$0x3FD0];
	_ =	sdelay $0x2  }
0x91: {  	s16 =	simm.s32 $0xB;
	s4 =	simm.s32 $0x10  }
0x92: {  	[smem:s4], [sflag:s16] =	dma.local [hbm:s2], $0x1  }
0x93: {  	_ =	swait.eq [sflag:s16], $0x1  }
0x94: {  	[sflag:s16] =	ssyncset.done $0x0  }
0x95: {  	[sflag:s16] =	ssyncadd.s32 $0xFFFFFFFF  }
0x96: {  	s17 =	sld [smem:$0x12];
	(tm) =	ssettm $0x1  }
0x97: {  	s18 =	sld [smem:$0x3FFB];
	_ =	sdelay $0x3  }
0x98: {  	_ =	strace s18  }
0x99: {  	s2 =	sld [smem:$0x3FFC];
	_ =	sdelay $0x3  }
0x9a: {  	_ =	strace s2  }
0x9b: {  	s2 =	sld [smem:$0x3FFD];
	_ =	sdelay $0x3  }
0x9c: {  	_ =	strace s2  }
0x9d: {  	_ =	strace $0x8FFFFFFF  }
0x9e: {  	s19 =	sld [smem:$0x3FDB];
	_ =	sdelay $0x1  }
0x9f: {  	s20 =	simm.s32 $_scs_section_size  }
0xa0: {  	s5 =	simm.s32 $_size__tile_overlayer_lowered;
	s6 =	simm.s32 $_tile_overlayer_lowered  }
0xa1: {  	s7 =	simm.s32 $0x1BFF;
	s21 =	sshll.u32 s6, $0x1;
	s4 =	sadd.s32 s20, s19  }
0xa2: {  	s22 =	simm.s32 $0x0;
	s5 =	sshll.u32 s5, $0x1;
	s6 =	sadd.s32 s21, s4  }
0xa3: {  	[timem:s22], [sflag:s7] =	dma.local [hbm:s6], s5  }
0xa4: {  	_ =	swait.ge [sflag:s7], s5  }
0xa5: {  	s5 =	ssub.s32 $0x0, s5;
	[sflag:s7] =	ssyncset.done $0x0  }
0xa6: {  	[sflag:s7] =	ssyncadd.s32 s5;
	_ =	sdelay $0x1  }
0xa7: {  	s23 =	simm.s32 $0x1B8B  }
0xa8: {  	_ =	swait.ge [sflag:s23], $0x1  }
0xa9: {  	[sflag:s23] =	ssyncset.done $0x0  }
0xaa: {  	[sflag:s23] =	ssyncadd.s32 $0xFFFFFFFF  }
0xab: {  	s5 =	sld [smem:$0x0]  }
0xac: {  	s6 =	sand.u32 $0xFFFFFFFE, s1  }
0xad: {  	p0 =	sne.s32 s1, s6  }
0xae: {  	s6 =	sshll.u32 @p0 s6, $0xE  }
0xaf: {  	s6 =	sadd.s32 @p0 $0x11B8D, s6;
	s7 =	sshll.u32 @p0 s5, $0x11  }
0xb0: {  	s6 =	sor.u32 @p0 s7, s6  }
0xb1: {  	[sflag:s6] =	ssyncadd.remote.s32 @p0 $0x1;
	_ =	sdelay $0x1  }
0xb2: {  	s6 =	simm.s32 @p0 $0x1B8D  }
0xb3: {  	_ =	swait.eq @p0 [sflag:s6], $0x1  }
0xb4: {  	[sflag:s6] =	ssyncadd.s32 @p0 $0xFFFFFFFF  }
0xb5: {  	s7 =	sshll.u32 @!p0 s1, $0xE  }
0xb6: {  	s7 =	sor.u32 @!p0 $0x4000, s7;
	s6 =	simm.s32 @!p0 $0x1B8D  }
0xb7: {  	s5 =	sshll.u32 @!p0 s5, $0x11;
	s7 =	sadd.s32 @!p0 $0x11B8D, s7;
	_ =	swait.eq @!p0 [sflag:s6], $0x1  }
0xb8: {  	s5 =	sor.u32 @!p0 s5, s7;
	[sflag:s6] =	ssyncadd.s32 @!p0 $0xFFFFFFFF  }
0xb9: {  	s25 =	simm.s32 $0x1B8E;
	s24 =	sld [smem:$0x3FFE];
	[sflag:s5] =	ssyncadd.remote.s32 @!p0 $0x1  }
0xba: {  	s26 =	simm.s32 $execute0_lowered;
	[smem:$0x3FD2] =	sst s25  }
0xbb: {  	s6 =	sshll.u32 s26, $0x1;
	_ =	strace $0x8000004C;
	[dreg:$0x1] =	wrdreg $0xFFFFFFFF  }
0xbc: {  	s28 =	simm.s32 $_size_execute0_lowered;
	s4 =	sadd.s32 s4, s6;
	[dreg:$0x0] =	wrdreg $0x0  }
0xbd: {  	s6 =	sshll.u32 s28, $0x1;
	[dreg:$0x2] =	wrdreg s4  }
0xbe: {  	[dreg:$0x3] =	wrdreg s6  }
0xbf: {  	[dreg:$0x4] =	wrdreg $0xC0  }
0xc0: {  	_ =	task [dreg:s22], $0x5FFFF  }
0xc1: {  	[dreg:$0x1] =	wrdreg $0xFFFFFFFF  }
0xc2: {  	[dreg:$0x0] =	wrdreg $0x60  }
0xc3: {  	[dreg:$0x2] =	wrdreg s24  }
0xc4: {  	[dreg:$0x3] =	wrdreg s17  }
0xc5: {  	[dreg:$0x4] =	wrdreg $0x108000  }
0xc6: {  	[dreg:$0x5] =	wrdreg $0xA  }
0xc7: {  	_ =	task.clear_ibuf [dreg:s22], $0x6FFFF;
	_ =	strace $0x9000004C  }
0xc8: {  	s29 =	simm.s32 $0xA;
	_ =	strace $0x8000004E  }
0xc9: {  	_ =	swait.ge [sflag:s29], $0x1  }
0xca: {  	[sflag:s29] =	ssyncadd.s32 $0xFFFFFFFF  }
0xcb: {  	_ =	strace $0x9000004E  }
0xcc: {  	_ =	sfence  }
0xcd: {  	s30 =	sld [smem:$0x0];
	_ =	sdelay $0x2  }
0xce: {  	s31 =	sshll.u32 s1, $0xD;
	s1 =	sshrl.u32 s1, $0x2  }
0xcf: {  	s4 =	sand.u32 $0x4000, s31;
	s1 =	sadd.s32 s1, s30  }
0xd0: {  	s0 =	sor.u32 s4, s0;
	s1 =	sshll.u32 s1, $0x11  }
0xd1: {  	s0 =	sor.u32 s1, s0  }
0xd2: {  	s0 =	sadd.s32 $0x8F2B, s0  }
0xd3: {  	[sflag:s0] =	ssyncadd.remote.s32 $0x1  }
0xd4: {  	_ =	sfence.sel $0xFFFF  }
0xd5: {  	[dreg:$0x0] =	wrdreg $0xFFFFFFFF;
	(pc) =	sbr.abs _section_cstart, $3  }
0xd6: {  	[dreg:$0x1] =	wrdreg $0xFFFFFFFF  }
0xd7: {  	_ =	task.clear_ibuf [dreg:s22], $0x2FFFF;
	_ =	strace $0x9FFFFFFF  }
0xd8: {  	(tm) =	ssettm $0x7FFFFFFF  }
0xd9: {  	_ =	shalt  }
tec
execute0_lowered:
.L_overlay_start_1:
0x0: {  	(tag) =	ssettag $0x1  }
0x1: {  	s4 =	rddreg [dreg:$0x0]  }
0x2: {  	s1 =	rddreg [dreg:$0x1]  }
0x3: {  	s2 =	rddreg [dreg:$0x2];
	s3 =	srdreg.scid  }
0x4: {  	s0 =	rddreg [dreg:$0x3];
	s8 =	stileid.u32  }
0x5: {  	s11 =	simm.s32 $0x400;
	s12 =	simm.s32 $0x80;
	s13 =	simm.s32 $0x800  }
0x6: {  	s14 =	simm.s32 $0x4800;
	s15 =	simm.s32 $0x8800;
	s16 =	simm.s32 $0xC800  }
0x7: {  	s17 =	simm.s32 $0x1;
	s18 =	simm.s32 $0x2;
	s19 =	simm.s32 $0x0  }
0x8: {  	s5 =	sand.u32 $0x1, s3;
	s3 =	simm.s32 $0x0;
	s6 =	sshll.u32 s8, $0xB  }
0x9: {  	s9 =	sshll.u32 s8, $0xF;
	p0 =	sne.s32 s8, $0x0;
	s7 =	sshll.u32 s5, $0xA  }
0xa: {  	[smem:$0x7FF] =	sst s3;
	s30 =	ssub.s32 $0x2, s5;
	s9 =	sadd.s32 s9, s4  }
0xb: {  	s31 =	sshll.u32 s5, $0xE;
	s6 =	sor.u32 s7, s6;
	_ =	strace $0x8000004D  }
0xc: {  	s10 =	sshrl.u32 s30, $0x1;
	s9 =	sadd.s32 s31, s9;
	s6 =	sshrl.u32 s6, $0x3  }
0xd: {  	s7 =	ssub.s32 s30, s10;
	s8 =	sadd.s32 $0xD8A00, s9;
	s6 =	sadd.s32 s6, s4  }
0xe: {  	s10 =	simm.s32 $0x3;
	s4 =	sadd.s32 $0x4000, s6;
	s5 =	sadd.s32 $0x5000, s6  }
0xf: {  	s6 =	smax.u32 s7, $0x1;
	s7 =	sadd.s32 $0x58A00, s9;
	s9 =	sshrl.u32 @!p0 s2, $0x3  }
.LBB2_1:
0x10: {  	s20 =	simm.s32 @!p0 $0x1C03  }
0x11: {  	[spmem:s9], [sflag:s20] =	dma.local @!p0 [hbm:s1], $0x4000  }
0x12: {  	s20 =	simm.s32 @!p0 $0x3  }
0x13: {  	_ =	swait.ge @!p0 [sflag:s20], $0x4000  }
0x14: {  	[sflag:s20] =	ssyncset.done @!p0 $0x0  }
0x15: {  	[sflag:s20] =	ssyncadd.s32 @!p0 $0xFFFFC000  }
0x16: {  	[tilespmem:s3], [sflag:$0x3] =	stream.linear.gather [hbm4b:s4+s3], $0x400, $0x38;
	[tilespmem:$0x12800] =	vst v63  }
0x17: {  	_ =	swait.ge [sflag:s10], $0x400  }
0x18: {  	[sflag:s10] =	ssyncset.done $0x0  }
0x19: {  	[sflag:s10] =	ssyncadd.s32 $0xFFFFFC00  }
0x1a: {  	[tilespmem:s11], [sflag:$0x3] =	stream.linear.gather [hbm4b:s5+s3], $0x400, $0x38;
	[tilespmem:$0x12800] =	vst v63  }
0x1b: {  	_ =	swait.ge [sflag:s10], $0x400  }
0x1c: {  	[sflag:s10] =	ssyncset.done $0x0  }
0x1d: {  	[sflag:s10] =	ssyncadd.s32 $0xFFFFFC00  }
0x1e: {  	s26 =	simm.s32 $0x400;
	[bflag:$0x0] =	sbarrier.arrive $0xFFFF  }
0x1f: {  	[tilespmem:s13], [sflag:$0x1] =	stream.indirect.gather [spmem:s2], $0x80, s26, s12, $0xb8;
	[tilespmem:$0x12800] =	vst v63  }
0x20: {  	s28 =	simm.s32 $0x0  }
0x21: {  	[tilespmem:s14], [sflag:$0x1] =	stream.indirect.gather [spmem:s2], $0x80, s28, s12, $0xb8;
	[tilespmem:$0x12800] =	vst v63  }
0x22: {  	s29 =	simm.s32 $0x480  }
0x23: {  	[tilespmem:s15], [sflag:$0x1] =	stream.indirect.gather [spmem:s2], $0x80, s29, s12, $0xb8;
	[tilespmem:$0x12800] =	vst v63  }
0x24: {  	_ = 	snop  }
0x25: {  	[tilespmem:s16], [sflag:$0x1] =	stream.indirect.gather [spmem:s2], $0x80, s12, s12, $0xb8;
	[tilespmem:$0x12800] =	vst v63  }
0x26: {  	_ =	swait.ge [sflag:s17], $0x4000  }
0x27: {  	[sflag:s17] =	ssyncset.done $0x0  }
0x28: {  	[sflag:s17] =	ssyncadd.s32 $0xFFFFC000  }
0x29: {  	_ =	swait.ge [sflag:s17], $0x4000  }
0x2a: {  	[sflag:s17] =	ssyncset.done $0x0  }
0x2b: {  	[sflag:s17] =	ssyncadd.s32 $0xFFFFC000  }
0x2c: {  	_ =	swait.ge [sflag:s17], $0x4000  }
0x2d: {  	[sflag:s17] =	ssyncset.done $0x0  }
0x2e: {  	[sflag:s17] =	ssyncadd.s32 $0xFFFFC000  }
0x2f: {  	_ =	swait.ge [sflag:s17], $0x4000  }
0x30: {  	[sflag:s17] =	ssyncset.done $0x0  }
0x31: {  	s30 =	sadd.s32 $0x0, s7;
	[sflag:s17] =	ssyncadd.s32 $0xFFFFC000  }
0x32: {  	[hbm4b:s30+s3] =	stream.linear.scatter [tilespmem:s13], [sflag:$0x2], $0x4000, $0x38;
	[tilespmem:$0x12800] =	vst v63  }
0x33: {  	s21 =	sadd.s32 $0x0, s8  }
0x34: {  	[hbm4b:s21+s3] =	stream.linear.scatter [tilespmem:s14], [sflag:$0x2], $0x4000, $0x38;
	[tilespmem:$0x12800] =	vst v63  }
0x35: {  	s20 =	sadd.s32 $0x800, s30  }
0x36: {  	[hbm4b:s20+s3] =	stream.linear.scatter [tilespmem:s15], [sflag:$0x2], $0x4000, $0x38;
	[tilespmem:$0x12800] =	vst v63  }
0x37: {  	s31 =	sadd.s32 $0x800, s21  }
0x38: {  	[hbm4b:s31+s3] =	stream.linear.scatter [tilespmem:s16], [sflag:$0x2], $0x4000, $0x38;
	[tilespmem:$0x12800] =	vst v63  }
0x39: {  	_ =	swait.ge [sflag:s18], $0x4000  }
0x3a: {  	[sflag:s18] =	ssyncset.done $0x0  }
0x3b: {  	[sflag:s18] =	ssyncadd.s32 $0xFFFFC000  }
0x3c: {  	_ =	swait.ge [sflag:s18], $0x4000  }
0x3d: {  	[sflag:s18] =	ssyncset.done $0x0  }
0x3e: {  	[sflag:s18] =	ssyncadd.s32 $0xFFFFC000  }
0x3f: {  	_ =	swait.ge [sflag:s18], $0x4000  }
0x40: {  	[sflag:s18] =	ssyncset.done $0x0  }
0x41: {  	[sflag:s18] =	ssyncadd.s32 $0xFFFFC000  }
0x42: {  	s22 =	simm.s32 $0x2000;
	s23 =	simm.s32 $0x80;
	_ =	swait.ge [sflag:s18], $0x4000  }
0x43: {  	s21 =	simm.s32 $0x580;
	s20 =	simm.s32 $0x1000;
	[sflag:s18] =	ssyncset.done $0x0  }
.LBB2_2:
0x44: {  	s24 =	sadd.s32 $0xFFFFFF80, s21  }
0x45: {  	[sflag:s18] =	ssyncadd.s32 $0xFFFFC000;
	s23 =	sadd.s32 $0x100, s23;
	s25 =	smov.u32 s22  }
0x46: {  	[tilespmem:s13], [sflag:$0x1] =	stream.indirect.gather [spmem:s2], $0x80, s24, s12, $0xb8;
	[tilespmem:$0x12800] =	vst v63  }
0x47: {  	p1 =	sne.s32 s22, $0x3000;
	s22 =	sadd.s32 $0x1000, s22;
	s24 =	sadd.s32 $0xFFFFFF80, s23  }
0x48: {  	[tilespmem:s14], [sflag:$0x1] =	stream.indirect.gather [spmem:s2], $0x80, s24, s12, $0xb8;
	[tilespmem:$0x12800] =	vst v63  }
0x49: {  	_ = 	snop  }
0x4a: {  	[tilespmem:s15], [sflag:$0x1] =	stream.indirect.gather [spmem:s2], $0x80, s21, s12, $0xb8;
	[tilespmem:$0x12800] =	vst v63  }
0x4b: {  	_ = 	snop  }
0x4c: {  	[tilespmem:s16], [sflag:$0x1] =	stream.indirect.gather [spmem:s2], $0x80, s23, s12, $0xb8;
	[tilespmem:$0x12800] =	vst v63  }
0x4d: {  	_ =	swait.ge [sflag:s17], $0x4000  }
0x4e: {  	[sflag:s17] =	ssyncset.done $0x0  }
0x4f: {  	[sflag:s17] =	ssyncadd.s32 $0xFFFFC000  }
0x50: {  	_ =	swait.ge [sflag:s17], $0x4000  }
0x51: {  	[sflag:s17] =	ssyncset.done $0x0  }
0x52: {  	[sflag:s17] =	ssyncadd.s32 $0xFFFFC000  }
0x53: {  	_ =	swait.ge [sflag:s17], $0x4000  }
0x54: {  	[sflag:s17] =	ssyncset.done $0x0  }
0x55: {  	[sflag:s17] =	ssyncadd.s32 $0xFFFFC000  }
0x56: {  	_ =	swait.ge [sflag:s17], $0x4000  }
0x57: {  	[sflag:s17] =	ssyncset.done $0x0  }
0x58: {  	s24 =	sadd.s32 s20, s7;
	[sflag:s17] =	ssyncadd.s32 $0xFFFFC000  }
0x59: {  	[hbm4b:s24+s3] =	stream.linear.scatter [tilespmem:s13], [sflag:$0x2], $0x4000, $0x38;
	[tilespmem:$0x12800] =	vst v63  }
0x5a: {  	s26 =	sadd.s32 s20, s8;
	s20 =	smov.u32 s25  }
0x5b: {  	[hbm4b:s26+s3] =	stream.linear.scatter [tilespmem:s14], [sflag:$0x2], $0x4000, $0x38;
	[tilespmem:$0x12800] =	vst v63  }
0x5c: {  	s24 =	sadd.s32 $0x800, s24  }
0x5d: {  	[hbm4b:s24+s3] =	stream.linear.scatter [tilespmem:s15], [sflag:$0x2], $0x4000, $0x38;
	[tilespmem:$0x12800] =	vst v63  }
0x5e: {  	s24 =	sadd.s32 $0x800, s26  }
0x5f: {  	[hbm4b:s24+s3] =	stream.linear.scatter [tilespmem:s16], [sflag:$0x2], $0x4000, $0x38;
	[tilespmem:$0x12800] =	vst v63  }
0x60: {  	_ =	swait.ge [sflag:s18], $0x4000  }
0x61: {  	[sflag:s18] =	ssyncset.done $0x0  }
0x62: {  	[sflag:s18] =	ssyncadd.s32 $0xFFFFC000  }
0x63: {  	_ =	swait.ge [sflag:s18], $0x4000  }
0x64: {  	[sflag:s18] =	ssyncset.done $0x0  }
0x65: {  	[sflag:s18] =	ssyncadd.s32 $0xFFFFC000  }
.Ltmp0:
0x66: {  	_ =	swait.ge [sflag:s18], $0x4000;
	(pc) =	sbr.rel @p1 .LBB2_2-.Ltmp0, $4  }
0x67: {  	[sflag:s18] =	ssyncset.done $0x0  }
0x68: {  	[sflag:s18] =	ssyncadd.s32 $0xFFFFC000  }
0x69: {  	_ =	swait.ge [sflag:s18], $0x4000  }
0x6a: {  	s21 =	sadd.s32 $0x100, s21;
	[sflag:s18] =	ssyncset.done $0x0  }
0x6b: {  	s22 =	sadd.s32 $0xFFFFFF80, s21;
	[sflag:s18] =	ssyncadd.s32 $0xFFFFC000;
	s23 =	sadd.s32 $0x100, s23  }
0x6c: {  	[tilespmem:s13], [sflag:$0x1] =	stream.indirect.gather [spmem:s2], $0x80, s22, s12, $0xb8;
	[tilespmem:$0x12800] =	vst v63  }
0x6d: {  	s29 =	sadd.s32 $0xFFFFFF80, s23  }
0x6e: {  	[tilespmem:s14], [sflag:$0x1] =	stream.indirect.gather [spmem:s2], $0x80, s29, s12, $0xb8;
	[tilespmem:$0x12800] =	vst v63  }
0x6f: {  	_ = 	snop  }
0x70: {  	[tilespmem:s15], [sflag:$0x1] =	stream.indirect.gather [spmem:s2], $0x80, s21, s12, $0xb8;
	[tilespmem:$0x12800] =	vst v63  }
0x71: {  	_ = 	snop  }
0x72: {  	[tilespmem:s16], [sflag:$0x1] =	stream.indirect.gather [spmem:s2], $0x80, s23, s12, $0xb8;
	[tilespmem:$0x12800] =	vst v63  }
0x73: {  	_ =	swait.ge [sflag:s17], $0x4000  }
0x74: {  	[sflag:s17] =	ssyncset.done $0x0  }
0x75: {  	[sflag:s17] =	ssyncadd.s32 $0xFFFFC000  }
0x76: {  	_ =	swait.ge [sflag:s17], $0x4000  }
0x77: {  	[sflag:s17] =	ssyncset.done $0x0  }
0x78: {  	[sflag:s17] =	ssyncadd.s32 $0xFFFFC000  }
0x79: {  	_ =	swait.ge [sflag:s17], $0x4000  }
0x7a: {  	[sflag:s17] =	ssyncset.done $0x0  }
0x7b: {  	[sflag:s17] =	ssyncadd.s32 $0xFFFFC000  }
0x7c: {  	_ =	swait.ge [sflag:s17], $0x4000  }
0x7d: {  	[sflag:s17] =	ssyncset.done $0x0  }
0x7e: {  	s30 =	sadd.s32 s20, s7;
	[sflag:s17] =	ssyncadd.s32 $0xFFFFC000  }
0x7f: {  	[hbm4b:s30+s3] =	stream.linear.scatter [tilespmem:s13], [sflag:$0x2], $0x4000, $0x38;
	[tilespmem:$0x12800] =	vst v63  }
0x80: {  	s31 =	sadd.s32 s20, s8  }
0x81: {  	[hbm4b:s31+s3] =	stream.linear.scatter [tilespmem:s14], [sflag:$0x2], $0x4000, $0x38;
	[tilespmem:$0x12800] =	vst v63  }
0x82: {  	s21 =	sadd.s32 $0x800, s30  }
0x83: {  	[hbm4b:s21+s3] =	stream.linear.scatter [tilespmem:s15], [sflag:$0x2], $0x4000, $0x38;
	[tilespmem:$0x12800] =	vst v63  }
0x84: {  	s20 =	sadd.s32 $0x800, s31  }
0x85: {  	[hbm4b:s20+s3] =	stream.linear.scatter [tilespmem:s16], [sflag:$0x2], $0x4000, $0x38;
	[tilespmem:$0x12800] =	vst v63  }
0x86: {  	_ =	swait.ge [sflag:s18], $0x4000  }
0x87: {  	[sflag:s18] =	ssyncset.done $0x0  }
0x88: {  	[sflag:s18] =	ssyncadd.s32 $0xFFFFC000  }
0x89: {  	_ =	swait.ge [sflag:s18], $0x4000  }
0x8a: {  	[sflag:s18] =	ssyncset.done $0x0  }
0x8b: {  	s19 =	sadd.s32 $0x1, s19;
	[sflag:s18] =	ssyncadd.s32 $0xFFFFC000  }
0x8c: {  	p1 =	sne.s32 s19, s6;
	_ =	swait.ge [sflag:s18], $0x4000  }
.Ltmp1:
0x8d: {  	[sflag:s18] =	ssyncset.done $0x0;
	(pc) =	sbr.rel @p1 .LBB2_1-.Ltmp1, $4  }
0x8e: {  	[sflag:s18] =	ssyncadd.s32 $0xFFFFC000  }
0x8f: {  	_ =	swait.ge [sflag:s18], $0x4000  }
0x90: {  	[sflag:s18] =	ssyncset.done $0x0  }
0x91: {  	[sflag:s18] =	ssyncadd.s32 $0xFFFFC000  }
0x92: {  	_ =	sfence.sel $0x180000  }
0x93: {  	[bflag:$0x0] =	sbarrier.arrive $0xFFFF  }
0x94: {  	_ =	strace $0x9000004D  }
0x95: {  	s0 =	sadd.s32 @!p0 $0x100000, s0;
	[bflag:$0x2] =	sbarrier.arrive $0xFFFF  }
0x96: {  	[sflag:s0] =	ssyncadd.tile.s32 @!p0 $0x1;
	_ =	shalt  }
.Lfunc_end2:
_tile_overlayer_lowered:
.L_overlay_start_2:
0x97: {  	(tag) =	ssettag $0x2  }
0x98: {  	s0 =	rddreg [dreg:$0x0];
	s2 =	stileid.u32  }
0x99: {  	s1 =	rddreg [dreg:$0x1];
	p0 =	sne.s32 s2, $0x0  }
0x9a: {  	s3 =	rddreg [dreg:$0x2];
	[bflag:$0x3] =	sbarrier.arrive $0xFFFF;
	s2 =	simm.s32 @!p0 $0x1C03  }
0x9b: {  	[timem:s3], [sflag:s2] =	dma.local @!p0 [hbm:s0], s1  }
0x9c: {  	s0 =	simm.s32 @!p0 $0x3  }
0x9d: {  	_ =	swait.ge @!p0 [sflag:s0], s1  }
0x9e: {  	s1 =	ssub.s32 @!p0 $0x0, s1;
	[sflag:s0] =	ssyncset.done @!p0 $0x0  }
0x9f: {  	[sflag:s0] =	ssyncadd.s32 @!p0 s1  }
0xa0: {  	[bflag:$0x3] =	sbarrier.arrive $0xFFFF  }
0xa1: {  	_ =	shalt  }

// kernel: kernel.7.cloned.1.call-start
scs
__scs_entry_jumppad:
0x0: {  	(pc) =	sbr.rel $0x88, $3  }
0x1: {  	(tag) =	ssettag $0x0;
	lr =	simm.s32 $0x1  }
0x2: {  	[smem:$0x3F90] =	sst lr;
	_ =	strace $0xD0000000  }
0x3: {  	_ = 	snop  }
0x4: {  	_ = 	snop  }
0x5: {  	_ = 	snop  }
0x6: {  	_ = 	snop  }
0x7: {  	_ = 	snop  }
__scs_overlays_trampoline_lowered:
0x8: {  	[smem:$0x3F9F] =	sst s0  }
0x9: {  	[smem:$0x3FA0] =	sst s1  }
0xa: {  	[smem:$0x3FA1] =	sst s2  }
0xb: {  	[smem:$0x3FA2] =	sst s3  }
0xc: {  	[smem:$0x3FA3] =	sst s4  }
0xd: {  	[smem:$0x3FA4] =	sst s5  }
0xe: {  	[smem:$0x3FA5] =	sst s6  }
0xf: {  	[smem:$0x3FA6] =	sst s7  }
0x10: {  	[smem:$0x3FA7] =	sst s8  }
0x11: {  	[smem:$0x3FA8] =	sst s9;
	s0 =	simm.s32 @!p0 $0x0  }
0x12: {  	s1 =	sld [smem:$0x3F8E];
	s0 =	simm.s32 @p0 $0x1  }
0x13: {  	[smem:$0x3FA9] =	sst s0;
	s0 =	simm.s32 @!p1 $0x0  }
0x14: {  	s2 =	sld [smem:$0x3F8D];
	s0 =	simm.s32 @p1 $0x1  }
0x15: {  	[smem:$0x3FAA] =	sst s0;
	s0 =	simm.s32 @!p2 $0x0  }
0x16: {  	s3 =	sld [smem:$0x3FDB];
	s0 =	simm.s32 @p2 $0x1  }
0x17: {  	s4 =	simm.s32 $0x1BF5;
	[smem:$0x3FAC] =	sst s0  }
0x18: {  	s0 =	sld [smem:$0x3F8F];
	_ =	swait.ge [sflag:s4], $0x0  }
0x19: {  	s7 =	sld [smem:$0x3F90]  }
0x1a: {  	s8 =	sadd.s32 $0xFFFFE003, lr  }
0x1b: {  	s9 =	sadd.s32 $0xFFFFFEF7, lr;
	s5 =	simm.s32 $0xFFFFFFFF;
	p2 =	slt.u32 s8, $0xFFFFF086  }
0x1c: {  	p1 =	slt.u32 s9, $0xF7A;
	s5 =	simm.s32 @!p2 $0x0  }
0x1d: {  	s5 =	simm.s32 @p1 $0x1;
	p0 =	seq.s32 s7, s2  }
0x1e: {  	s7 =	smul.u32 @!p0 $0xF7A, s2;
	p2 =	seq.s32 @!p0 s5, $0x0  }
0x1f: {  	s9 =	smul.u32 $0xF7A, s1;
	s8 =	simm.s32 @!p0 $0x1BF5;
	p2 =	por !p2, p0  }
0x20: {  	[sflag:s8] =	ssyncset.s32 @!p0 $0xFFFFF086;
	s6 =	sadd.s32 @!p0 s3, s7;
	s7 =	simm.s32 @!p0 $0x108  }
0x21: {  	s3 =	sadd.s32 s3, s9;
	s6 =	sadd.s32 @!p0 $0x88, s6;
	s7 =	simm.s32 @p2 $0x1082  }
0x22: {  	[simem:s7], [sflag:s8] =	dma.local @!p0 [hbm:s6], $0xF7A  }
0x23: {  	s9 =	sor.u32 $0xD0000000, s2;
	s6 =	simm.s32 $0x108;
	_ =	swait.ge @!p0 [sflag:s8], $0x0  }
0x24: {  	s3 =	sadd.s32 $0x88, s3;
	s6 =	simm.s32 @!p1 $0x1082;
	[sflag:s4] =	ssyncset.s32 $0xFFFFF086  }
0x25: {  	[simem:s6], [sflag:s4] =	dma.local [hbm:s3], $0xF7A  }
0x26: {  	[smem:$0x3F90] =	sst s1;
	(tag) =	ssettag s2;
	_ =	strace s9  }
0x27: {  	s1 =	sld [smem:$0x3FA0]  }
0x28: {  	s2 =	sld [smem:$0x3FA1]  }
0x29: {  	s4 =	sld [smem:$0x3FA3]  }
0x2a: {  	p0 =	seq.s32 s5, $0x0;
	s5 =	sld [smem:$0x3FA4]  }
0x2b: {  	s6 =	sld [smem:$0x3FA5]  }
0x2c: {  	s7 =	sld [smem:$0x3FA6]  }
0x2d: {  	s3 =	simm.s32 $0x108;
	s8 =	sld [smem:$0x3FA7]  }
0x2e: {  	s3 =	simm.s32 @!p0 $0x1082;
	s9 =	sld [smem:$0x3FA8]  }
0x2f: {  	lr =	sadd.s32 s0, s3;
	s0 =	sld [smem:$0x3F9F]  }
0x30: {  	s3 =	sld [smem:$0x3FA2]  }
0x31: {  	[smem:$0x3FAB] =	sst s10  }
0x32: {  	s10 =	sld [smem:$0x3FA9];
	_ =	sdelay $0x3  }
0x33: {  	p0 =	seq.s32 s10, $0x1;
	s10 =	sld [smem:$0x3FAB];
	_ =	sdelay $0x3  }
0x34: {  	[smem:$0x3FAB] =	sst s10  }
0x35: {  	s10 =	sld [smem:$0x3FAA];
	_ =	sdelay $0x3  }
0x36: {  	p1 =	seq.s32 s10, $0x1;
	s10 =	sld [smem:$0x3FAB];
	_ =	sdelay $0x3  }
0x37: {  	[smem:$0x3FAB] =	sst s10  }
0x38: {  	s10 =	sld [smem:$0x3FAC]  }
0x39: {  	_ = 	snop;
	(pc) =	sbr.ind lr, $3  }
0x3a: {  	_ = 	snop  }
0x3b: {  	_ = 	snop  }
0x3c: {  	p2 =	seq.s32 s10, $0x1;
	s10 =	sld [smem:$0x3FAB]  }
0x3d: {  	_ =	shalt  }
0x3e: {  	_ =	shalt  }
0x3f: {  	_ =	shalt  }
0x40: {  	_ =	shalt  }
0x41: {  	_ =	shalt  }
0x42: {  	_ =	shalt  }
0x43: {  	_ =	shalt  }
0x44: {  	_ =	shalt  }
0x45: {  	_ =	shalt  }
0x46: {  	_ =	shalt  }
0x47: {  	_ =	shalt  }
0x48: {  	_ =	shalt  }
0x49: {  	_ =	shalt  }
0x4a: {  	_ =	shalt  }
0x4b: {  	_ =	shalt  }
0x4c: {  	_ =	shalt  }
0x4d: {  	_ =	shalt  }
0x4e: {  	_ =	shalt  }
0x4f: {  	_ =	shalt  }
0x50: {  	_ =	shalt  }
0x51: {  	_ =	shalt  }
0x52: {  	_ =	shalt  }
0x53: {  	_ =	shalt  }
0x54: {  	_ =	shalt  }
0x55: {  	_ =	shalt  }
0x56: {  	_ =	shalt  }
0x57: {  	_ =	shalt  }
0x58: {  	_ =	shalt  }
0x59: {  	_ =	shalt  }
0x5a: {  	_ =	shalt  }
0x5b: {  	_ =	shalt  }
0x5c: {  	_ =	shalt  }
0x5d: {  	_ =	shalt  }
0x5e: {  	_ =	shalt  }
0x5f: {  	_ =	shalt  }
0x60: {  	_ =	shalt  }
0x61: {  	_ =	shalt  }
0x62: {  	_ =	shalt  }
0x63: {  	_ =	shalt  }
0x64: {  	_ =	shalt  }
0x65: {  	_ =	shalt  }
0x66: {  	_ =	shalt  }
0x67: {  	_ =	shalt  }
0x68: {  	_ =	shalt  }
0x69: {  	_ =	shalt  }
0x6a: {  	_ =	shalt  }
0x6b: {  	_ =	shalt  }
0x6c: {  	_ =	shalt  }
0x6d: {  	_ =	shalt  }
0x6e: {  	_ =	shalt  }
0x6f: {  	_ =	shalt  }
0x70: {  	_ =	shalt  }
0x71: {  	_ =	shalt  }
0x72: {  	_ =	shalt  }
0x73: {  	_ =	shalt  }
0x74: {  	_ =	shalt  }
0x75: {  	_ =	shalt  }
0x76: {  	_ =	shalt  }
0x77: {  	_ =	shalt  }
0x78: {  	_ =	shalt  }
0x79: {  	_ =	shalt  }
0x7a: {  	_ =	shalt  }
0x7b: {  	_ =	shalt  }
0x7c: {  	_ =	shalt  }
0x7d: {  	_ =	shalt  }
0x7e: {  	_ =	shalt  }
0x7f: {  	_ =	shalt  }
0x80: {  	_ =	shalt  }
0x81: {  	_ =	shalt  }
0x82: {  	_ =	shalt  }
0x83: {  	_ =	shalt  }
0x84: {  	_ =	shalt  }
0x85: {  	_ =	shalt  }
0x86: {  	_ =	shalt  }
0x87: {  	_ =	shalt  }
.Lfunc_end0:
.L_simem_size_0:
called_computation_lowered:
.L_overlay_start_0:
0x88: {  	s2 =	sld [smem:$0x3FD9]  }
0x89: {  	s3 =	sld [smem:$0x3FFE];
	_ =	sdelay $0x1  }
0x8a: {  	s1 =	srdreg.scid  }
0x8b: {  	s0 =	sand.u32 $0x1, s1  }
0x8c: {  	s14 =	sshll.u32 s0, $0xA;
	s2 =	sadd.s32 s3, s2  }
0x8d: {  	s2 =	sadd.s32 s2, s14  }
0x8e: {  	[smem:$0x3FB7] =	sst s2  }
0x8f: {  	_ = 	snop  }
0x90: {  	s2 =	sld [smem:$0x3FD0];
	_ =	sdelay $0x2  }
0x91: {  	s15 =	simm.s32 $0xB;
	s4 =	simm.s32 $0x10  }
0x92: {  	[smem:s4], [sflag:s15] =	dma.local [hbm:s2], $0x1  }
0x93: {  	_ =	swait.eq [sflag:s15], $0x1  }
0x94: {  	[sflag:s15] =	ssyncset.done $0x0  }
0x95: {  	[sflag:s15] =	ssyncadd.s32 $0xFFFFFFFF  }
0x96: {  	s16 =	sld [smem:$0x12];
	(tm) =	ssettm $0x1  }
0x97: {  	s17 =	sld [smem:$0x3FFB];
	_ =	sdelay $0x3  }
0x98: {  	_ =	strace s17  }
0x99: {  	s3 =	sld [smem:$0x3FFC];
	_ =	sdelay $0x3  }
0x9a: {  	_ =	strace s3  }
0x9b: {  	s3 =	sld [smem:$0x3FFD];
	_ =	sdelay $0x3  }
0x9c: {  	_ =	strace s3  }
0x9d: {  	_ =	strace $0x8FFFFFFF  }
0x9e: {  	s18 =	sld [smem:$0x3FDB];
	_ =	sdelay $0x1  }
0x9f: {  	s19 =	simm.s32 $_scs_section_size  }
0xa0: {  	s5 =	simm.s32 $_size__tile_overlayer_lowered;
	s6 =	simm.s32 $_tile_overlayer_lowered  }
0xa1: {  	s22 =	simm.s32 $0x1BFF;
	s21 =	sshll.u32 s6, $0x1;
	s3 =	sadd.s32 s19, s18  }
0xa2: {  	s7 =	simm.s32 $0x0;
	s20 =	sshll.u32 s5, $0x1;
	s5 =	sadd.s32 s21, s3  }
0xa3: {  	[timem:s7], [sflag:s22] =	dma.local [hbm:s5], s20  }
0xa4: {  	_ =	swait.ge [sflag:s22], s20  }
0xa5: {  	s4 =	ssub.s32 $0x0, s20;
	[sflag:s22] =	ssyncset.done $0x0  }
0xa6: {  	[sflag:s22] =	ssyncadd.s32 s4;
	_ =	sdelay $0x1  }
0xa7: {  	s23 =	simm.s32 $0x1B8B  }
0xa8: {  	_ =	swait.ge [sflag:s23], $0x1  }
0xa9: {  	[sflag:s23] =	ssyncset.done $0x0  }
0xaa: {  	s25 =	simm.s32 $0x1B8E;
	s24 =	sld [smem:$0x3FFE];
	[sflag:s23] =	ssyncadd.s32 $0xFFFFFFFF  }
0xab: {  	s26 =	simm.s32 $execute0_lowered;
	[smem:$0x3FD2] =	sst s25  }
0xac: {  	s5 =	sshll.u32 s26, $0x1;
	_ =	strace $0x80000046;
	[dreg:$0x1] =	wrdreg $0xFFFFFFFF  }
0xad: {  	s28 =	simm.s32 $_size_execute0_lowered;
	s3 =	sadd.s32 s3, s5;
	[dreg:$0x0] =	wrdreg $0x0  }
0xae: {  	s5 =	sshll.u32 s28, $0x1;
	[dreg:$0x2] =	wrdreg s3  }
0xaf: {  	[dreg:$0x3] =	wrdreg s5  }
0xb0: {  	[dreg:$0x4] =	wrdreg $0xC0  }
0xb1: {  	_ =	task [dreg:s7], $0x5FFFF  }
0xb2: {  	[dreg:$0x1] =	wrdreg $0xFFFFFFFF  }
0xb3: {  	[dreg:$0x0] =	wrdreg $0x60  }
0xb4: {  	[dreg:$0x2] =	wrdreg s24  }
0xb5: {  	[dreg:$0x3] =	wrdreg s16  }
0xb6: {  	[dreg:$0x4] =	wrdreg $0x9  }
0xb7: {  	_ =	task.clear_ibuf [dreg:s7], $0x5FFFF;
	_ =	strace $0x90000046  }
0xb8: {  	s29 =	simm.s32 $0x9;
	_ =	strace $0x80000048  }
0xb9: {  	_ =	swait.ge [sflag:s29], $0x1  }
0xba: {  	[sflag:s29] =	ssyncadd.s32 $0xFFFFFFFF  }
0xbb: {  	_ =	strace $0x90000048  }
0xbc: {  	_ =	sfence  }
0xbd: {  	s30 =	sld [smem:$0x0];
	_ =	sdelay $0x2  }
0xbe: {  	s31 =	sshll.u32 s1, $0xD;
	s1 =	sshrl.u32 s1, $0x2  }
0xbf: {  	s3 =	sand.u32 $0x4000, s31;
	s1 =	sadd.s32 s1, s30  }
0xc0: {  	s0 =	sor.u32 s3, s0;
	s1 =	sshll.u32 s1, $0x11  }
0xc1: {  	s0 =	sor.u32 s1, s0  }
0xc2: {  	s0 =	sadd.s32 $0x8F2B, s0  }
0xc3: {  	[sflag:s0] =	ssyncadd.remote.s32 $0x1  }
0xc4: {  	_ =	sfence.sel $0xFFFF  }
0xc5: {  	[dreg:$0x0] =	wrdreg $0xFFFFFFFF;
	(pc) =	sbr.abs _section_cstart, $3  }
0xc6: {  	[dreg:$0x1] =	wrdreg $0xFFFFFFFF  }
0xc7: {  	_ =	task.clear_ibuf [dreg:s7], $0x2FFFF;
	_ =	strace $0x9FFFFFFF  }
0xc8: {  	(tm) =	ssettm $0x7FFFFFFF  }
0xc9: {  	_ =	shalt  }
tec
execute0_lowered:
.L_overlay_start_1:
0x0: {  	(tag) =	ssettag $0x1  }
0x1: {  	s4 =	rddreg [dreg:$0x0]  }
0x2: {  	s2 =	rddreg [dreg:$0x1]  }
0x3: {  	s3 =	srdreg.scid;
	s1 =	stileid.u32  }
0x4: {  	s0 =	rddreg [dreg:$0x2];
	s8 =	simm.s32 $0x8000;
	s9 =	simm.s32 $0x1  }
0x5: {  	s11 =	simm.s32 $0x2;
	s5 =	sand.u32 $0x1, s3;
	s6 =	sshll.u32 s1, $0x1  }
0x6: {  	s12 =	simm.s32 $0x0;
	s3 =	simm.s32 $0x0;
	s10 =	sor.u32 s5, s6  }
0x7: {  	s5 =	ssub.s32 $0x2, s5;
	[smem:$0x7FF] =	sst s3;
	s6 =	sshll.u32 s10, $0xC  }
0x8: {  	s7 =	sshrl.u32 s5, $0x1;
	_ =	strace $0x80000047;
	v0 =	vmov s10;
	s10 =	simm.s32 $0x8800  }
0x9: {  	s6 =	sadd.s32 s6, s4;
	s7 =	ssub.s32 s5, s7;
	s4 =	sadd.s32 $0x7000, s4  }
0xa: {  	v1 =	vlaneseq.u32;
	s5 =	sadd.s32 $0x8000, s6;
	s6 =	smax.u32 s7, $0x1;
	s7 =	simm.s32 $0x3  }
.LBB2_1:
0xb: {  	[tilespmem:s3], [sflag:$0x3] =	stream.linear.gather [hbm4b:s2+s3], $0x8000, $0x38;
	[tilespmem:$0x9000] =	vst v63  }
0xc: {  	_ =	swait.ge [sflag:s7], $0x8000  }
0xd: {  	[sflag:s7] =	ssyncset.done $0x0  }
0xe: {  	s13 =	simm.s32 $0x0;
	s14 =	simm.s32 $0x0;
	[sflag:s7] =	ssyncadd.s32 $0xFFFF8000  }
0xf: {  	[tilespmem:s8], [sflag:$0x1] =	stream.linear.gather [hbm4b:s4+s3], $0x800, $0x38;
	[tilespmem:$0x9000] =	vst v63  }
.LBB2_2:
0x10: {  	s15 =	sshll.u32 s14, $0xC  }
0x11: {  	_ =	swait.ge [sflag:s9], $0x800;
	s16 =	sshrl.u32 s15, $0x3  }
0x12: {  	[sflag:s9] =	ssyncset.done $0x0;
	s16 =	sadd.s32 s16, s4  }
0x13: {  	[sflag:s9] =	ssyncadd.s32 $0xFFFFF800;
	s17 =	sadd.s32 $0x100, s16;
	s16 =	simm.s32 $0x0  }
0x14: {  	[tilespmem:s10], [sflag:$0x2] =	stream.linear.gather [hbm4b:s17+s16], $0x800, $0x38;
	[tilespmem:$0x9000] =	vst v63  }
0x15: {  	s17 =	simm.s32 $0x8040  }
.LBB2_3:
0x16: {  	v2 =	vld [tilespmem:s17+$0xFFFFFFC0];
	_ =	sdelay $0x4  }
0x17: {  	(xrf1) =	vunique.msk.u32 $0xffff, v2;
	_ =	sdelay $0x9  }
0x18: {  	v3 =	vshrl.u32 v2, $0xF;
	_ =	sdelay $0x3  }
0x19: {  	vm0 =	veq.s32 v3, v0;
	_, v3, vm1 =	vpop (xrf1)  }
0x1a: {  	vm0 =	vmand vm0, vm1  }
0x1b: {  	v2 =	vand.u32 $0x7FFF, v2;
	_ =	sdelay $0x2  }
0x1c: {  	s18 =	sadd.s32 s16, s13  }
0x1d: {  	v3 =	vor.u32 s18, v1  }
0x1e: {  	[tilespmem:v2+s3+$0x0] =	vst.idx.msk vm0, v3  }
0x1f: {  	v2 =	vld [tilespmem:s17+$0xFFFFFFD0];
	_ =	sdelay $0x4  }
0x20: {  	(xrf1) =	vunique.msk.u32 $0xffff, v2;
	_ =	sdelay $0x9  }
0x21: {  	v3 =	vshrl.u32 v2, $0xF;
	_ =	sdelay $0x3  }
0x22: {  	vm14 =	veq.s32 v3, v0;
	_, v3, vm15 =	vpop (xrf1)  }
0x23: {  	vm0 =	vmand vm14, vm15  }
0x24: {  	v2 =	vand.u32 $0x7FFF, v2;
	_ =	sdelay $0x2  }
0x25: {  	s19 =	sadd.s32 $0x10, s18  }
0x26: {  	v3 =	vor.u32 s19, v1  }
0x27: {  	[tilespmem:v2+s3+$0x0] =	vst.idx.msk vm0, v3  }
0x28: {  	v2 =	vld [tilespmem:s17+$0xFFFFFFE0];
	_ =	sdelay $0x4  }
0x29: {  	(xrf1) =	vunique.msk.u32 $0xffff, v2;
	_ =	sdelay $0x9  }
0x2a: {  	v3 =	vshrl.u32 v2, $0xF;
	_ =	sdelay $0x3  }
0x2b: {  	vm4 =	veq.s32 v3, v0;
	_, v3, vm5 =	vpop (xrf1)  }
0x2c: {  	vm0 =	vmand vm4, vm5  }
0x2d: {  	v2 =	vand.u32 $0x7FFF, v2;
	_ =	sdelay $0x2  }
0x2e: {  	s26 =	sadd.s32 $0x20, s18  }
0x2f: {  	v3 =	vor.u32 s26, v1  }
0x30: {  	[tilespmem:v2+s3+$0x0] =	vst.idx.msk vm0, v3  }
0x31: {  	v2 =	vld [tilespmem:s17+$0xFFFFFFF0];
	_ =	sdelay $0x4  }
0x32: {  	(xrf1) =	vunique.msk.u32 $0xffff, v2;
	_ =	sdelay $0x9  }
0x33: {  	v3 =	vshrl.u32 v2, $0xF;
	_ =	sdelay $0x3  }
0x34: {  	vm6 =	veq.s32 v3, v0;
	_, v3, vm7 =	vpop (xrf1)  }
0x35: {  	vm0 =	vmand vm6, vm7  }
0x36: {  	v2 =	vand.u32 $0x7FFF, v2;
	_ =	sdelay $0x2  }
0x37: {  	s28 =	sadd.s32 $0x30, s18  }
0x38: {  	v3 =	vor.u32 s28, v1  }
0x39: {  	[tilespmem:v2+s3+$0x0] =	vst.idx.msk vm0, v3  }
0x3a: {  	v2 =	vld [tilespmem:s17+$0x0];
	_ =	sdelay $0x4  }
0x3b: {  	(xrf1) =	vunique.msk.u32 $0xffff, v2;
	_ =	sdelay $0x9  }
0x3c: {  	v3 =	vshrl.u32 v2, $0xF;
	_ =	sdelay $0x3  }
0x3d: {  	vm8 =	veq.s32 v3, v0;
	_, v3, vm9 =	vpop (xrf1)  }
0x3e: {  	vm0 =	vmand vm8, vm9  }
0x3f: {  	v2 =	vand.u32 $0x7FFF, v2;
	_ =	sdelay $0x2  }
0x40: {  	s29 =	sadd.s32 $0x40, s18  }
0x41: {  	v3 =	vor.u32 s29, v1  }
0x42: {  	[tilespmem:v2+s3+$0x0] =	vst.idx.msk vm0, v3  }
0x43: {  	v2 =	vld [tilespmem:s17+$0x10];
	_ =	sdelay $0x4  }
0x44: {  	(xrf1) =	vunique.msk.u32 $0xffff, v2;
	_ =	sdelay $0x9  }
0x45: {  	v3 =	vshrl.u32 v2, $0xF;
	_ =	sdelay $0x3  }
0x46: {  	vm10 =	veq.s32 v3, v0;
	_, v3, vm11 =	vpop (xrf1)  }
0x47: {  	vm0 =	vmand vm10, vm11  }
0x48: {  	v2 =	vand.u32 $0x7FFF, v2;
	_ =	sdelay $0x2  }
0x49: {  	s30 =	sadd.s32 $0x50, s18  }
0x4a: {  	v3 =	vor.u32 s30, v1  }
0x4b: {  	[tilespmem:v2+s3+$0x0] =	vst.idx.msk vm0, v3  }
0x4c: {  	v2 =	vld [tilespmem:s17+$0x20];
	_ =	sdelay $0x4  }
0x4d: {  	(xrf1) =	vunique.msk.u32 $0xffff, v2;
	_ =	sdelay $0x9  }
0x4e: {  	v3 =	vshrl.u32 v2, $0xF;
	_ =	sdelay $0x3  }
0x4f: {  	vm12 =	veq.s32 v3, v0;
	_, v3, vm13 =	vpop (xrf1)  }
0x50: {  	vm0 =	vmand vm12, vm13  }
0x51: {  	v2 =	vand.u32 $0x7FFF, v2;
	_ =	sdelay $0x2  }
0x52: {  	s31 =	sadd.s32 $0x60, s18  }
0x53: {  	v3 =	vor.u32 s31, v1  }
0x54: {  	[tilespmem:v2+s3+$0x0] =	vst.idx.msk vm0, v3  }
0x55: {  	v2 =	vld [tilespmem:s17+$0x30];
	_ =	sdelay $0x4  }
0x56: {  	(xrf1) =	vunique.msk.u32 $0xffff, v2;
	_ =	sdelay $0x9  }
0x57: {  	v3 =	vshrl.u32 v2, $0xF;
	_ =	sdelay $0x3  }
0x58: {  	vm14 =	veq.s32 v3, v0;
	_, v3, vm15 =	vpop (xrf1)  }
0x59: {  	vm0 =	vmand vm14, vm15  }
0x5a: {  	p0 =	sne.s32 s16, $0x780;
	v2 =	vand.u32 $0x7FFF, v2  }
.Ltmp0:
0x5b: {  	_ = 	snop;
	(pc) =	sbr.rel @p0 .LBB2_3-.Ltmp0, $4  }
0x5c: {  	_ = 	snop  }
0x5d: {  	s18 =	sadd.s32 $0x70, s18  }
0x5e: {  	v3 =	vor.u32 s18, v1  }
0x5f: {  	s16 =	sadd.s32 $0x80, s16;
	s17 =	sadd.s32 $0x80, s17;
	[tilespmem:v2+s3+$0x0] =	vst.idx.msk vm0, v3  }
0x60: {  	p0 =	seq.s32 s14, $0x7  }
0x61: {  	_ =	swait.ge [sflag:s11], $0x800;
	s15 =	sshrl.u32 @!p0 s15, $0x3  }
0x62: {  	[sflag:s11] =	ssyncset.done $0x0;
	s16 =	simm.s32 @!p0 $0x0;
	s15 =	sadd.s32 @!p0 s4, s15  }
0x63: {  	s17 =	simm.s32 @!p0 $0x8000;
	[sflag:s11] =	ssyncadd.s32 $0xFFFFF800;
	s15 =	sadd.s32 @!p0 $0x200, s15  }
0x64: {  	[tilespmem:s17], [sflag:$0x1] =	stream.linear.gather @!p0 [hbm4b:s15+s16], $0x800, $0x38;
	[tilespmem:$0x9000] =	vst v63  }
0x65: {  	s15 =	simm.s32 $0x0;
	s16 =	simm.s32 $0x8840  }
.LBB2_5:
0x66: {  	v2 =	vld [tilespmem:s16+$0xFFFFFFC0];
	_ =	sdelay $0x4  }
0x67: {  	(xrf1) =	vunique.msk.u32 $0xffff, v2;
	_ =	sdelay $0x9  }
0x68: {  	v3 =	vshrl.u32 v2, $0xF;
	_ =	sdelay $0x3  }
0x69: {  	vm0 =	veq.s32 v3, v0;
	_, v3, vm1 =	vpop (xrf1)  }
0x6a: {  	vm0 =	vmand vm0, vm1  }
0x6b: {  	v2 =	vand.u32 $0x7FFF, v2;
	_ =	sdelay $0x1  }
0x6c: {  	s17 =	sadd.s32 s15, s13  }
0x6d: {  	s18 =	sadd.s32 $0x800, s17  }
0x6e: {  	v3 =	vor.u32 s18, v1  }
0x6f: {  	[tilespmem:v2+s3+$0x0] =	vst.idx.msk vm0, v3  }
0x70: {  	v2 =	vld [tilespmem:s16+$0xFFFFFFD0];
	_ =	sdelay $0x4  }
0x71: {  	(xrf1) =	vunique.msk.u32 $0xffff, v2;
	_ =	sdelay $0x9  }
0x72: {  	v3 =	vshrl.u32 v2, $0xF;
	_ =	sdelay $0x3  }
0x73: {  	vm14 =	veq.s32 v3, v0;
	_, v3, vm15 =	vpop (xrf1)  }
0x74: {  	vm0 =	vmand vm14, vm15  }
0x75: {  	v2 =	vand.u32 $0x7FFF, v2;
	_ =	sdelay $0x2  }
0x76: {  	s25 =	sadd.s32 $0x810, s17  }
0x77: {  	v3 =	vor.u32 s25, v1  }
0x78: {  	[tilespmem:v2+s3+$0x0] =	vst.idx.msk vm0, v3  }
0x79: {  	v2 =	vld [tilespmem:s16+$0xFFFFFFE0];
	_ =	sdelay $0x4  }
0x7a: {  	(xrf1) =	vunique.msk.u32 $0xffff, v2;
	_ =	sdelay $0x9  }
0x7b: {  	v3 =	vshrl.u32 v2, $0xF;
	_ =	sdelay $0x3  }
0x7c: {  	vm4 =	veq.s32 v3, v0;
	_, v3, vm5 =	vpop (xrf1)  }
0x7d: {  	vm0 =	vmand vm4, vm5  }
0x7e: {  	v2 =	vand.u32 $0x7FFF, v2;
	_ =	sdelay $0x2  }
0x7f: {  	s26 =	sadd.s32 $0x820, s17  }
0x80: {  	v3 =	vor.u32 s26, v1  }
0x81: {  	[tilespmem:v2+s3+$0x0] =	vst.idx.msk vm0, v3  }
0x82: {  	v2 =	vld [tilespmem:s16+$0xFFFFFFF0];
	_ =	sdelay $0x4  }
0x83: {  	(xrf1) =	vunique.msk.u32 $0xffff, v2;
	_ =	sdelay $0x9  }
0x84: {  	v3 =	vshrl.u32 v2, $0xF;
	_ =	sdelay $0x3  }
0x85: {  	vm6 =	veq.s32 v3, v0;
	_, v3, vm7 =	vpop (xrf1)  }
0x86: {  	vm0 =	vmand vm6, vm7  }
0x87: {  	v2 =	vand.u32 $0x7FFF, v2;
	_ =	sdelay $0x2  }
0x88: {  	s28 =	sadd.s32 $0x830, s17  }
0x89: {  	v3 =	vor.u32 s28, v1  }
0x8a: {  	[tilespmem:v2+s3+$0x0] =	vst.idx.msk vm0, v3  }
0x8b: {  	v2 =	vld [tilespmem:s16+$0x0];
	_ =	sdelay $0x4  }
0x8c: {  	(xrf1) =	vunique.msk.u32 $0xffff, v2;
	_ =	sdelay $0x9  }
0x8d: {  	v3 =	vshrl.u32 v2, $0xF;
	_ =	sdelay $0x3  }
0x8e: {  	vm8 =	veq.s32 v3, v0;
	_, v3, vm9 =	vpop (xrf1)  }
0x8f: {  	vm0 =	vmand vm8, vm9  }
0x90: {  	v2 =	vand.u32 $0x7FFF, v2;
	_ =	sdelay $0x2  }
0x91: {  	s29 =	sadd.s32 $0x840, s17  }
0x92: {  	v3 =	vor.u32 s29, v1  }
0x93: {  	[tilespmem:v2+s3+$0x0] =	vst.idx.msk vm0, v3  }
0x94: {  	v2 =	vld [tilespmem:s16+$0x10];
	_ =	sdelay $0x4  }
0x95: {  	(xrf1) =	vunique.msk.u32 $0xffff, v2;
	_ =	sdelay $0x9  }
0x96: {  	v3 =	vshrl.u32 v2, $0xF;
	_ =	sdelay $0x3  }
0x97: {  	vm10 =	veq.s32 v3, v0;
	_, v3, vm11 =	vpop (xrf1)  }
0x98: {  	vm0 =	vmand vm10, vm11  }
0x99: {  	v2 =	vand.u32 $0x7FFF, v2;
	_ =	sdelay $0x2  }
0x9a: {  	s30 =	sadd.s32 $0x850, s17  }
0x9b: {  	v3 =	vor.u32 s30, v1  }
0x9c: {  	[tilespmem:v2+s3+$0x0] =	vst.idx.msk vm0, v3  }
0x9d: {  	v2 =	vld [tilespmem:s16+$0x20];
	_ =	sdelay $0x4  }
0x9e: {  	(xrf1) =	vunique.msk.u32 $0xffff, v2;
	_ =	sdelay $0x9  }
0x9f: {  	v3 =	vshrl.u32 v2, $0xF;
	_ =	sdelay $0x3  }
0xa0: {  	vm12 =	veq.s32 v3, v0;
	_, v3, vm13 =	vpop (xrf1)  }
0xa1: {  	vm0 =	vmand vm12, vm13  }
0xa2: {  	v2 =	vand.u32 $0x7FFF, v2;
	_ =	sdelay $0x2  }
0xa3: {  	s31 =	sadd.s32 $0x860, s17  }
0xa4: {  	v3 =	vor.u32 s31, v1  }
0xa5: {  	[tilespmem:v2+s3+$0x0] =	vst.idx.msk vm0, v3  }
0xa6: {  	v2 =	vld [tilespmem:s16+$0x30];
	_ =	sdelay $0x4  }
0xa7: {  	(xrf1) =	vunique.msk.u32 $0xffff, v2;
	_ =	sdelay $0x9  }
0xa8: {  	v3 =	vshrl.u32 v2, $0xF;
	_ =	sdelay $0x3  }
0xa9: {  	vm14 =	veq.s32 v3, v0;
	_, v3, vm15 =	vpop (xrf1)  }
0xaa: {  	vm0 =	vmand vm14, vm15  }
0xab: {  	p0 =	sne.s32 s15, $0x780;
	v2 =	vand.u32 $0x7FFF, v2  }
.Ltmp1:
0xac: {  	_ = 	snop;
	(pc) =	sbr.rel @p0 .LBB2_5-.Ltmp1, $4  }
0xad: {  	_ = 	snop  }
0xae: {  	s17 =	sadd.s32 $0x870, s17  }
0xaf: {  	v3 =	vor.u32 s17, v1  }
0xb0: {  	s15 =	sadd.s32 $0x80, s15;
	s16 =	sadd.s32 $0x80, s16;
	[tilespmem:v2+s3+$0x0] =	vst.idx.msk vm0, v3  }
0xb1: {  	s14 =	sadd.s32 $0x1, s14  }
0xb2: {  	p0 =	sne.s32 s14, $0x8  }
.Ltmp2:
0xb3: {  	_ = 	snop;
	(pc) =	sbr.rel @p0 .LBB2_2-.Ltmp2, $2  }
0xb4: {  	_ =	sdelay $0x2  }
0xb5: {  	s13 =	sadd.s32 $0x1000, s13  }
0xb6: {  	s12 =	sadd.s32 $0x1, s12  }
0xb7: {  	p0 =	sne.s32 s12, s6  }
.Ltmp3:
0xb8: {  	_ = 	snop;
	(pc) =	sbr.rel @p0 .LBB2_1-.Ltmp3, $4  }
0xb9: {  	[hbm4b:s5+s3] =	stream.linear.scatter [tilespmem:s3], [sflag:$0x3], $0x8000, $0x38;
	[tilespmem:$0x9000] =	vst v63  }
0xba: {  	_ =	swait.ge [sflag:s7], $0x8000  }
0xbb: {  	[sflag:s7] =	ssyncset.done $0x0  }
0xbc: {  	[sflag:s7] =	ssyncadd.s32 $0xFFFF8000  }
0xbd: {  	_ =	sfence.sel $0x180000  }
0xbe: {  	[bflag:$0x0] =	sbarrier.arrive $0xFFFF  }
0xbf: {  	p0 =	sne.s32 s1, $0x0;
	_ =	strace $0x90000047  }
0xc0: {  	s0 =	sadd.s32 @!p0 $0x100000, s0;
	[bflag:$0x2] =	sbarrier.arrive $0xFFFF  }
0xc1: {  	[sflag:s0] =	ssyncadd.tile.s32 @!p0 $0x1;
	_ =	shalt  }
.Lfunc_end2:
_tile_overlayer_lowered:
.L_overlay_start_2:
0xc2: {  	(tag) =	ssettag $0x2  }
0xc3: {  	s0 =	rddreg [dreg:$0x0];
	s2 =	stileid.u32  }
0xc4: {  	s1 =	rddreg [dreg:$0x1];
	p0 =	sne.s32 s2, $0x0  }
0xc5: {  	s3 =	rddreg [dreg:$0x2];
	[bflag:$0x3] =	sbarrier.arrive $0xFFFF;
	s2 =	simm.s32 @!p0 $0x1C03  }
0xc6: {  	[timem:s3], [sflag:s2] =	dma.local @!p0 [hbm:s0], s1  }
0xc7: {  	s0 =	simm.s32 @!p0 $0x3  }
0xc8: {  	_ =	swait.ge @!p0 [sflag:s0], s1  }
0xc9: {  	s1 =	ssub.s32 @!p0 $0x0, s1;
	[sflag:s0] =	ssyncset.done @!p0 $0x0  }
0xca: {  	[sflag:s0] =	ssyncadd.s32 @!p0 s1  }
0xcb: {  	[bflag:$0x3] =	sbarrier.arrive $0xFFFF  }
0xcc: {  	_ =	shalt  }

</sc_bundles>
